<compile_context>
chip_gen: v7x
topology: tpu7x:2x2x1
jax: 0.10.2.dev20260603
libtpu: 0.0.44.dev20260713+nightly
codegen_flags: <defaults>
</compile_context>

<pallas_src>
import functools

import jax
import jax.numpy as jnp
from jax import lax
from jax.experimental import pallas as pl
from jax.experimental.pallas import tpu as pltpu
from jax.experimental.pallas import tpu_sc as plsc

N = 10000
E = 320000
D = 128
DOUT = 40
NC, NS, LANES = 2, 16, 16
HALF = 5120
NJ = 128
NACC = HALF + NJ
EPT = E // NS
K = 128
EPTP = 20096
NCH = EPTP // K
RPA = NACC // NS
RPC = HALF // NS
NPAD = NC * HALF

_MESH = plsc.VectorSubcoreMesh(core_axis_name="c", subcore_axis_name="s")

_SC_SCRATCH = [
    pltpu.VMEM((NCH, K), jnp.int32),
    pltpu.VMEM((NCH, K), jnp.int32),
    pltpu.VMEM((K, D), jnp.float32),
    pltpu.VMEM((K, D), jnp.float32),
    pltpu.VMEM((K, D), jnp.float32),
    pltpu.VMEM_SHARED((NACC, D), jnp.float32),
    pltpu.SemaphoreType.DMA,
    pltpu.SemaphoreType.DMA,
]


def _fill_rows(buf, value):
    @pl.loop(0, K)
    def _(r):
        for c in range(0, D, LANES):
            buf[r, pl.ds(c, LANES)] = jnp.full((LANES,), value, jnp.float32)


def _zero_acc(zbuf, acc_sh, sid):
    rbase = sid * RPA
    @pl.loop(0, RPA // K)
    def _(j):
        pltpu.sync_copy(zbuf, acc_sh.at[pl.ds(rbase + j * K, K)])
    pltpu.sync_copy(zbuf.at[pl.ds(0, RPA % K)],
                    acc_sh.at[pl.ds(rbase + (RPA // K) * K, RPA % K)])


def _pad_idx(a, pad_vals):
    pad = jnp.tile(pad_vals[None, :], (NS, 1)).astype(jnp.int32)
    return jnp.concatenate([a, pad], axis=1).reshape(NS, NCH, K)


def _copyout(acc_sh, out_hbm, cid, sid):
    pltpu.sync_copy(acc_sh.at[pl.ds(sid * RPC, RPC)],
                    out_hbm.at[pl.ds(cid * HALF + sid * RPC, RPC)])


@functools.partial(
    pl.kernel,
    out_type=jax.ShapeDtypeStruct((NPAD, D), jnp.float32),
    mesh=_MESH,
    scratch_types=_SC_SCRATCH,
)
def _sc_agg(g_hbm, row_hbm, col_hbm, out_hbm, ridx, cidx, buf0, buf1,
            zbuf, acc_sh, sem0, sem1):
    cid = lax.axis_index("c")
    sid = lax.axis_index("s")

    def gather(c, buf, sem):
        return pltpu.make_async_copy(g_hbm.at[ridx.at[c]], buf, sem)

    pltpu.sync_copy(row_hbm.at[sid], ridx)
    pltpu.sync_copy(col_hbm.at[cid].at[sid], cidx)
    _fill_rows(zbuf, 0.0)
    _zero_acc(zbuf, acc_sh, sid)
    plsc.subcore_barrier()

    @pl.loop(0, NCH)
    def _(i):
        pltpu.async_copy(g_hbm.at[ridx.at[i]], buf0, sem0).wait()
        pltpu.sync_copy(buf0, acc_sh.at[cidx.at[i]], add=True)

    plsc.subcore_barrier()
    _copyout(acc_sh, out_hbm, cid, sid)


@functools.partial(
    pl.kernel,
    out_type=jax.ShapeDtypeStruct((NPAD, D), jnp.float32),
    mesh=_MESH,
    scratch_types=_SC_SCRATCH,
)
def _sc_deg(row_hbm, col_hbm, out_hbm, ridx, cidx, buf, buf1, zbuf,
            acc_sh, sem0, sem1):
    cid = lax.axis_index("c")
    sid = lax.axis_index("s")

    pltpu.sync_copy(col_hbm.at[cid].at[sid], cidx)
    _fill_rows(buf, 1.0)
    _fill_rows(zbuf, 0.0)
    _zero_acc(zbuf, acc_sh, sid)
    plsc.subcore_barrier()

    @pl.loop(0, NCH)
    def _(i):
        pltpu.sync_copy(buf, acc_sh.at[cidx.at[i]], add=True)

    plsc.subcore_barrier()
    _copyout(acc_sh, out_hbm, cid, sid)


BM = 1000
EROWS = E // D


def _clamp_body(row_ref, col_ref, ro_ref, co_ref):
    row = row_ref[...]
    col = col_ref[...]
    junk = HALF + (col & (NJ - 1))
    for c in range(NC):
        lcl = col - c * HALF
        ok = (lcl >= 0) & (lcl < HALF)
        ro_ref[c] = row
        co_ref[c] = jnp.where(ok, lcl, junk)


def _tc_clamp(row2d, col2d):
    return pl.pallas_call(
        _clamp_body,
        grid=(1,),
        in_specs=[pl.BlockSpec((EROWS, D), lambda i: (0, 0)),
                  pl.BlockSpec((EROWS, D), lambda i: (0, 0))],
        out_specs=[pl.BlockSpec((NC, EROWS, D), lambda i: (0, 0, 0)),
                   pl.BlockSpec((NC, EROWS, D), lambda i: (0, 0, 0))],
        out_shape=[jax.ShapeDtypeStruct((NC, EROWS, D), jnp.int32),
                   jax.ShapeDtypeStruct((NC, EROWS, D), jnp.int32)],
    )(row2d, col2d)


def _mm_body(x_ref, w_ref, o_ref):
    o_ref[...] = jnp.dot(x_ref[...], w_ref[...],
                         preferred_element_type=jnp.float32)


def _tc_mm(x, W):
    return pl.pallas_call(
        _mm_body,
        grid=(N // BM,),
        in_specs=[pl.BlockSpec((BM, D), lambda i: (i, 0)),
                  pl.BlockSpec((D, D), lambda i: (0, 0))],
        out_specs=pl.BlockSpec((BM, D), lambda i: (i, 0)),
        out_shape=jax.ShapeDtypeStruct((N, D), jnp.float32),
    )(x, W)


def _prep_body(degc_ref, h_ref, dinv_ref, g_ref):
    deg = degc_ref[:, 0:1] + 1.0
    dinv = lax.rsqrt(deg)
    dinv_ref[...] = dinv
    g_ref[...] = dinv * h_ref[...]


def _tc_prep(degc, H1):
    return pl.pallas_call(
        _prep_body,
        grid=(N // BM,),
        in_specs=[pl.BlockSpec((BM, D), lambda i: (i, 0)),
                  pl.BlockSpec((BM, D), lambda i: (i, 0))],
        out_specs=[pl.BlockSpec((BM, 1), lambda i: (i, 0)),
                   pl.BlockSpec((BM, D), lambda i: (i, 0))],
        out_shape=[jax.ShapeDtypeStruct((N, 1), jnp.float32),
                   jax.ShapeDtypeStruct((N, D), jnp.float32)],
    )(degc, H1)


def _mid_mm_body(s_ref, g_ref, dinv_ref, b_ref, w_ref, o_ref):
    dinv = dinv_ref[...]
    t = jnp.maximum(dinv * (s_ref[...] + g_ref[...]) + b_ref[...], 0.0)
    o_ref[...] = dinv * jnp.dot(t, w_ref[...],
                                preferred_element_type=jnp.float32)


def _mid_nomm_body(s_ref, g_ref, dinv_ref, b_ref, o_ref):
    dinv = dinv_ref[...]
    t = jnp.maximum(dinv * (s_ref[...] + g_ref[...]) + b_ref[...], 0.0)
    o_ref[...] = dinv * t


def _tc_mid(S, g, dinv, b, W=None):
    specs = [pl.BlockSpec((BM, D), lambda i: (i, 0)),
             pl.BlockSpec((BM, D), lambda i: (i, 0)),
             pl.BlockSpec((BM, 1), lambda i: (i, 0)),
             pl.BlockSpec((1, D), lambda i: (0, 0))]
    args = [S, g, dinv, b.reshape(1, D)]
    if W is not None:
        specs.append(pl.BlockSpec((D, D), lambda i: (0, 0)))
        args.append(W)
    return pl.pallas_call(
        _mid_mm_body if W is not None else _mid_nomm_body,
        grid=(N // BM,),
        in_specs=specs,
        out_specs=pl.BlockSpec((BM, D), lambda i: (i, 0)),
        out_shape=jax.ShapeDtypeStruct((N, D), jnp.float32),
    )(*args)


def _fin_body(s_ref, g_ref, dinv_ref, w_ref, b_ref, o_ref):
    pre = dinv_ref[...] * (s_ref[...] + g_ref[...])
    o_ref[...] = (jnp.dot(pre, w_ref[...], preferred_element_type=jnp.float32)
                  + b_ref[...])


def _tc_fin(S3, g3, dinv, W3, b3):
    return pl.pallas_call(
        _fin_body,
        grid=(N // BM,),
        in_specs=[pl.BlockSpec((BM, D), lambda i: (i, 0)),
                  pl.BlockSpec((BM, D), lambda i: (i, 0)),
                  pl.BlockSpec((BM, 1), lambda i: (i, 0)),
                  pl.BlockSpec((D, DOUT), lambda i: (0, 0)),
                  pl.BlockSpec((1, DOUT), lambda i: (0, 0))],
        out_specs=pl.BlockSpec((BM, DOUT), lambda i: (i, 0)),
        out_shape=jax.ShapeDtypeStruct((N, DOUT), jnp.float32),
    )(S3, g3, dinv, W3, b3.reshape(1, DOUT))


def kernel(x, edge_index, W1, b1, W2, b2, W3, b3):
    row = edge_index[0].astype(jnp.int32)
    col = edge_index[1].astype(jnp.int32)
    rowc, colc = _tc_clamp(row.reshape(EROWS, D), col.reshape(EROWS, D))
    npad_e = EPTP - EPT
    rowt = _pad_idx(row.reshape(NS, EPT), jnp.arange(npad_e))
    junkpad = HALF + (jnp.arange(npad_e) % NJ)
    colc = jnp.stack([_pad_idx(colc[c].reshape(NS, EPT), junkpad)
                      for c in range(NC)])

    degf = _sc_deg(rowt, colc)
    H1 = _tc_mm(x, W1)
    dinv, g1 = _tc_prep(degf[:N], H1)
    S1 = _sc_agg(g1, rowt, colc)
    g2 = _tc_mid(S1[:N], g1, dinv, b1, W2)
    S2 = _sc_agg(g2, rowt, colc)
    g3 = _tc_mid(S2[:N], g2, dinv, b2)
    S3 = _sc_agg(g3, rowt, colc)
    return _tc_fin(S3[:N], g3, dinv, W3, b3)

# --- scband reference (transcript-rebuilt; emitter-appended) ---
"""Pipeline reference for scband-node-gcn-39350490365953 (READ-ONLY COPY).

The authoritative reference and input builder live on the scoring server;
editing this copy changes nothing except your own understanding.
"""

import jax, jax.numpy as jnp
import numpy as np

N_NODES = 10000
N_EDGES = 320000
D_IN = 128
D_HID = 128
D_OUT = 40


def setup_inputs(seed: int = 0) -> dict:
    key = jax.random.key(seed)
    ks = jax.random.split(key, 8)
    x = jax.random.normal(ks[0], (N_NODES, D_IN), dtype=jnp.float32)
    edge_index = jax.random.randint(ks[1], (2, N_EDGES), 0, N_NODES, dtype=jnp.int64)
    # Glorot-style init for GCNConv linear weights, zero bias (PyG default)
    def glorot(k, fan_in, fan_out):
        limit = jnp.sqrt(6.0 / (fan_in + fan_out))
        return jax.random.uniform(k, (fan_in, fan_out), dtype=jnp.float32, minval=-limit, maxval=limit)
    W1 = glorot(ks[2], D_IN, D_HID)
    b1 = jnp.zeros((D_HID,), dtype=jnp.float32)
    W2 = glorot(ks[3], D_HID, D_HID)
    b2 = jnp.zeros((D_HID,), dtype=jnp.float32)
    W3 = glorot(ks[4], D_HID, D_OUT)
    b3 = jnp.zeros((D_OUT,), dtype=jnp.float32)
    return {"x": x, "edge_index": edge_index, "W1": W1, "b1": b1, "W2": W2, "b2": b2, "W3": W3, "b3": b3}


def _gcn_conv(x, row, col, dinv_sqrt, W, b):
    # x' = D^{-1/2} (A + I) D^{-1/2} X W + b
    h = x @ W
    norm = dinv_sqrt[row] * dinv_sqrt[col]
    msg = h[row] * norm[:, None]
    out = jax.ops.segment_sum(msg, col, num_segments=x.shape[0])
    return out + b


def reference(x, edge_index, W1, b1, W2, b2, W3, b3):
    n = x.shape[0]
    # add self-loops (PyG GCNConv default add_self_loops=True)
    loops = jnp.arange(n, dtype=edge_index.dtype)
    row = jnp.concatenate([edge_index[0], loops])
    col = jnp.concatenate([edge_index[1], loops])
    deg = jnp.zeros((n,), dtype=x.dtype).at[col].add(1.0)
    dinv_sqrt = jnp.where(deg > 0, 1.0 / jnp.sqrt(deg), 0.0)
    h = _gcn_conv(x, row, col, dinv_sqrt, W1, b1)
    h = jax.nn.relu(h)
    h = _gcn_conv(h, row, col, dinv_sqrt, W2, b2)
    h = jax.nn.relu(h)
    out = _gcn_conv(h, row, col, dinv_sqrt, W3, b3)
    return out

if __name__ == "__main__":
    import jax
    _d = setup_inputs()
    print(jax.jit(kernel)(*tuple(_d.values())))

</pallas_src>

<mosaic_0001>
#map = affine_map<(d0, d1) -> (0, 0)>
#map1 = affine_map<(d0, d1) -> (0, 0, 0)>
#map2 = affine_map<(d0, d1) -> (0, 0, 0, 0)>
module attributes {stable_mosaic.version = 14 : i64} {
  func.func @_sc_agg(%arg0: i32, %arg1: i32, %arg2: memref<10000x128xf32, #tpu.memory_space<hbm>>, %arg3: memref<16x157x128xi32, #tpu.memory_space<hbm>>, %arg4: memref<2x16x157x128xi32, #tpu.memory_space<hbm>>, %arg5: memref<10240x128xf32, #tpu.memory_space<hbm>>, %arg6: memref<157x128xi32, #tpu.memory_space<vmem>>, %arg7: memref<157x128xi32, #tpu.memory_space<vmem>>, %arg8: memref<128x128xf32, #tpu.memory_space<vmem>>, %arg9: memref<128x128xf32, #tpu.memory_space<vmem>>, %arg10: memref<128x128xf32, #tpu.memory_space<vmem>>, %arg11: memref<5248x128xf32, #tpu.memory_space<vmem_shared>>, %arg12: memref<!tpu.dma_semaphore, #tpu.memory_space<semaphore_mem>>, %arg13: memref<!tpu.dma_semaphore, #tpu.memory_space<semaphore_mem>>) attributes {dimension_semantics = [#tpu.dimension_semantics<core_parallel>, #tpu.dimension_semantics<subcore_parallel>], iteration_bounds = array<i64: 2, 16>, scalar_prefetch = 0 : i64, scratch_operands = 8 : i64, tpu.core_type = #tpu.core_type<sc_vector_subcore>, window_params = [{transform_indices = #map}, {transform_indices = #map1}, {transform_indices = #map2}, {transform_indices = #map}]} {
    "tpu.region"() ({
      %run_scoped3A = tpu.sem_alloc : memref<!tpu.dma_semaphore, #tpu.memory_space<semaphore_mem>>
      %dma_start3A = arith.constant 0 : i32
      %dma_start3A_24 = arith.constant 0 : i32
      %dma_start3A_25 = tpu.memref_slice %arg3[%arg1, %dma_start3A, %dma_start3A_24] : memref<16x157x128xi32, #tpu.memory_space<hbm>> -> memref<1x157x128xi32, #tpu.memory_space<hbm>>
      %dma_start3A_26 = tpu.memref_squeeze %dma_start3A_25 : memref<1x157x128xi32, #tpu.memory_space<hbm>> -> memref<157x128xi32, #tpu.memory_space<hbm>>
      %dma_start3A_27 = arith.constant 0 : i32
      %dma_start3A_28 = arith.constant 0 : i32
      %dma_start3A_29 = tpu.memref_slice %arg3[%arg1, %dma_start3A_27, %dma_start3A_28] : memref<16x157x128xi32, #tpu.memory_space<hbm>> -> memref<1x157x128xi32, #tpu.memory_space<hbm>>
      %dma_start3A_30 = tpu.memref_squeeze %dma_start3A_29 : memref<1x157x128xi32, #tpu.memory_space<hbm>> -> memref<157x128xi32, #tpu.memory_space<hbm>>
      tpu.enqueue_dma source(%dma_start3A_30 : memref<157x128xi32, #tpu.memory_space<hbm>>) target(%arg6 : memref<157x128xi32, #tpu.memory_space<vmem>>) target_semaphore(%run_scoped3A : memref<!tpu.dma_semaphore, #tpu.memory_space<semaphore_mem>>)
      %dma_wait3A = arith.constant 0 : i32
      %dma_wait3A_31 = arith.constant 0 : i32
      %dma_wait3A_32 = tpu.memref_slice %arg3[%arg1, %dma_wait3A, %dma_wait3A_31] : memref<16x157x128xi32, #tpu.memory_space<hbm>> -> memref<1x157x128xi32, #tpu.memory_space<hbm>>
      %dma_wait3A_33 = tpu.memref_squeeze %dma_wait3A_32 : memref<1x157x128xi32, #tpu.memory_space<hbm>> -> memref<157x128xi32, #tpu.memory_space<hbm>>
      %dma_wait3A_34 = arith.constant 0 : i32
      %dma_wait3A_35 = arith.constant 0 : i32
      %dma_wait3A_36 = tpu.memref_slice %arg3[%arg1, %dma_wait3A_34, %dma_wait3A_35] : memref<16x157x128xi32, #tpu.memory_space<hbm>> -> memref<1x157x128xi32, #tpu.memory_space<hbm>>
      %dma_wait3A_37 = tpu.memref_squeeze %dma_wait3A_36 : memref<1x157x128xi32, #tpu.memory_space<hbm>> -> memref<157x128xi32, #tpu.memory_space<hbm>>
      tpu.wait_dma2 semaphore(%run_scoped3A : memref<!tpu.dma_semaphore, #tpu.memory_space<semaphore_mem>>) src(%dma_wait3A_37 : memref<157x128xi32, #tpu.memory_space<hbm>>) dst(%arg6 : memref<157x128xi32, #tpu.memory_space<vmem>>)
      tpu.yield
    }) : () -> ()
    "tpu.region"() ({
      %run_scoped3A = tpu.sem_alloc : memref<!tpu.dma_semaphore, #tpu.memory_space<semaphore_mem>>
      %dma_start3A = arith.constant 0 : i32
      %dma_start3A_24 = arith.constant 0 : i32
      %dma_start3A_25 = arith.constant 0 : i32
      %dma_start3A_26 = tpu.memref_slice %arg4[%arg0, %dma_start3A, %dma_start3A_24, %dma_start3A_25] : memref<2x16x157x128xi32, #tpu.memory_space<hbm>> -> memref<1x16x157x128xi32, #tpu.memory_space<hbm>>
      %dma_start3A_27 = tpu.memref_squeeze %dma_start3A_26 : memref<1x16x157x128xi32, #tpu.memory_space<hbm>> -> memref<16x157x128xi32, #tpu.memory_space<hbm>>
      %dma_start3A_28 = arith.constant 0 : i32
      %dma_start3A_29 = arith.constant 0 : i32
      %dma_start3A_30 = tpu.memref_slice %dma_start3A_27[%arg1, %dma_start3A_28, %dma_start3A_29] : memref<16x157x128xi32, #tpu.memory_space<hbm>> -> memref<1x157x128xi32, #tpu.memory_space<hbm>>
      %dma_start3A_31 = tpu.memref_squeeze %dma_start3A_30 : memref<1x157x128xi32, #tpu.memory_space<hbm>> -> memref<157x128xi32, #tpu.memory_space<hbm>>
      %dma_start3A_32 = arith.constant 0 : i32
      %dma_start3A_33 = arith.constant 0 : i32
      %dma_start3A_34 = arith.constant 0 : i32
      %dma_start3A_35 = tpu.memref_slice %arg4[%arg0, %dma_start3A_32, %dma_start3A_33, %dma_start3A_34] : memref<2x16x157x128xi32, #tpu.memory_space<hbm>> -> memref<1x16x157x128xi32, #tpu.memory_space<hbm>>
      %dma_start3A_36 = tpu.memref_squeeze %dma_start3A_35 : memref<1x16x157x128xi32, #tpu.memory_space<hbm>> -> memref<16x157x128xi32, #tpu.memory_space<hbm>>
      %dma_start3A_37 = arith.constant 0 : i32
      %dma_start3A_38 = arith.constant 0 : i32
      %dma_start3A_39 = tpu.memref_slice %dma_start3A_36[%arg1, %dma_start3A_37, %dma_start3A_38] : memref<16x157x128xi32, #tpu.memory_space<hbm>> -> memref<1x157x128xi32, #tpu.memory_space<hbm>>
      %dma_start3A_40 = tpu.memref_squeeze %dma_start3A_39 : memref<1x157x128xi32, #tpu.memory_space<hbm>> -> memref<157x128xi32, #tpu.memory_space<hbm>>
      tpu.enqueue_dma source(%dma_start3A_40 : memref<157x128xi32, #tpu.memory_space<hbm>>) target(%arg7 : memref<157x128xi32, #tpu.memory_space<vmem>>) target_semaphore(%run_scoped3A : memref<!tpu.dma_semaphore, #tpu.memory_space<semaphore_mem>>)
      %dma_wait3A = arith.constant 0 : i32
      %dma_wait3A_41 = arith.constant 0 : i32
      %dma_wait3A_42 = arith.constant 0 : i32
      %dma_wait3A_43 = tpu.memref_slice %arg4[%arg0, %dma_wait3A, %dma_wait3A_41, %dma_wait3A_42] : memref<2x16x157x128xi32, #tpu.memory_space<hbm>> -> memref<1x16x157x128xi32, #tpu.memory_space<hbm>>
      %dma_wait3A_44 = tpu.memref_squeeze %dma_wait3A_43 : memref<1x16x157x128xi32, #tpu.memory_space<hbm>> -> memref<16x157x128xi32, #tpu.memory_space<hbm>>
      %dma_wait3A_45 = arith.constant 0 : i32
      %dma_wait3A_46 = arith.constant 0 : i32
      %dma_wait3A_47 = tpu.memref_slice %dma_wait3A_44[%arg1, %dma_wait3A_45, %dma_wait3A_46] : memref<16x157x128xi32, #tpu.memory_space<hbm>> -> memref<1x157x128xi32, #tpu.memory_space<hbm>>
      %dma_wait3A_48 = tpu.memref_squeeze %dma_wait3A_47 : memref<1x157x128xi32, #tpu.memory_space<hbm>> -> memref<157x128xi32, #tpu.memory_space<hbm>>
      %dma_wait3A_49 = arith.constant 0 : i32
      %dma_wait3A_50 = arith.constant 0 : i32
      %dma_wait3A_51 = arith.constant 0 : i32
      %dma_wait3A_52 = tpu.memref_slice %arg4[%arg0, %dma_wait3A_49, %dma_wait3A_50, %dma_wait3A_51] : memref<2x16x157x128xi32, #tpu.memory_space<hbm>> -> memref<1x16x157x128xi32, #tpu.memory_space<hbm>>
      %dma_wait3A_53 = tpu.memref_squeeze %dma_wait3A_52 : memref<1x16x157x128xi32, #tpu.memory_space<hbm>> -> memref<16x157x128xi32, #tpu.memory_space<hbm>>
      %dma_wait3A_54 = arith.constant 0 : i32
      %dma_wait3A_55 = arith.constant 0 : i32
      %dma_wait3A_56 = tpu.memref_slice %dma_wait3A_53[%arg1, %dma_wait3A_54, %dma_wait3A_55] : memref<16x157x128xi32, #tpu.memory_space<hbm>> -> memref<1x157x128xi32, #tpu.memory_space<hbm>>
      %dma_wait3A_57 = tpu.memref_squeeze %dma_wait3A_56 : memref<1x157x128xi32, #tpu.memory_space<hbm>> -> memref<157x128xi32, #tpu.memory_space<hbm>>
      tpu.wait_dma2 semaphore(%run_scoped3A : memref<!tpu.dma_semaphore, #tpu.memory_space<semaphore_mem>>) src(%dma_wait3A_57 : memref<157x128xi32, #tpu.memory_space<hbm>>) dst(%arg7 : memref<157x128xi32, #tpu.memory_space<vmem>>)
      tpu.yield
    }) : () -> ()
    %scan3A = arith.constant 0 : i32
    %scan3A_0 = arith.constant 128 : i32
    %scan3A_1 = arith.addi %scan3A, %scan3A_0 : i32
    %scan3A_2 = arith.constant 1 : i32
    scf.for %scan3A_24 = %scan3A to %scan3A_1 step %scan3A_2  : i32 {
      %mul3A_25 = arith.constant 1 : i32
      %mul3A_26 = arith.muli %scan3A_24, %mul3A_25 : i32
      %add3A_27 = arith.constant 0 : i32
      %add3A_28 = arith.addi %add3A_27, %mul3A_26 : i32
      %broadcast_in_dim3A = arith.constant 0.000000e+00 : f32
      %broadcast_in_dim3A_29 = vector.broadcast %broadcast_in_dim3A : f32 to vector<16xf32>
      %swap3A = arith.index_cast %add3A_28 : i32 to index
      %swap3A_30 = arith.constant 0 : index
      %swap3A_31 = tpu.vector_load %arg10[%swap3A, %swap3A_30] {strides = array<i32>} : memref<128x128xf32, #tpu.memory_space<vmem>>, vector<1x16xf32>,
      %swap3A_32 = vector.shape_cast %swap3A_31 : vector<1x16xf32> to vector<16xf32>
      %swap3A_33 = vector.shape_cast %broadcast_in_dim3A_29 : vector<16xf32> to vector<1x16xf32>
      tpu.vector_store %arg10[%swap3A, %swap3A_30], %swap3A_33 {strides = array<i32>} : memref<128x128xf32, #tpu.memory_space<vmem>>, vector<1x16xf32>,
      %broadcast_in_dim3A_34 = arith.constant 0.000000e+00 : f32
      %broadcast_in_dim3A_35 = vector.broadcast %broadcast_in_dim3A_34 : f32 to vector<16xf32>
      %swap3A_36 = arith.index_cast %add3A_28 : i32 to index
      %swap3A_37 = arith.constant 16 : index
      %swap3A_38 = tpu.vector_load %arg10[%swap3A_36, %swap3A_37] {strides = array<i32>} : memref<128x128xf32, #tpu.memory_space<vmem>>, vector<1x16xf32>,
      %swap3A_39 = vector.shape_cast %swap3A_38 : vector<1x16xf32> to vector<16xf32>
      %swap3A_40 = vector.shape_cast %broadcast_in_dim3A_35 : vector<16xf32> to vector<1x16xf32>
      tpu.vector_store %arg10[%swap3A_36, %swap3A_37], %swap3A_40 {strides = array<i32>} : memref<128x128xf32, #tpu.memory_space<vmem>>, vector<1x16xf32>,
      %broadcast_in_dim3A_41 = arith.constant 0.000000e+00 : f32
      %broadcast_in_dim3A_42 = vector.broadcast %broadcast_in_dim3A_41 : f32 to vector<16xf32>
      %swap3A_43 = arith.index_cast %add3A_28 : i32 to index
      %swap3A_44 = arith.constant 32 : index
      %swap3A_45 = tpu.vector_load %arg10[%swap3A_43, %swap3A_44] {strides = array<i32>} : memref<128x128xf32, #tpu.memory_space<vmem>>, vector<1x16xf32>,
      %swap3A_46 = vector.shape_cast %swap3A_45 : vector<1x16xf32> to vector<16xf32>
      %swap3A_47 = vector.shape_cast %broadcast_in_dim3A_42 : vector<16xf32> to vector<1x16xf32>
      tpu.vector_store %arg10[%swap3A_43, %swap3A_44], %swap3A_47 {strides = array<i32>} : memref<128x128xf32, #tpu.memory_space<vmem>>, vector<1x16xf32>,
      %broadcast_in_dim3A_48 = arith.constant 0.000000e+00 : f32
      %broadcast_in_dim3A_49 = vector.broadcast %broadcast_in_dim3A_48 : f32 to vector<16xf32>
      %swap3A_50 = arith.index_cast %add3A_28 : i32 to index
      %swap3A_51 = arith.constant 48 : index
      %swap3A_52 = tpu.vector_load %arg10[%swap3A_50, %swap3A_51] {strides = array<i32>} : memref<128x128xf32, #tpu.memory_space<vmem>>, vector<1x16xf32>,
      %swap3A_53 = vector.shape_cast %swap3A_52 : vector<1x16xf32> to vector<16xf32>
      %swap3A_54 = vector.shape_cast %broadcast_in_dim3A_49 : vector<16xf32> to vector<1x16xf32>
      tpu.vector_store %arg10[%swap3A_50, %swap3A_51], %swap3A_54 {strides = array<i32>} : memref<128x128xf32, #tpu.memory_space<vmem>>, vector<1x16xf32>,
      %broadcast_in_dim3A_55 = arith.constant 0.000000e+00 : f32
      %broadcast_in_dim3A_56 = vector.broadcast %broadcast_in_dim3A_55 : f32 to vector<16xf32>
      %swap3A_57 = arith.index_cast %add3A_28 : i32 to index
      %swap3A_58 = arith.constant 64 : index
      %swap3A_59 = tpu.vector_load %arg10[%swap3A_57, %swap3A_58] {strides = array<i32>} : memref<128x128xf32, #tpu.memory_space<vmem>>, vector<1x16xf32>,
      %swap3A_60 = vector.shape_cast %swap3A_59 : vector<1x16xf32> to vector<16xf32>
      %swap3A_61 = vector.shape_cast %broadcast_in_dim3A_56 : vector<16xf32> to vector<1x16xf32>
      tpu.vector_store %arg10[%swap3A_57, %swap3A_58], %swap3A_61 {strides = array<i32>} : memref<128x128xf32, #tpu.memory_space<vmem>>, vector<1x16xf32>,
      %broadcast_in_dim3A_62 = arith.constant 0.000000e+00 : f32
      %broadcast_in_dim3A_63 = vector.broadcast %broadcast_in_dim3A_62 : f32 to vector<16xf32>
      %swap3A_64 = arith.index_cast %add3A_28 : i32 to index
      %swap3A_65 = arith.constant 80 : index
      %swap3A_66 = tpu.vector_load %arg10[%swap3A_64, %swap3A_65] {strides = array<i32>} : memref<128x128xf32, #tpu.memory_space<vmem>>, vector<1x16xf32>,
      %swap3A_67 = vector.shape_cast %swap3A_66 : vector<1x16xf32> to vector<16xf32>
      %swap3A_68 = vector.shape_cast %broadcast_in_dim3A_63 : vector<16xf32> to vector<1x16xf32>
      tpu.vector_store %arg10[%swap3A_64, %swap3A_65], %swap3A_68 {strides = array<i32>} : memref<128x128xf32, #tpu.memory_space<vmem>>, vector<1x16xf32>,
      %broadcast_in_dim3A_69 = arith.constant 0.000000e+00 : f32
      %broadcast_in_dim3A_70 = vector.broadcast %broadcast_in_dim3A_69 : f32 to vector<16xf32>
      %swap3A_71 = arith.index_cast %add3A_28 : i32 to index
      %swap3A_72 = arith.constant 96 : index
      %swap3A_73 = tpu.vector_load %arg10[%swap3A_71, %swap3A_72] {strides = array<i32>} : memref<128x128xf32, #tpu.memory_space<vmem>>, vector<1x16xf32>,
      %swap3A_74 = vector.shape_cast %swap3A_73 : vector<1x16xf32> to vector<16xf32>
      %swap3A_75 = vector.shape_cast %broadcast_in_dim3A_70 : vector<16xf32> to vector<1x16xf32>
      tpu.vector_store %arg10[%swap3A_71, %swap3A_72], %swap3A_75 {strides = array<i32>} : memref<128x128xf32, #tpu.memory_space<vmem>>, vector<1x16xf32>,
      %broadcast_in_dim3A_76 = arith.constant 0.000000e+00 : f32
      %broadcast_in_dim3A_77 = vector.broadcast %broadcast_in_dim3A_76 : f32 to vector<16xf32>
      %swap3A_78 = arith.index_cast %add3A_28 : i32 to index
      %swap3A_79 = arith.constant 112 : index
      %swap3A_80 = tpu.vector_load %arg10[%swap3A_78, %swap3A_79] {strides = array<i32>} : memref<128x128xf32, #tpu.memory_space<vmem>>, vector<1x16xf32>,
      %swap3A_81 = vector.shape_cast %swap3A_80 : vector<1x16xf32> to vector<16xf32>
      %swap3A_82 = vector.shape_cast %broadcast_in_dim3A_77 : vector<16xf32> to vector<1x16xf32>
      tpu.vector_store %arg10[%swap3A_78, %swap3A_79], %swap3A_82 {strides = array<i32>} : memref<128x128xf32, #tpu.memory_space<vmem>>, vector<1x16xf32>,
    }
    %scan3A_3 = arith.constant 128 : i32
    %mul3A = arith.constant 328 : i32
    %mul3A_4 = arith.muli %arg1, %mul3A : i32
    %scan3A_5 = arith.constant 0 : i32
    %scan3A_6 = arith.constant 2 : i32
    %scan3A_7 = arith.addi %scan3A_5, %scan3A_6 : i32
    %scan3A_8 = arith.constant 1 : i32
    scf.for %scan3A_24 = %scan3A_5 to %scan3A_7 step %scan3A_8  : i32 {
      %mul3A_25 = arith.constant 1 : i32
      %mul3A_26 = arith.muli %scan3A_24, %mul3A_25 : i32
      %add3A_27 = arith.constant 0 : i32
      %add3A_28 = arith.addi %add3A_27, %mul3A_26 : i32
      %mul3A_29 = arith.constant 128 : i32
      %mul3A_30 = arith.muli %add3A_28, %mul3A_29 : i32
      %add3A_31 = arith.addi %mul3A_4, %mul3A_30 : i32
      "tpu.region"() ({
        %run_scoped3A = tpu.sem_alloc : memref<!tpu.dma_semaphore, #tpu.memory_space<semaphore_mem>>
        %dma_start3A = arith.constant 0 : i32
        %dma_start3A_32 = tpu.memref_slice %arg11[%add3A_31, %dma_start3A] : memref<5248x128xf32, #tpu.memory_space<vmem_shared>> -> memref<128x128xf32, #tpu.memory_space<vmem_shared>>
        %dma_start3A_33 = arith.constant 0 : i32
        %dma_start3A_34 = tpu.memref_slice %arg11[%add3A_31, %dma_start3A_33] : memref<5248x128xf32, #tpu.memory_space<vmem_shared>> -> memref<128x128xf32, #tpu.memory_space<vmem_shared>>
        tpu.enqueue_dma source(%arg10 : memref<128x128xf32, #tpu.memory_space<vmem>>) target(%dma_start3A_34 : memref<128x128xf32, #tpu.memory_space<vmem_shared>>) target_semaphore(%run_scoped3A : memref<!tpu.dma_semaphore, #tpu.memory_space<semaphore_mem>>)
        %dma_wait3A = arith.constant 0 : i32
        %dma_wait3A_35 = tpu.memref_slice %arg11[%add3A_31, %dma_wait3A] : memref<5248x128xf32, #tpu.memory_space<vmem_shared>> -> memref<128x128xf32, #tpu.memory_space<vmem_shared>>
        %dma_wait3A_36 = arith.constant 0 : i32
        %dma_wait3A_37 = tpu.memref_slice %arg11[%add3A_31, %dma_wait3A_36] : memref<5248x128xf32, #tpu.memory_space<vmem_shared>> -> memref<128x128xf32, #tpu.memory_space<vmem_shared>>
        tpu.wait_dma2 semaphore(%run_scoped3A : memref<!tpu.dma_semaphore, #tpu.memory_space<semaphore_mem>>) src(%arg10 : memref<128x128xf32, #tpu.memory_space<vmem>>) dst(%dma_wait3A_37 : memref<128x128xf32, #tpu.memory_space<vmem_shared>>)
        tpu.yield
      }) : () -> ()
    }
    %scan3A_9 = arith.constant 2 : i32
    %add3A = arith.constant 256 : i32
    %add3A_10 = arith.addi %mul3A_4, %add3A : i32
    "tpu.region"() ({
      %run_scoped3A = tpu.sem_alloc : memref<!tpu.dma_semaphore, #tpu.memory_space<semaphore_mem>>
      %dma_start3A = arith.constant 0 : i32
      %dma_start3A_24 = arith.constant 0 : i32
      %dma_start3A_25 = tpu.memref_slice %arg10[%dma_start3A, %dma_start3A_24] : memref<128x128xf32, #tpu.memory_space<vmem>> -> memref<72x128xf32, #tpu.memory_space<vmem>>
      %dma_start3A_26 = arith.constant 0 : i32
      %dma_start3A_27 = tpu.memref_slice %arg11[%add3A_10, %dma_start3A_26] : memref<5248x128xf32, #tpu.memory_space<vmem_shared>> -> memref<72x128xf32, #tpu.memory_space<vmem_shared>>
      %dma_start3A_28 = arith.constant 0 : i32
      %dma_start3A_29 = tpu.memref_slice %arg11[%add3A_10, %dma_start3A_28] : memref<5248x128xf32, #tpu.memory_space<vmem_shared>> -> memref<72x128xf32, #tpu.memory_space<vmem_shared>>
      %dma_start3A_30 = arith.constant 0 : i32
      %dma_start3A_31 = arith.constant 0 : i32
      %dma_start3A_32 = tpu.memref_slice %arg10[%dma_start3A_30, %dma_start3A_31] : memref<128x128xf32, #tpu.memory_space<vmem>> -> memref<72x128xf32, #tpu.memory_space<vmem>>
      tpu.enqueue_dma source(%dma_start3A_32 : memref<72x128xf32, #tpu.memory_space<vmem>>) target(%dma_start3A_29 : memref<72x128xf32, #tpu.memory_space<vmem_shared>>) target_semaphore(%run_scoped3A : memref<!tpu.dma_semaphore, #tpu.memory_space<semaphore_mem>>)
      %dma_wait3A = arith.constant 0 : i32
      %dma_wait3A_33 = arith.constant 0 : i32
      %dma_wait3A_34 = tpu.memref_slice %arg10[%dma_wait3A, %dma_wait3A_33] : memref<128x128xf32, #tpu.memory_space<vmem>> -> memref<72x128xf32, #tpu.memory_space<vmem>>
      %dma_wait3A_35 = arith.constant 0 : i32
      %dma_wait3A_36 = tpu.memref_slice %arg11[%add3A_10, %dma_wait3A_35] : memref<5248x128xf32, #tpu.memory_space<vmem_shared>> -> memref<72x128xf32, #tpu.memory_space<vmem_shared>>
      %dma_wait3A_37 = arith.constant 0 : i32
      %dma_wait3A_38 = tpu.memref_slice %arg11[%add3A_10, %dma_wait3A_37] : memref<5248x128xf32, #tpu.memory_space<vmem_shared>> -> memref<72x128xf32, #tpu.memory_space<vmem_shared>>
      %dma_wait3A_39 = arith.constant 0 : i32
      %dma_wait3A_40 = arith.constant 0 : i32
      %dma_wait3A_41 = tpu.memref_slice %arg10[%dma_wait3A_39, %dma_wait3A_40] : memref<128x128xf32, #tpu.memory_space<vmem>> -> memref<72x128xf32, #tpu.memory_space<vmem>>
      tpu.wait_dma2 semaphore(%run_scoped3A : memref<!tpu.dma_semaphore, #tpu.memory_space<semaphore_mem>>) src(%dma_wait3A_41 : memref<72x128xf32, #tpu.memory_space<vmem>>) dst(%dma_wait3A_38 : memref<72x128xf32, #tpu.memory_space<vmem_shared>>)
      tpu.yield
    }) : () -> ()
    %barrier3A = arith.constant 0 : index
    tpu.barrier barrier_id(%barrier3A)
    %scan3A_11 = arith.constant 0 : i32
    %scan3A_12 = arith.constant 157 : i32
    %scan3A_13 = arith.addi %scan3A_11, %scan3A_12 : i32
    %scan3A_14 = arith.constant 1 : i32
    scf.for %scan3A_24 = %scan3A_11 to %scan3A_13 step %scan3A_14  : i32 {
      %mul3A_25 = arith.constant 1 : i32
      %mul3A_26 = arith.muli %scan3A_24, %mul3A_25 : i32
      %add3A_27 = arith.constant 0 : i32
      %add3A_28 = arith.addi %add3A_27, %mul3A_26 : i32
      %dma_start3A = arith.constant 0 : i32
      %dma_start3A_29 = tpu.memref_slice %arg6[%add3A_28, %dma_start3A] : memref<157x128xi32, #tpu.memory_space<vmem>> -> memref<1x128xi32, #tpu.memory_space<vmem>>
      %dma_start3A_30 = tpu.memref_squeeze %dma_start3A_29 : memref<1x128xi32, #tpu.memory_space<vmem>> -> memref<128xi32, #tpu.memory_space<vmem>>
      %dma_start3A_31 = arith.constant 0 : i32
      %dma_start3A_32 = arith.constant 0 : i32
      %dma_start3A_33 = tpu.memref_slice %arg2[%dma_start3A_31, %dma_start3A_32] : memref<10000x128xf32, #tpu.memory_space<hbm>> -> memref<10000x128xf32, #tpu.memory_space<hbm>>
      tpu.enqueue_indirect_dma source(%dma_start3A_33 : memref<10000x128xf32, #tpu.memory_space<hbm>>) target(%arg8 : memref<128x128xf32, #tpu.memory_space<vmem>>) offsets(%dma_start3A_30 : memref<128xi32, #tpu.memory_space<vmem>>) semaphore(%arg12 : memref<!tpu.dma_semaphore, #tpu.memory_space<semaphore_mem>>)
      %dma_wait3A = arith.constant 0 : i32
      %dma_wait3A_34 = tpu.memref_slice %arg6[%add3A_28, %dma_wait3A] : memref<157x128xi32, #tpu.memory_space<vmem>> -> memref<1x128xi32, #tpu.memory_space<vmem>>
      %dma_wait3A_35 = tpu.memref_squeeze %dma_wait3A_34 : memref<1x128xi32, #tpu.memory_space<vmem>> -> memref<128xi32, #tpu.memory_space<vmem>>
      %dma_wait3A_36 = arith.constant 0 : i32
      %dma_wait3A_37 = arith.constant 0 : i32
      %dma_wait3A_38 = tpu.memref_slice %arg2[%dma_wait3A_36, %dma_wait3A_37] : memref<10000x128xf32, #tpu.memory_space<hbm>> -> memref<10000x128xf32, #tpu.memory_space<hbm>>
      tpu.wait_indirect_dma semaphore(%arg12 : memref<!tpu.dma_semaphore, #tpu.memory_space<semaphore_mem>>) src(%dma_wait3A_38 : memref<10000x128xf32, #tpu.memory_space<hbm>>) dst(%arg8 : memref<128x128xf32, #tpu.memory_space<vmem>>)
      "tpu.region"() ({
        %run_scoped3A = tpu.sem_alloc : memref<!tpu.dma_semaphore, #tpu.memory_space<semaphore_mem>>
        %dma_start3A_39 = arith.constant 0 : i32
        %dma_start3A_40 = tpu.memref_slice %arg7[%add3A_28, %dma_start3A_39] : memref<157x128xi32, #tpu.memory_space<vmem>> -> memref<1x128xi32, #tpu.memory_space<vmem>>
        %dma_start3A_41 = tpu.memref_squeeze %dma_start3A_40 : memref<1x128xi32, #tpu.memory_space<vmem>> -> memref<128xi32, #tpu.memory_space<vmem>>
        %dma_start3A_42 = arith.constant 0 : i32
        %dma_start3A_43 = arith.constant 0 : i32
        %dma_start3A_44 = tpu.memref_slice %arg11[%dma_start3A_42, %dma_start3A_43] : memref<5248x128xf32, #tpu.memory_space<vmem_shared>> -> memref<5248x128xf32, #tpu.memory_space<vmem_shared>>
        tpu.enqueue_indirect_dma source(%arg8 : memref<128x128xf32, #tpu.memory_space<vmem>>) target(%dma_start3A_44 : memref<5248x128xf32, #tpu.memory_space<vmem_shared>>) offsets(%dma_start3A_41 : memref<128xi32, #tpu.memory_space<vmem>>) semaphore(%run_scoped3A : memref<!tpu.dma_semaphore, #tpu.memory_space<semaphore_mem>>) {add = true}
        %dma_wait3A_45 = arith.constant 0 : i32
        %dma_wait3A_46 = tpu.memref_slice %arg7[%add3A_28, %dma_wait3A_45] : memref<157x128xi32, #tpu.memory_space<vmem>> -> memref<1x128xi32, #tpu.memory_space<vmem>>
        %dma_wait3A_47 = tpu.memref_squeeze %dma_wait3A_46 : memref<1x128xi32, #tpu.memory_space<vmem>> -> memref<128xi32, #tpu.memory_space<vmem>>
        %dma_wait3A_48 = arith.constant 0 : i32
        %dma_wait3A_49 = arith.constant 0 : i32
        %dma_wait3A_50 = tpu.memref_slice %arg11[%dma_wait3A_48, %dma_wait3A_49] : memref<5248x128xf32, #tpu.memory_space<vmem_shared>> -> memref<5248x128xf32, #tpu.memory_space<vmem_shared>>
        tpu.wait_indirect_dma semaphore(%run_scoped3A : memref<!tpu.dma_semaphore, #tpu.memory_space<semaphore_mem>>) src(%arg8 : memref<128x128xf32, #tpu.memory_space<vmem>>) dst(%dma_wait3A_50 : memref<5248x128xf32, #tpu.memory_space<vmem_shared>>)
        tpu.yield
      }) : () -> ()
    }
    %scan3A_15 = arith.constant 157 : i32
    %barrier3A_16 = arith.constant 0 : index
    tpu.barrier barrier_id(%barrier3A_16)
    %mul3A_17 = arith.constant 320 : i32
    %mul3A_18 = arith.muli %arg1, %mul3A_17 : i32
    %mul3A_19 = arith.constant 5120 : i32
    %mul3A_20 = arith.muli %arg0, %mul3A_19 : i32
    %mul3A_21 = arith.constant 320 : i32
    %mul3A_22 = arith.muli %arg1, %mul3A_21 : i32
    %add3A_23 = arith.addi %mul3A_20, %mul3A_22 : i32
    "tpu.region"() ({
      %run_scoped3A = tpu.sem_alloc : memref<!tpu.dma_semaphore, #tpu.memory_space<semaphore_mem>>
      %dma_start3A = arith.constant 0 : i32
      %dma_start3A_24 = tpu.memref_slice %arg5[%add3A_23, %dma_start3A] : memref<10240x128xf32, #tpu.memory_space<hbm>> -> memref<320x128xf32, #tpu.memory_space<hbm>>
      %dma_start3A_25 = arith.constant 0 : i32
      %dma_start3A_26 = tpu.memref_slice %arg11[%mul3A_18, %dma_start3A_25] : memref<5248x128xf32, #tpu.memory_space<vmem_shared>> -> memref<320x128xf32, #tpu.memory_space<vmem_shared>>
      tpu.enqueue_dma source(%dma_start3A_26 : memref<320x128xf32, #tpu.memory_space<vmem_shared>>) target(%dma_start3A_24 : memref<320x128xf32, #tpu.memory_space<hbm>>) target_semaphore(%run_scoped3A : memref<!tpu.dma_semaphore, #tpu.memory_space<semaphore_mem>>)
      %dma_wait3A = arith.constant 0 : i32
      %dma_wait3A_27 = tpu.memref_slice %arg5[%add3A_23, %dma_wait3A] : memref<10240x128xf32, #tpu.memory_space<hbm>> -> memref<320x128xf32, #tpu.memory_space<hbm>>
      %dma_wait3A_28 = arith.constant 0 : i32
      %dma_wait3A_29 = tpu.memref_slice %arg11[%mul3A_18, %dma_wait3A_28] : memref<5248x128xf32, #tpu.memory_space<vmem_shared>> -> memref<320x128xf32, #tpu.memory_space<vmem_shared>>
      tpu.wait_dma2 semaphore(%run_scoped3A : memref<!tpu.dma_semaphore, #tpu.memory_space<semaphore_mem>>) src(%dma_wait3A_29 : memref<320x128xf32, #tpu.memory_space<vmem_shared>>) dst(%dma_wait3A_27 : memref<320x128xf32, #tpu.memory_space<hbm>>)
      tpu.yield
    }) : () -> ()
    return
  }
}

#map = affine_map<(d0, d1) -> (0, 0, 0)>
#map1 = affine_map<(d0, d1) -> (0, 0, 0, 0)>
#map2 = affine_map<(d0, d1) -> (0, 0)>
module attributes {stable_mosaic.version = 14 : i64} {
  func.func @_sc_deg(%arg0: i32, %arg1: i32, %arg2: memref<16x157x128xi32, #tpu.memory_space<hbm>>, %arg3: memref<2x16x157x128xi32, #tpu.memory_space<hbm>>, %arg4: memref<10240x128xf32, #tpu.memory_space<hbm>>, %arg5: memref<157x128xi32, #tpu.memory_space<vmem>>, %arg6: memref<157x128xi32, #tpu.memory_space<vmem>>, %arg7: memref<128x128xf32, #tpu.memory_space<vmem>>, %arg8: memref<128x128xf32, #tpu.memory_space<vmem>>, %arg9: memref<128x128xf32, #tpu.memory_space<vmem>>, %arg10: memref<5248x128xf32, #tpu.memory_space<vmem_shared>>, %arg11: memref<!tpu.dma_semaphore, #tpu.memory_space<semaphore_mem>>, %arg12: memref<!tpu.dma_semaphore, #tpu.memory_space<semaphore_mem>>) attributes {dimension_semantics = [#tpu.dimension_semantics<core_parallel>, #tpu.dimension_semantics<subcore_parallel>], iteration_bounds = array<i64: 2, 16>, scalar_prefetch = 0 : i64, scratch_operands = 8 : i64, tpu.core_type = #tpu.core_type<sc_vector_subcore>, window_params = [{transform_indices = #map}, {transform_indices = #map1}, {transform_indices = #map2}]} {
    "tpu.region"() ({
      %run_scoped3A = tpu.sem_alloc : memref<!tpu.dma_semaphore, #tpu.memory_space<semaphore_mem>>
      %dma_start3A = arith.constant 0 : i32
      %dma_start3A_29 = arith.constant 0 : i32
      %dma_start3A_30 = arith.constant 0 : i32
      %dma_start3A_31 = tpu.memref_slice %arg3[%arg0, %dma_start3A, %dma_start3A_29, %dma_start3A_30] : memref<2x16x157x128xi32, #tpu.memory_space<hbm>> -> memref<1x16x157x128xi32, #tpu.memory_space<hbm>>
      %dma_start3A_32 = tpu.memref_squeeze %dma_start3A_31 : memref<1x16x157x128xi32, #tpu.memory_space<hbm>> -> memref<16x157x128xi32, #tpu.memory_space<hbm>>
      %dma_start3A_33 = arith.constant 0 : i32
      %dma_start3A_34 = arith.constant 0 : i32
      %dma_start3A_35 = tpu.memref_slice %dma_start3A_32[%arg1, %dma_start3A_33, %dma_start3A_34] : memref<16x157x128xi32, #tpu.memory_space<hbm>> -> memref<1x157x128xi32, #tpu.memory_space<hbm>>
      %dma_start3A_36 = tpu.memref_squeeze %dma_start3A_35 : memref<1x157x128xi32, #tpu.memory_space<hbm>> -> memref<157x128xi32, #tpu.memory_space<hbm>>
      %dma_start3A_37 = arith.constant 0 : i32
      %dma_start3A_38 = arith.constant 0 : i32
      %dma_start3A_39 = arith.constant 0 : i32
      %dma_start3A_40 = tpu.memref_slice %arg3[%arg0, %dma_start3A_37, %dma_start3A_38, %dma_start3A_39] : memref<2x16x157x128xi32, #tpu.memory_space<hbm>> -> memref<1x16x157x128xi32, #tpu.memory_space<hbm>>
      %dma_start3A_41 = tpu.memref_squeeze %dma_start3A_40 : memref<1x16x157x128xi32, #tpu.memory_space<hbm>> -> memref<16x157x128xi32, #tpu.memory_space<hbm>>
      %dma_start3A_42 = arith.constant 0 : i32
      %dma_start3A_43 = arith.constant 0 : i32
      %dma_start3A_44 = tpu.memref_slice %dma_start3A_41[%arg1, %dma_start3A_42, %dma_start3A_43] : memref<16x157x128xi32, #tpu.memory_space<hbm>> -> memref<1x157x128xi32, #tpu.memory_space<hbm>>
      %dma_start3A_45 = tpu.memref_squeeze %dma_start3A_44 : memref<1x157x128xi32, #tpu.memory_space<hbm>> -> memref<157x128xi32, #tpu.memory_space<hbm>>
      tpu.enqueue_dma source(%dma_start3A_45 : memref<157x128xi32, #tpu.memory_space<hbm>>) target(%arg6 : memref<157x128xi32, #tpu.memory_space<vmem>>) target_semaphore(%run_scoped3A : memref<!tpu.dma_semaphore, #tpu.memory_space<semaphore_mem>>)
      %dma_wait3A = arith.constant 0 : i32
      %dma_wait3A_46 = arith.constant 0 : i32
      %dma_wait3A_47 = arith.constant 0 : i32
      %dma_wait3A_48 = tpu.memref_slice %arg3[%arg0, %dma_wait3A, %dma_wait3A_46, %dma_wait3A_47] : memref<2x16x157x128xi32, #tpu.memory_space<hbm>> -> memref<1x16x157x128xi32, #tpu.memory_space<hbm>>
      %dma_wait3A_49 = tpu.memref_squeeze %dma_wait3A_48 : memref<1x16x157x128xi32, #tpu.memory_space<hbm>> -> memref<16x157x128xi32, #tpu.memory_space<hbm>>
      %dma_wait3A_50 = arith.constant 0 : i32
      %dma_wait3A_51 = arith.constant 0 : i32
      %dma_wait3A_52 = tpu.memref_slice %dma_wait3A_49[%arg1, %dma_wait3A_50, %dma_wait3A_51] : memref<16x157x128xi32, #tpu.memory_space<hbm>> -> memref<1x157x128xi32, #tpu.memory_space<hbm>>
      %dma_wait3A_53 = tpu.memref_squeeze %dma_wait3A_52 : memref<1x157x128xi32, #tpu.memory_space<hbm>> -> memref<157x128xi32, #tpu.memory_space<hbm>>
      %dma_wait3A_54 = arith.constant 0 : i32
      %dma_wait3A_55 = arith.constant 0 : i32
      %dma_wait3A_56 = arith.constant 0 : i32
      %dma_wait3A_57 = tpu.memref_slice %arg3[%arg0, %dma_wait3A_54, %dma_wait3A_55, %dma_wait3A_56] : memref<2x16x157x128xi32, #tpu.memory_space<hbm>> -> memref<1x16x157x128xi32, #tpu.memory_space<hbm>>
      %dma_wait3A_58 = tpu.memref_squeeze %dma_wait3A_57 : memref<1x16x157x128xi32, #tpu.memory_space<hbm>> -> memref<16x157x128xi32, #tpu.memory_space<hbm>>
      %dma_wait3A_59 = arith.constant 0 : i32
      %dma_wait3A_60 = arith.constant 0 : i32
      %dma_wait3A_61 = tpu.memref_slice %dma_wait3A_58[%arg1, %dma_wait3A_59, %dma_wait3A_60] : memref<16x157x128xi32, #tpu.memory_space<hbm>> -> memref<1x157x128xi32, #tpu.memory_space<hbm>>
      %dma_wait3A_62 = tpu.memref_squeeze %dma_wait3A_61 : memref<1x157x128xi32, #tpu.memory_space<hbm>> -> memref<157x128xi32, #tpu.memory_space<hbm>>
      tpu.wait_dma2 semaphore(%run_scoped3A : memref<!tpu.dma_semaphore, #tpu.memory_space<semaphore_mem>>) src(%dma_wait3A_62 : memref<157x128xi32, #tpu.memory_space<hbm>>) dst(%arg6 : memref<157x128xi32, #tpu.memory_space<vmem>>)
      tpu.yield
    }) : () -> ()
    %scan3A = arith.constant 0 : i32
    %scan3A_0 = arith.constant 128 : i32
    %scan3A_1 = arith.addi %scan3A, %scan3A_0 : i32
    %scan3A_2 = arith.constant 1 : i32
    scf.for %scan3A_29 = %scan3A to %scan3A_1 step %scan3A_2  : i32 {
      %mul3A_30 = arith.constant 1 : i32
      %mul3A_31 = arith.muli %scan3A_29, %mul3A_30 : i32
      %add3A_32 = arith.constant 0 : i32
      %add3A_33 = arith.addi %add3A_32, %mul3A_31 : i32
      %broadcast_in_dim3A = arith.constant 1.000000e+00 : f32
      %broadcast_in_dim3A_34 = vector.broadcast %broadcast_in_dim3A : f32 to vector<16xf32>
      %swap3A = arith.index_cast %add3A_33 : i32 to index
      %swap3A_35 = arith.constant 0 : index
      %swap3A_36 = tpu.vector_load %arg7[%swap3A, %swap3A_35] {strides = array<i32>} : memref<128x128xf32, #tpu.memory_space<vmem>>, vector<1x16xf32>,
      %swap3A_37 = vector.shape_cast %swap3A_36 : vector<1x16xf32> to vector<16xf32>
      %swap3A_38 = vector.shape_cast %broadcast_in_dim3A_34 : vector<16xf32> to vector<1x16xf32>
      tpu.vector_store %arg7[%swap3A, %swap3A_35], %swap3A_38 {strides = array<i32>} : memref<128x128xf32, #tpu.memory_space<vmem>>, vector<1x16xf32>,
      %broadcast_in_dim3A_39 = arith.constant 1.000000e+00 : f32
      %broadcast_in_dim3A_40 = vector.broadcast %broadcast_in_dim3A_39 : f32 to vector<16xf32>
      %swap3A_41 = arith.index_cast %add3A_33 : i32 to index
      %swap3A_42 = arith.constant 16 : index
      %swap3A_43 = tpu.vector_load %arg7[%swap3A_41, %swap3A_42] {strides = array<i32>} : memref<128x128xf32, #tpu.memory_space<vmem>>, vector<1x16xf32>,
      %swap3A_44 = vector.shape_cast %swap3A_43 : vector<1x16xf32> to vector<16xf32>
      %swap3A_45 = vector.shape_cast %broadcast_in_dim3A_40 : vector<16xf32> to vector<1x16xf32>
      tpu.vector_store %arg7[%swap3A_41, %swap3A_42], %swap3A_45 {strides = array<i32>} : memref<128x128xf32, #tpu.memory_space<vmem>>, vector<1x16xf32>,
      %broadcast_in_dim3A_46 = arith.constant 1.000000e+00 : f32
      %broadcast_in_dim3A_47 = vector.broadcast %broadcast_in_dim3A_46 : f32 to vector<16xf32>
      %swap3A_48 = arith.index_cast %add3A_33 : i32 to index
      %swap3A_49 = arith.constant 32 : index
      %swap3A_50 = tpu.vector_load %arg7[%swap3A_48, %swap3A_49] {strides = array<i32>} : memref<128x128xf32, #tpu.memory_space<vmem>>, vector<1x16xf32>,
      %swap3A_51 = vector.shape_cast %swap3A_50 : vector<1x16xf32> to vector<16xf32>
      %swap3A_52 = vector.shape_cast %broadcast_in_dim3A_47 : vector<16xf32> to vector<1x16xf32>
      tpu.vector_store %arg7[%swap3A_48, %swap3A_49], %swap3A_52 {strides = array<i32>} : memref<128x128xf32, #tpu.memory_space<vmem>>, vector<1x16xf32>,
      %broadcast_in_dim3A_53 = arith.constant 1.000000e+00 : f32
      %broadcast_in_dim3A_54 = vector.broadcast %broadcast_in_dim3A_53 : f32 to vector<16xf32>
      %swap3A_55 = arith.index_cast %add3A_33 : i32 to index
      %swap3A_56 = arith.constant 48 : index
      %swap3A_57 = tpu.vector_load %arg7[%swap3A_55, %swap3A_56] {strides = array<i32>} : memref<128x128xf32, #tpu.memory_space<vmem>>, vector<1x16xf32>,
      %swap3A_58 = vector.shape_cast %swap3A_57 : vector<1x16xf32> to vector<16xf32>
      %swap3A_59 = vector.shape_cast %broadcast_in_dim3A_54 : vector<16xf32> to vector<1x16xf32>
      tpu.vector_store %arg7[%swap3A_55, %swap3A_56], %swap3A_59 {strides = array<i32>} : memref<128x128xf32, #tpu.memory_space<vmem>>, vector<1x16xf32>,
      %broadcast_in_dim3A_60 = arith.constant 1.000000e+00 : f32
      %broadcast_in_dim3A_61 = vector.broadcast %broadcast_in_dim3A_60 : f32 to vector<16xf32>
      %swap3A_62 = arith.index_cast %add3A_33 : i32 to index
      %swap3A_63 = arith.constant 64 : index
      %swap3A_64 = tpu.vector_load %arg7[%swap3A_62, %swap3A_63] {strides = array<i32>} : memref<128x128xf32, #tpu.memory_space<vmem>>, vector<1x16xf32>,
      %swap3A_65 = vector.shape_cast %swap3A_64 : vector<1x16xf32> to vector<16xf32>
      %swap3A_66 = vector.shape_cast %broadcast_in_dim3A_61 : vector<16xf32> to vector<1x16xf32>
      tpu.vector_store %arg7[%swap3A_62, %swap3A_63], %swap3A_66 {strides = array<i32>} : memref<128x128xf32, #tpu.memory_space<vmem>>, vector<1x16xf32>,
      %broadcast_in_dim3A_67 = arith.constant 1.000000e+00 : f32
      %broadcast_in_dim3A_68 = vector.broadcast %broadcast_in_dim3A_67 : f32 to vector<16xf32>
      %swap3A_69 = arith.index_cast %add3A_33 : i32 to index
      %swap3A_70 = arith.constant 80 : index
      %swap3A_71 = tpu.vector_load %arg7[%swap3A_69, %swap3A_70] {strides = array<i32>} : memref<128x128xf32, #tpu.memory_space<vmem>>, vector<1x16xf32>,
      %swap3A_72 = vector.shape_cast %swap3A_71 : vector<1x16xf32> to vector<16xf32>
      %swap3A_73 = vector.shape_cast %broadcast_in_dim3A_68 : vector<16xf32> to vector<1x16xf32>
      tpu.vector_store %arg7[%swap3A_69, %swap3A_70], %swap3A_73 {strides = array<i32>} : memref<128x128xf32, #tpu.memory_space<vmem>>, vector<1x16xf32>,
      %broadcast_in_dim3A_74 = arith.constant 1.000000e+00 : f32
      %broadcast_in_dim3A_75 = vector.broadcast %broadcast_in_dim3A_74 : f32 to vector<16xf32>
      %swap3A_76 = arith.index_cast %add3A_33 : i32 to index
      %swap3A_77 = arith.constant 96 : index
      %swap3A_78 = tpu.vector_load %arg7[%swap3A_76, %swap3A_77] {strides = array<i32>} : memref<128x128xf32, #tpu.memory_space<vmem>>, vector<1x16xf32>,
      %swap3A_79 = vector.shape_cast %swap3A_78 : vector<1x16xf32> to vector<16xf32>
      %swap3A_80 = vector.shape_cast %broadcast_in_dim3A_75 : vector<16xf32> to vector<1x16xf32>
      tpu.vector_store %arg7[%swap3A_76, %swap3A_77], %swap3A_80 {strides = array<i32>} : memref<128x128xf32, #tpu.memory_space<vmem>>, vector<1x16xf32>,
      %broadcast_in_dim3A_81 = arith.constant 1.000000e+00 : f32
      %broadcast_in_dim3A_82 = vector.broadcast %broadcast_in_dim3A_81 : f32 to vector<16xf32>
      %swap3A_83 = arith.index_cast %add3A_33 : i32 to index
      %swap3A_84 = arith.constant 112 : index
      %swap3A_85 = tpu.vector_load %arg7[%swap3A_83, %swap3A_84] {strides = array<i32>} : memref<128x128xf32, #tpu.memory_space<vmem>>, vector<1x16xf32>,
      %swap3A_86 = vector.shape_cast %swap3A_85 : vector<1x16xf32> to vector<16xf32>
      %swap3A_87 = vector.shape_cast %broadcast_in_dim3A_82 : vector<16xf32> to vector<1x16xf32>
      tpu.vector_store %arg7[%swap3A_83, %swap3A_84], %swap3A_87 {strides = array<i32>} : memref<128x128xf32, #tpu.memory_space<vmem>>, vector<1x16xf32>,
    }
    %scan3A_3 = arith.constant 128 : i32
    %scan3A_4 = arith.constant 0 : i32
    %scan3A_5 = arith.constant 128 : i32
    %scan3A_6 = arith.addi %scan3A_4, %scan3A_5 : i32
    %scan3A_7 = arith.constant 1 : i32
    scf.for %scan3A_29 = %scan3A_4 to %scan3A_6 step %scan3A_7  : i32 {
      %mul3A_30 = arith.constant 1 : i32
      %mul3A_31 = arith.muli %scan3A_29, %mul3A_30 : i32
      %add3A_32 = arith.constant 0 : i32
      %add3A_33 = arith.addi %add3A_32, %mul3A_31 : i32
      %broadcast_in_dim3A = arith.constant 0.000000e+00 : f32
      %broadcast_in_dim3A_34 = vector.broadcast %broadcast_in_dim3A : f32 to vector<16xf32>
      %swap3A = arith.index_cast %add3A_33 : i32 to index
      %swap3A_35 = arith.constant 0 : index
      %swap3A_36 = tpu.vector_load %arg9[%swap3A, %swap3A_35] {strides = array<i32>} : memref<128x128xf32, #tpu.memory_space<vmem>>, vector<1x16xf32>,
      %swap3A_37 = vector.shape_cast %swap3A_36 : vector<1x16xf32> to vector<16xf32>
      %swap3A_38 = vector.shape_cast %broadcast_in_dim3A_34 : vector<16xf32> to vector<1x16xf32>
      tpu.vector_store %arg9[%swap3A, %swap3A_35], %swap3A_38 {strides = array<i32>} : memref<128x128xf32, #tpu.memory_space<vmem>>, vector<1x16xf32>,
      %broadcast_in_dim3A_39 = arith.constant 0.000000e+00 : f32
      %broadcast_in_dim3A_40 = vector.broadcast %broadcast_in_dim3A_39 : f32 to vector<16xf32>
      %swap3A_41 = arith.index_cast %add3A_33 : i32 to index
      %swap3A_42 = arith.constant 16 : index
      %swap3A_43 = tpu.vector_load %arg9[%swap3A_41, %swap3A_42] {strides = array<i32>} : memref<128x128xf32, #tpu.memory_space<vmem>>, vector<1x16xf32>,
      %swap3A_44 = vector.shape_cast %swap3A_43 : vector<1x16xf32> to vector<16xf32>
      %swap3A_45 = vector.shape_cast %broadcast_in_dim3A_40 : vector<16xf32> to vector<1x16xf32>
      tpu.vector_store %arg9[%swap3A_41, %swap3A_42], %swap3A_45 {strides = array<i32>} : memref<128x128xf32, #tpu.memory_space<vmem>>, vector<1x16xf32>,
      %broadcast_in_dim3A_46 = arith.constant 0.000000e+00 : f32
      %broadcast_in_dim3A_47 = vector.broadcast %broadcast_in_dim3A_46 : f32 to vector<16xf32>
      %swap3A_48 = arith.index_cast %add3A_33 : i32 to index
      %swap3A_49 = arith.constant 32 : index
      %swap3A_50 = tpu.vector_load %arg9[%swap3A_48, %swap3A_49] {strides = array<i32>} : memref<128x128xf32, #tpu.memory_space<vmem>>, vector<1x16xf32>,
      %swap3A_51 = vector.shape_cast %swap3A_50 : vector<1x16xf32> to vector<16xf32>
      %swap3A_52 = vector.shape_cast %broadcast_in_dim3A_47 : vector<16xf32> to vector<1x16xf32>
      tpu.vector_store %arg9[%swap3A_48, %swap3A_49], %swap3A_52 {strides = array<i32>} : memref<128x128xf32, #tpu.memory_space<vmem>>, vector<1x16xf32>,
      %broadcast_in_dim3A_53 = arith.constant 0.000000e+00 : f32
      %broadcast_in_dim3A_54 = vector.broadcast %broadcast_in_dim3A_53 : f32 to vector<16xf32>
      %swap3A_55 = arith.index_cast %add3A_33 : i32 to index
      %swap3A_56 = arith.constant 48 : index
      %swap3A_57 = tpu.vector_load %arg9[%swap3A_55, %swap3A_56] {strides = array<i32>} : memref<128x128xf32, #tpu.memory_space<vmem>>, vector<1x16xf32>,
      %swap3A_58 = vector.shape_cast %swap3A_57 : vector<1x16xf32> to vector<16xf32>
      %swap3A_59 = vector.shape_cast %broadcast_in_dim3A_54 : vector<16xf32> to vector<1x16xf32>
      tpu.vector_store %arg9[%swap3A_55, %swap3A_56], %swap3A_59 {strides = array<i32>} : memref<128x128xf32, #tpu.memory_space<vmem>>, vector<1x16xf32>,
      %broadcast_in_dim3A_60 = arith.constant 0.000000e+00 : f32
      %broadcast_in_dim3A_61 = vector.broadcast %broadcast_in_dim3A_60 : f32 to vector<16xf32>
      %swap3A_62 = arith.index_cast %add3A_33 : i32 to index
      %swap3A_63 = arith.constant 64 : index
      %swap3A_64 = tpu.vector_load %arg9[%swap3A_62, %swap3A_63] {strides = array<i32>} : memref<128x128xf32, #tpu.memory_space<vmem>>, vector<1x16xf32>,
      %swap3A_65 = vector.shape_cast %swap3A_64 : vector<1x16xf32> to vector<16xf32>
      %swap3A_66 = vector.shape_cast %broadcast_in_dim3A_61 : vector<16xf32> to vector<1x16xf32>
      tpu.vector_store %arg9[%swap3A_62, %swap3A_63], %swap3A_66 {strides = array<i32>} : memref<128x128xf32, #tpu.memory_space<vmem>>, vector<1x16xf32>,
      %broadcast_in_dim3A_67 = arith.constant 0.000000e+00 : f32
      %broadcast_in_dim3A_68 = vector.broadcast %broadcast_in_dim3A_67 : f32 to vector<16xf32>
      %swap3A_69 = arith.index_cast %add3A_33 : i32 to index
      %swap3A_70 = arith.constant 80 : index
      %swap3A_71 = tpu.vector_load %arg9[%swap3A_69, %swap3A_70] {strides = array<i32>} : memref<128x128xf32, #tpu.memory_space<vmem>>, vector<1x16xf32>,
      %swap3A_72 = vector.shape_cast %swap3A_71 : vector<1x16xf32> to vector<16xf32>
      %swap3A_73 = vector.shape_cast %broadcast_in_dim3A_68 : vector<16xf32> to vector<1x16xf32>
      tpu.vector_store %arg9[%swap3A_69, %swap3A_70], %swap3A_73 {strides = array<i32>} : memref<128x128xf32, #tpu.memory_space<vmem>>, vector<1x16xf32>,
      %broadcast_in_dim3A_74 = arith.constant 0.000000e+00 : f32
      %broadcast_in_dim3A_75 = vector.broadcast %broadcast_in_dim3A_74 : f32 to vector<16xf32>
      %swap3A_76 = arith.index_cast %add3A_33 : i32 to index
      %swap3A_77 = arith.constant 96 : index
      %swap3A_78 = tpu.vector_load %arg9[%swap3A_76, %swap3A_77] {strides = array<i32>} : memref<128x128xf32, #tpu.memory_space<vmem>>, vector<1x16xf32>,
      %swap3A_79 = vector.shape_cast %swap3A_78 : vector<1x16xf32> to vector<16xf32>
      %swap3A_80 = vector.shape_cast %broadcast_in_dim3A_75 : vector<16xf32> to vector<1x16xf32>
      tpu.vector_store %arg9[%swap3A_76, %swap3A_77], %swap3A_80 {strides = array<i32>} : memref<128x128xf32, #tpu.memory_space<vmem>>, vector<1x16xf32>,
      %broadcast_in_dim3A_81 = arith.constant 0.000000e+00 : f32
      %broadcast_in_dim3A_82 = vector.broadcast %broadcast_in_dim3A_81 : f32 to vector<16xf32>
      %swap3A_83 = arith.index_cast %add3A_33 : i32 to index
      %swap3A_84 = arith.constant 112 : index
      %swap3A_85 = tpu.vector_load %arg9[%swap3A_83, %swap3A_84] {strides = array<i32>} : memref<128x128xf32, #tpu.memory_space<vmem>>, vector<1x16xf32>,
      %swap3A_86 = vector.shape_cast %swap3A_85 : vector<1x16xf32> to vector<16xf32>
      %swap3A_87 = vector.shape_cast %broadcast_in_dim3A_82 : vector<16xf32> to vector<1x16xf32>
      tpu.vector_store %arg9[%swap3A_83, %swap3A_84], %swap3A_87 {strides = array<i32>} : memref<128x128xf32, #tpu.memory_space<vmem>>, vector<1x16xf32>,
    }
    %scan3A_8 = arith.constant 128 : i32
    %mul3A = arith.constant 328 : i32
    %mul3A_9 = arith.muli %arg1, %mul3A : i32
    %scan3A_10 = arith.constant 0 : i32
    %scan3A_11 = arith.constant 2 : i32
    %scan3A_12 = arith.addi %scan3A_10, %scan3A_11 : i32
    %scan3A_13 = arith.constant 1 : i32
    scf.for %scan3A_29 = %scan3A_10 to %scan3A_12 step %scan3A_13  : i32 {
      %mul3A_30 = arith.constant 1 : i32
      %mul3A_31 = arith.muli %scan3A_29, %mul3A_30 : i32
      %add3A_32 = arith.constant 0 : i32
      %add3A_33 = arith.addi %add3A_32, %mul3A_31 : i32
      %mul3A_34 = arith.constant 128 : i32
      %mul3A_35 = arith.muli %add3A_33, %mul3A_34 : i32
      %add3A_36 = arith.addi %mul3A_9, %mul3A_35 : i32
      "tpu.region"() ({
        %run_scoped3A = tpu.sem_alloc : memref<!tpu.dma_semaphore, #tpu.memory_space<semaphore_mem>>
        %dma_start3A = arith.constant 0 : i32
        %dma_start3A_37 = tpu.memref_slice %arg10[%add3A_36, %dma_start3A] : memref<5248x128xf32, #tpu.memory_space<vmem_shared>> -> memref<128x128xf32, #tpu.memory_space<vmem_shared>>
        %dma_start3A_38 = arith.constant 0 : i32
        %dma_start3A_39 = tpu.memref_slice %arg10[%add3A_36, %dma_start3A_38] : memref<5248x128xf32, #tpu.memory_space<vmem_shared>> -> memref<128x128xf32, #tpu.memory_space<vmem_shared>>
        tpu.enqueue_dma source(%arg9 : memref<128x128xf32, #tpu.memory_space<vmem>>) target(%dma_start3A_39 : memref<128x128xf32, #tpu.memory_space<vmem_shared>>) target_semaphore(%run_scoped3A : memref<!tpu.dma_semaphore, #tpu.memory_space<semaphore_mem>>)
        %dma_wait3A = arith.constant 0 : i32
        %dma_wait3A_40 = tpu.memref_slice %arg10[%add3A_36, %dma_wait3A] : memref<5248x128xf32, #tpu.memory_space<vmem_shared>> -> memref<128x128xf32, #tpu.memory_space<vmem_shared>>
        %dma_wait3A_41 = arith.constant 0 : i32
        %dma_wait3A_42 = tpu.memref_slice %arg10[%add3A_36, %dma_wait3A_41] : memref<5248x128xf32, #tpu.memory_space<vmem_shared>> -> memref<128x128xf32, #tpu.memory_space<vmem_shared>>
        tpu.wait_dma2 semaphore(%run_scoped3A : memref<!tpu.dma_semaphore, #tpu.memory_space<semaphore_mem>>) src(%arg9 : memref<128x128xf32, #tpu.memory_space<vmem>>) dst(%dma_wait3A_42 : memref<128x128xf32, #tpu.memory_space<vmem_shared>>)
        tpu.yield
      }) : () -> ()
    }
    %scan3A_14 = arith.constant 2 : i32
    %add3A = arith.constant 256 : i32
    %add3A_15 = arith.addi %mul3A_9, %add3A : i32
    "tpu.region"() ({
      %run_scoped3A = tpu.sem_alloc : memref<!tpu.dma_semaphore, #tpu.memory_space<semaphore_mem>>
      %dma_start3A = arith.constant 0 : i32
      %dma_start3A_29 = arith.constant 0 : i32
      %dma_start3A_30 = tpu.memref_slice %arg9[%dma_start3A, %dma_start3A_29] : memref<128x128xf32, #tpu.memory_space<vmem>> -> memref<72x128xf32, #tpu.memory_space<vmem>>
      %dma_start3A_31 = arith.constant 0 : i32
      %dma_start3A_32 = tpu.memref_slice %arg10[%add3A_15, %dma_start3A_31] : memref<5248x128xf32, #tpu.memory_space<vmem_shared>> -> memref<72x128xf32, #tpu.memory_space<vmem_shared>>
      %dma_start3A_33 = arith.constant 0 : i32
      %dma_start3A_34 = tpu.memref_slice %arg10[%add3A_15, %dma_start3A_33] : memref<5248x128xf32, #tpu.memory_space<vmem_shared>> -> memref<72x128xf32, #tpu.memory_space<vmem_shared>>
      %dma_start3A_35 = arith.constant 0 : i32
      %dma_start3A_36 = arith.constant 0 : i32
      %dma_start3A_37 = tpu.memref_slice %arg9[%dma_start3A_35, %dma_start3A_36] : memref<128x128xf32, #tpu.memory_space<vmem>> -> memref<72x128xf32, #tpu.memory_space<vmem>>
      tpu.enqueue_dma source(%dma_start3A_37 : memref<72x128xf32, #tpu.memory_space<vmem>>) target(%dma_start3A_34 : memref<72x128xf32, #tpu.memory_space<vmem_shared>>) target_semaphore(%run_scoped3A : memref<!tpu.dma_semaphore, #tpu.memory_space<semaphore_mem>>)
      %dma_wait3A = arith.constant 0 : i32
      %dma_wait3A_38 = arith.constant 0 : i32
      %dma_wait3A_39 = tpu.memref_slice %arg9[%dma_wait3A, %dma_wait3A_38] : memref<128x128xf32, #tpu.memory_space<vmem>> -> memref<72x128xf32, #tpu.memory_space<vmem>>
      %dma_wait3A_40 = arith.constant 0 : i32
      %dma_wait3A_41 = tpu.memref_slice %arg10[%add3A_15, %dma_wait3A_40] : memref<5248x128xf32, #tpu.memory_space<vmem_shared>> -> memref<72x128xf32, #tpu.memory_space<vmem_shared>>
      %dma_wait3A_42 = arith.constant 0 : i32
      %dma_wait3A_43 = tpu.memref_slice %arg10[%add3A_15, %dma_wait3A_42] : memref<5248x128xf32, #tpu.memory_space<vmem_shared>> -> memref<72x128xf32, #tpu.memory_space<vmem_shared>>
      %dma_wait3A_44 = arith.constant 0 : i32
      %dma_wait3A_45 = arith.constant 0 : i32
      %dma_wait3A_46 = tpu.memref_slice %arg9[%dma_wait3A_44, %dma_wait3A_45] : memref<128x128xf32, #tpu.memory_space<vmem>> -> memref<72x128xf32, #tpu.memory_space<vmem>>
      tpu.wait_dma2 semaphore(%run_scoped3A : memref<!tpu.dma_semaphore, #tpu.memory_space<semaphore_mem>>) src(%dma_wait3A_46 : memref<72x128xf32, #tpu.memory_space<vmem>>) dst(%dma_wait3A_43 : memref<72x128xf32, #tpu.memory_space<vmem_shared>>)
      tpu.yield
    }) : () -> ()
    %barrier3A = arith.constant 0 : index
    tpu.barrier barrier_id(%barrier3A)
    %scan3A_16 = arith.constant 0 : i32
    %scan3A_17 = arith.constant 157 : i32
    %scan3A_18 = arith.addi %scan3A_16, %scan3A_17 : i32
    %scan3A_19 = arith.constant 1 : i32
    scf.for %scan3A_29 = %scan3A_16 to %scan3A_18 step %scan3A_19  : i32 {
      %mul3A_30 = arith.constant 1 : i32
      %mul3A_31 = arith.muli %scan3A_29, %mul3A_30 : i32
      %add3A_32 = arith.constant 0 : i32
      %add3A_33 = arith.addi %add3A_32, %mul3A_31 : i32
      "tpu.region"() ({
        %run_scoped3A = tpu.sem_alloc : memref<!tpu.dma_semaphore, #tpu.memory_space<semaphore_mem>>
        %dma_start3A = arith.constant 0 : i32
        %dma_start3A_34 = tpu.memref_slice %arg6[%add3A_33, %dma_start3A] : memref<157x128xi32, #tpu.memory_space<vmem>> -> memref<1x128xi32, #tpu.memory_space<vmem>>
        %dma_start3A_35 = tpu.memref_squeeze %dma_start3A_34 : memref<1x128xi32, #tpu.memory_space<vmem>> -> memref<128xi32, #tpu.memory_space<vmem>>
        %dma_start3A_36 = arith.constant 0 : i32
        %dma_start3A_37 = arith.constant 0 : i32
        %dma_start3A_38 = tpu.memref_slice %arg10[%dma_start3A_36, %dma_start3A_37] : memref<5248x128xf32, #tpu.memory_space<vmem_shared>> -> memref<5248x128xf32, #tpu.memory_space<vmem_shared>>
        tpu.enqueue_indirect_dma source(%arg7 : memref<128x128xf32, #tpu.memory_space<vmem>>) target(%dma_start3A_38 : memref<5248x128xf32, #tpu.memory_space<vmem_shared>>) offsets(%dma_start3A_35 : memref<128xi32, #tpu.memory_space<vmem>>) semaphore(%run_scoped3A : memref<!tpu.dma_semaphore, #tpu.memory_space<semaphore_mem>>) {add = true}
        %dma_wait3A = arith.constant 0 : i32
        %dma_wait3A_39 = tpu.memref_slice %arg6[%add3A_33, %dma_wait3A] : memref<157x128xi32, #tpu.memory_space<vmem>> -> memref<1x128xi32, #tpu.memory_space<vmem>>
        %dma_wait3A_40 = tpu.memref_squeeze %dma_wait3A_39 : memref<1x128xi32, #tpu.memory_space<vmem>> -> memref<128xi32, #tpu.memory_space<vmem>>
        %dma_wait3A_41 = arith.constant 0 : i32
        %dma_wait3A_42 = arith.constant 0 : i32
        %dma_wait3A_43 = tpu.memref_slice %arg10[%dma_wait3A_41, %dma_wait3A_42] : memref<5248x128xf32, #tpu.memory_space<vmem_shared>> -> memref<5248x128xf32, #tpu.memory_space<vmem_shared>>
        tpu.wait_indirect_dma semaphore(%run_scoped3A : memref<!tpu.dma_semaphore, #tpu.memory_space<semaphore_mem>>) src(%arg7 : memref<128x128xf32, #tpu.memory_space<vmem>>) dst(%dma_wait3A_43 : memref<5248x128xf32, #tpu.memory_space<vmem_shared>>)
        tpu.yield
      }) : () -> ()
    }
    %scan3A_20 = arith.constant 157 : i32
    %barrier3A_21 = arith.constant 0 : index
    tpu.barrier barrier_id(%barrier3A_21)
    %mul3A_22 = arith.constant 320 : i32
    %mul3A_23 = arith.muli %arg1, %mul3A_22 : i32
    %mul3A_24 = arith.constant 5120 : i32
    %mul3A_25 = arith.muli %arg0, %mul3A_24 : i32
    %mul3A_26 = arith.constant 320 : i32
    %mul3A_27 = arith.muli %arg1, %mul3A_26 : i32
    %add3A_28 = arith.addi %mul3A_25, %mul3A_27 : i32
    "tpu.region"() ({
      %run_scoped3A = tpu.sem_alloc : memref<!tpu.dma_semaphore, #tpu.memory_space<semaphore_mem>>
      %dma_start3A = arith.constant 0 : i32
      %dma_start3A_29 = tpu.memref_slice %arg4[%add3A_28, %dma_start3A] : memref<10240x128xf32, #tpu.memory_space<hbm>> -> memref<320x128xf32, #tpu.memory_space<hbm>>
      %dma_start3A_30 = arith.constant 0 : i32
      %dma_start3A_31 = tpu.memref_slice %arg10[%mul3A_23, %dma_start3A_30] : memref<5248x128xf32, #tpu.memory_space<vmem_shared>> -> memref<320x128xf32, #tpu.memory_space<vmem_shared>>
      tpu.enqueue_dma source(%dma_start3A_31 : memref<320x128xf32, #tpu.memory_space<vmem_shared>>) target(%dma_start3A_29 : memref<320x128xf32, #tpu.memory_space<hbm>>) target_semaphore(%run_scoped3A : memref<!tpu.dma_semaphore, #tpu.memory_space<semaphore_mem>>)
      %dma_wait3A = arith.constant 0 : i32
      %dma_wait3A_32 = tpu.memref_slice %arg4[%add3A_28, %dma_wait3A] : memref<10240x128xf32, #tpu.memory_space<hbm>> -> memref<320x128xf32, #tpu.memory_space<hbm>>
      %dma_wait3A_33 = arith.constant 0 : i32
      %dma_wait3A_34 = tpu.memref_slice %arg10[%mul3A_23, %dma_wait3A_33] : memref<5248x128xf32, #tpu.memory_space<vmem_shared>> -> memref<320x128xf32, #tpu.memory_space<vmem_shared>>
      tpu.wait_dma2 semaphore(%run_scoped3A : memref<!tpu.dma_semaphore, #tpu.memory_space<semaphore_mem>>) src(%dma_wait3A_34 : memref<320x128xf32, #tpu.memory_space<vmem_shared>>) dst(%dma_wait3A_32 : memref<320x128xf32, #tpu.memory_space<hbm>>)
      tpu.yield
    }) : () -> ()
    return
  }
}

#map = affine_map<(d0, d1) -> (0, 0)>
#map1 = affine_map<(d0, d1) -> (0, 0, 0)>
#map2 = affine_map<(d0, d1) -> (0, 0, 0, 0)>
module attributes {stable_mosaic.version = 14 : i64} {
  func.func @_sc_agg(%arg0: i32, %arg1: i32, %arg2: memref<10000x128xf32, #tpu.memory_space<hbm>>, %arg3: memref<16x157x128xi32, #tpu.memory_space<hbm>>, %arg4: memref<2x16x157x128xi32, #tpu.memory_space<hbm>>, %arg5: memref<10240x128xf32, #tpu.memory_space<hbm>>, %arg6: memref<157x128xi32, #tpu.memory_space<vmem>>, %arg7: memref<157x128xi32, #tpu.memory_space<vmem>>, %arg8: memref<128x128xf32, #tpu.memory_space<vmem>>, %arg9: memref<128x128xf32, #tpu.memory_space<vmem>>, %arg10: memref<128x128xf32, #tpu.memory_space<vmem>>, %arg11: memref<5248x128xf32, #tpu.memory_space<vmem_shared>>, %arg12: memref<!tpu.dma_semaphore, #tpu.memory_space<semaphore_mem>>, %arg13: memref<!tpu.dma_semaphore, #tpu.memory_space<semaphore_mem>>) attributes {dimension_semantics = [#tpu.dimension_semantics<core_parallel>, #tpu.dimension_semantics<subcore_parallel>], iteration_bounds = array<i64: 2, 16>, scalar_prefetch = 0 : i64, scratch_operands = 8 : i64, tpu.core_type = #tpu.core_type<sc_vector_subcore>, window_params = [{transform_indices = #map}, {transform_indices = #map1}, {transform_indices = #map2}, {transform_indices = #map}]} {
    "tpu.region"() ({
      %run_scoped3A = tpu.sem_alloc : memref<!tpu.dma_semaphore, #tpu.memory_space<semaphore_mem>>
      %dma_start3A = arith.constant 0 : i32
      %dma_start3A_24 = arith.constant 0 : i32
      %dma_start3A_25 = tpu.memref_slice %arg3[%arg1, %dma_start3A, %dma_start3A_24] : memref<16x157x128xi32, #tpu.memory_space<hbm>> -> memref<1x157x128xi32, #tpu.memory_space<hbm>>
      %dma_start3A_26 = tpu.memref_squeeze %dma_start3A_25 : memref<1x157x128xi32, #tpu.memory_space<hbm>> -> memref<157x128xi32, #tpu.memory_space<hbm>>
      %dma_start3A_27 = arith.constant 0 : i32
      %dma_start3A_28 = arith.constant 0 : i32
      %dma_start3A_29 = tpu.memref_slice %arg3[%arg1, %dma_start3A_27, %dma_start3A_28] : memref<16x157x128xi32, #tpu.memory_space<hbm>> -> memref<1x157x128xi32, #tpu.memory_space<hbm>>
      %dma_start3A_30 = tpu.memref_squeeze %dma_start3A_29 : memref<1x157x128xi32, #tpu.memory_space<hbm>> -> memref<157x128xi32, #tpu.memory_space<hbm>>
      tpu.enqueue_dma source(%dma_start3A_30 : memref<157x128xi32, #tpu.memory_space<hbm>>) target(%arg6 : memref<157x128xi32, #tpu.memory_space<vmem>>) target_semaphore(%run_scoped3A : memref<!tpu.dma_semaphore, #tpu.memory_space<semaphore_mem>>)
      %dma_wait3A = arith.constant 0 : i32
      %dma_wait3A_31 = arith.constant 0 : i32
      %dma_wait3A_32 = tpu.memref_slice %arg3[%arg1, %dma_wait3A, %dma_wait3A_31] : memref<16x157x128xi32, #tpu.memory_space<hbm>> -> memref<1x157x128xi32, #tpu.memory_space<hbm>>
      %dma_wait3A_33 = tpu.memref_squeeze %dma_wait3A_32 : memref<1x157x128xi32, #tpu.memory_space<hbm>> -> memref<157x128xi32, #tpu.memory_space<hbm>>
      %dma_wait3A_34 = arith.constant 0 : i32
      %dma_wait3A_35 = arith.constant 0 : i32
      %dma_wait3A_36 = tpu.memref_slice %arg3[%arg1, %dma_wait3A_34, %dma_wait3A_35] : memref<16x157x128xi32, #tpu.memory_space<hbm>> -> memref<1x157x128xi32, #tpu.memory_space<hbm>>
      %dma_wait3A_37 = tpu.memref_squeeze %dma_wait3A_36 : memref<1x157x128xi32, #tpu.memory_space<hbm>> -> memref<157x128xi32, #tpu.memory_space<hbm>>
      tpu.wait_dma2 semaphore(%run_scoped3A : memref<!tpu.dma_semaphore, #tpu.memory_space<semaphore_mem>>) src(%dma_wait3A_37 : memref<157x128xi32, #tpu.memory_space<hbm>>) dst(%arg6 : memref<157x128xi32, #tpu.memory_space<vmem>>)
      tpu.yield
    }) : () -> ()
    "tpu.region"() ({
      %run_scoped3A = tpu.sem_alloc : memref<!tpu.dma_semaphore, #tpu.memory_space<semaphore_mem>>
      %dma_start3A = arith.constant 0 : i32
      %dma_start3A_24 = arith.constant 0 : i32
      %dma_start3A_25 = arith.constant 0 : i32
      %dma_start3A_26 = tpu.memref_slice %arg4[%arg0, %dma_start3A, %dma_start3A_24, %dma_start3A_25] : memref<2x16x157x128xi32, #tpu.memory_space<hbm>> -> memref<1x16x157x128xi32, #tpu.memory_space<hbm>>
      %dma_start3A_27 = tpu.memref_squeeze %dma_start3A_26 : memref<1x16x157x128xi32, #tpu.memory_space<hbm>> -> memref<16x157x128xi32, #tpu.memory_space<hbm>>
      %dma_start3A_28 = arith.constant 0 : i32
      %dma_start3A_29 = arith.constant 0 : i32
      %dma_start3A_30 = tpu.memref_slice %dma_start3A_27[%arg1, %dma_start3A_28, %dma_start3A_29] : memref<16x157x128xi32, #tpu.memory_space<hbm>> -> memref<1x157x128xi32, #tpu.memory_space<hbm>>
      %dma_start3A_31 = tpu.memref_squeeze %dma_start3A_30 : memref<1x157x128xi32, #tpu.memory_space<hbm>> -> memref<157x128xi32, #tpu.memory_space<hbm>>
      %dma_start3A_32 = arith.constant 0 : i32
      %dma_start3A_33 = arith.constant 0 : i32
      %dma_start3A_34 = arith.constant 0 : i32
      %dma_start3A_35 = tpu.memref_slice %arg4[%arg0, %dma_start3A_32, %dma_start3A_33, %dma_start3A_34] : memref<2x16x157x128xi32, #tpu.memory_space<hbm>> -> memref<1x16x157x128xi32, #tpu.memory_space<hbm>>
      %dma_start3A_36 = tpu.memref_squeeze %dma_start3A_35 : memref<1x16x157x128xi32, #tpu.memory_space<hbm>> -> memref<16x157x128xi32, #tpu.memory_space<hbm>>
      %dma_start3A_37 = arith.constant 0 : i32
      %dma_start3A_38 = arith.constant 0 : i32
      %dma_start3A_39 = tpu.memref_slice %dma_start3A_36[%arg1, %dma_start3A_37, %dma_start3A_38] : memref<16x157x128xi32, #tpu.memory_space<hbm>> -> memref<1x157x128xi32, #tpu.memory_space<hbm>>
      %dma_start3A_40 = tpu.memref_squeeze %dma_start3A_39 : memref<1x157x128xi32, #tpu.memory_space<hbm>> -> memref<157x128xi32, #tpu.memory_space<hbm>>
      tpu.enqueue_dma source(%dma_start3A_40 : memref<157x128xi32, #tpu.memory_space<hbm>>) target(%arg7 : memref<157x128xi32, #tpu.memory_space<vmem>>) target_semaphore(%run_scoped3A : memref<!tpu.dma_semaphore, #tpu.memory_space<semaphore_mem>>)
      %dma_wait3A = arith.constant 0 : i32
      %dma_wait3A_41 = arith.constant 0 : i32
      %dma_wait3A_42 = arith.constant 0 : i32
      %dma_wait3A_43 = tpu.memref_slice %arg4[%arg0, %dma_wait3A, %dma_wait3A_41, %dma_wait3A_42] : memref<2x16x157x128xi32, #tpu.memory_space<hbm>> -> memref<1x16x157x128xi32, #tpu.memory_space<hbm>>
      %dma_wait3A_44 = tpu.memref_squeeze %dma_wait3A_43 : memref<1x16x157x128xi32, #tpu.memory_space<hbm>> -> memref<16x157x128xi32, #tpu.memory_space<hbm>>
      %dma_wait3A_45 = arith.constant 0 : i32
      %dma_wait3A_46 = arith.constant 0 : i32
      %dma_wait3A_47 = tpu.memref_slice %dma_wait3A_44[%arg1, %dma_wait3A_45, %dma_wait3A_46] : memref<16x157x128xi32, #tpu.memory_space<hbm>> -> memref<1x157x128xi32, #tpu.memory_space<hbm>>
      %dma_wait3A_48 = tpu.memref_squeeze %dma_wait3A_47 : memref<1x157x128xi32, #tpu.memory_space<hbm>> -> memref<157x128xi32, #tpu.memory_space<hbm>>
      %dma_wait3A_49 = arith.constant 0 : i32
      %dma_wait3A_50 = arith.constant 0 : i32
      %dma_wait3A_51 = arith.constant 0 : i32
      %dma_wait3A_52 = tpu.memref_slice %arg4[%arg0, %dma_wait3A_49, %dma_wait3A_50, %dma_wait3A_51] : memref<2x16x157x128xi32, #tpu.memory_space<hbm>> -> memref<1x16x157x128xi32, #tpu.memory_space<hbm>>
      %dma_wait3A_53 = tpu.memref_squeeze %dma_wait3A_52 : memref<1x16x157x128xi32, #tpu.memory_space<hbm>> -> memref<16x157x128xi32, #tpu.memory_space<hbm>>
      %dma_wait3A_54 = arith.constant 0 : i32
      %dma_wait3A_55 = arith.constant 0 : i32
      %dma_wait3A_56 = tpu.memref_slice %dma_wait3A_53[%arg1, %dma_wait3A_54, %dma_wait3A_55] : memref<16x157x128xi32, #tpu.memory_space<hbm>> -> memref<1x157x128xi32, #tpu.memory_space<hbm>>
      %dma_wait3A_57 = tpu.memref_squeeze %dma_wait3A_56 : memref<1x157x128xi32, #tpu.memory_space<hbm>> -> memref<157x128xi32, #tpu.memory_space<hbm>>
      tpu.wait_dma2 semaphore(%run_scoped3A : memref<!tpu.dma_semaphore, #tpu.memory_space<semaphore_mem>>) src(%dma_wait3A_57 : memref<157x128xi32, #tpu.memory_space<hbm>>) dst(%arg7 : memref<157x128xi32, #tpu.memory_space<vmem>>)
      tpu.yield
    }) : () -> ()
    %scan3A = arith.constant 0 : i32
    %scan3A_0 = arith.constant 128 : i32
    %scan3A_1 = arith.addi %scan3A, %scan3A_0 : i32
    %scan3A_2 = arith.constant 1 : i32
    scf.for %scan3A_24 = %scan3A to %scan3A_1 step %scan3A_2  : i32 {
      %mul3A_25 = arith.constant 1 : i32
      %mul3A_26 = arith.muli %scan3A_24, %mul3A_25 : i32
      %add3A_27 = arith.constant 0 : i32
      %add3A_28 = arith.addi %add3A_27, %mul3A_26 : i32
      %broadcast_in_dim3A = arith.constant 0.000000e+00 : f32
      %broadcast_in_dim3A_29 = vector.broadcast %broadcast_in_dim3A : f32 to vector<16xf32>
      %swap3A = arith.index_cast %add3A_28 : i32 to index
      %swap3A_30 = arith.constant 0 : index
      %swap3A_31 = tpu.vector_load %arg10[%swap3A, %swap3A_30] {strides = array<i32>} : memref<128x128xf32, #tpu.memory_space<vmem>>, vector<1x16xf32>,
      %swap3A_32 = vector.shape_cast %swap3A_31 : vector<1x16xf32> to vector<16xf32>
      %swap3A_33 = vector.shape_cast %broadcast_in_dim3A_29 : vector<16xf32> to vector<1x16xf32>
      tpu.vector_store %arg10[%swap3A, %swap3A_30], %swap3A_33 {strides = array<i32>} : memref<128x128xf32, #tpu.memory_space<vmem>>, vector<1x16xf32>,
      %broadcast_in_dim3A_34 = arith.constant 0.000000e+00 : f32
      %broadcast_in_dim3A_35 = vector.broadcast %broadcast_in_dim3A_34 : f32 to vector<16xf32>
      %swap3A_36 = arith.index_cast %add3A_28 : i32 to index
      %swap3A_37 = arith.constant 16 : index
      %swap3A_38 = tpu.vector_load %arg10[%swap3A_36, %swap3A_37] {strides = array<i32>} : memref<128x128xf32, #tpu.memory_space<vmem>>, vector<1x16xf32>,
      %swap3A_39 = vector.shape_cast %swap3A_38 : vector<1x16xf32> to vector<16xf32>
      %swap3A_40 = vector.shape_cast %broadcast_in_dim3A_35 : vector<16xf32> to vector<1x16xf32>
      tpu.vector_store %arg10[%swap3A_36, %swap3A_37], %swap3A_40 {strides = array<i32>} : memref<128x128xf32, #tpu.memory_space<vmem>>, vector<1x16xf32>,
      %broadcast_in_dim3A_41 = arith.constant 0.000000e+00 : f32
      %broadcast_in_dim3A_42 = vector.broadcast %broadcast_in_dim3A_41 : f32 to vector<16xf32>
      %swap3A_43 = arith.index_cast %add3A_28 : i32 to index
      %swap3A_44 = arith.constant 32 : index
      %swap3A_45 = tpu.vector_load %arg10[%swap3A_43, %swap3A_44] {strides = array<i32>} : memref<128x128xf32, #tpu.memory_space<vmem>>, vector<1x16xf32>,
      %swap3A_46 = vector.shape_cast %swap3A_45 : vector<1x16xf32> to vector<16xf32>
      %swap3A_47 = vector.shape_cast %broadcast_in_dim3A_42 : vector<16xf32> to vector<1x16xf32>
      tpu.vector_store %arg10[%swap3A_43, %swap3A_44], %swap3A_47 {strides = array<i32>} : memref<128x128xf32, #tpu.memory_space<vmem>>, vector<1x16xf32>,
      %broadcast_in_dim3A_48 = arith.constant 0.000000e+00 : f32
      %broadcast_in_dim3A_49 = vector.broadcast %broadcast_in_dim3A_48 : f32 to vector<16xf32>
      %swap3A_50 = arith.index_cast %add3A_28 : i32 to index
      %swap3A_51 = arith.constant 48 : index
      %swap3A_52 = tpu.vector_load %arg10[%swap3A_50, %swap3A_51] {strides = array<i32>} : memref<128x128xf32, #tpu.memory_space<vmem>>, vector<1x16xf32>,
      %swap3A_53 = vector.shape_cast %swap3A_52 : vector<1x16xf32> to vector<16xf32>
      %swap3A_54 = vector.shape_cast %broadcast_in_dim3A_49 : vector<16xf32> to vector<1x16xf32>
      tpu.vector_store %arg10[%swap3A_50, %swap3A_51], %swap3A_54 {strides = array<i32>} : memref<128x128xf32, #tpu.memory_space<vmem>>, vector<1x16xf32>,
      %broadcast_in_dim3A_55 = arith.constant 0.000000e+00 : f32
      %broadcast_in_dim3A_56 = vector.broadcast %broadcast_in_dim3A_55 : f32 to vector<16xf32>
      %swap3A_57 = arith.index_cast %add3A_28 : i32 to index
      %swap3A_58 = arith.constant 64 : index
      %swap3A_59 = tpu.vector_load %arg10[%swap3A_57, %swap3A_58] {strides = array<i32>} : memref<128x128xf32, #tpu.memory_space<vmem>>, vector<1x16xf32>,
      %swap3A_60 = vector.shape_cast %swap3A_59 : vector<1x16xf32> to vector<16xf32>
      %swap3A_61 = vector.shape_cast %broadcast_in_dim3A_56 : vector<16xf32> to vector<1x16xf32>
      tpu.vector_store %arg10[%swap3A_57, %swap3A_58], %swap3A_61 {strides = array<i32>} : memref<128x128xf32, #tpu.memory_space<vmem>>, vector<1x16xf32>,
      %broadcast_in_dim3A_62 = arith.constant 0.000000e+00 : f32
      %broadcast_in_dim3A_63 = vector.broadcast %broadcast_in_dim3A_62 : f32 to vector<16xf32>
      %swap3A_64 = arith.index_cast %add3A_28 : i32 to index
      %swap3A_65 = arith.constant 80 : index
      %swap3A_66 = tpu.vector_load %arg10[%swap3A_64, %swap3A_65] {strides = array<i32>} : memref<128x128xf32, #tpu.memory_space<vmem>>, vector<1x16xf32>,
      %swap3A_67 = vector.shape_cast %swap3A_66 : vector<1x16xf32> to vector<16xf32>
      %swap3A_68 = vector.shape_cast %broadcast_in_dim3A_63 : vector<16xf32> to vector<1x16xf32>
      tpu.vector_store %arg10[%swap3A_64, %swap3A_65], %swap3A_68 {strides = array<i32>} : memref<128x128xf32, #tpu.memory_space<vmem>>, vector<1x16xf32>,
      %broadcast_in_dim3A_69 = arith.constant 0.000000e+00 : f32
      %broadcast_in_dim3A_70 = vector.broadcast %broadcast_in_dim3A_69 : f32 to vector<16xf32>
      %swap3A_71 = arith.index_cast %add3A_28 : i32 to index
      %swap3A_72 = arith.constant 96 : index
      %swap3A_73 = tpu.vector_load %arg10[%swap3A_71, %swap3A_72] {strides = array<i32>} : memref<128x128xf32, #tpu.memory_space<vmem>>, vector<1x16xf32>,
      %swap3A_74 = vector.shape_cast %swap3A_73 : vector<1x16xf32> to vector<16xf32>
      %swap3A_75 = vector.shape_cast %broadcast_in_dim3A_70 : vector<16xf32> to vector<1x16xf32>
      tpu.vector_store %arg10[%swap3A_71, %swap3A_72], %swap3A_75 {strides = array<i32>} : memref<128x128xf32, #tpu.memory_space<vmem>>, vector<1x16xf32>,
      %broadcast_in_dim3A_76 = arith.constant 0.000000e+00 : f32
      %broadcast_in_dim3A_77 = vector.broadcast %broadcast_in_dim3A_76 : f32 to vector<16xf32>
      %swap3A_78 = arith.index_cast %add3A_28 : i32 to index
      %swap3A_79 = arith.constant 112 : index
      %swap3A_80 = tpu.vector_load %arg10[%swap3A_78, %swap3A_79] {strides = array<i32>} : memref<128x128xf32, #tpu.memory_space<vmem>>, vector<1x16xf32>,
      %swap3A_81 = vector.shape_cast %swap3A_80 : vector<1x16xf32> to vector<16xf32>
      %swap3A_82 = vector.shape_cast %broadcast_in_dim3A_77 : vector<16xf32> to vector<1x16xf32>
      tpu.vector_store %arg10[%swap3A_78, %swap3A_79], %swap3A_82 {strides = array<i32>} : memref<128x128xf32, #tpu.memory_space<vmem>>, vector<1x16xf32>,
    }
    %scan3A_3 = arith.constant 128 : i32
    %mul3A = arith.constant 328 : i32
    %mul3A_4 = arith.muli %arg1, %mul3A : i32
    %scan3A_5 = arith.constant 0 : i32
    %scan3A_6 = arith.constant 2 : i32
    %scan3A_7 = arith.addi %scan3A_5, %scan3A_6 : i32
    %scan3A_8 = arith.constant 1 : i32
    scf.for %scan3A_24 = %scan3A_5 to %scan3A_7 step %scan3A_8  : i32 {
      %mul3A_25 = arith.constant 1 : i32
      %mul3A_26 = arith.muli %scan3A_24, %mul3A_25 : i32
      %add3A_27 = arith.constant 0 : i32
      %add3A_28 = arith.addi %add3A_27, %mul3A_26 : i32
      %mul3A_29 = arith.constant 128 : i32
      %mul3A_30 = arith.muli %add3A_28, %mul3A_29 : i32
      %add3A_31 = arith.addi %mul3A_4, %mul3A_30 : i32
      "tpu.region"() ({
        %run_scoped3A = tpu.sem_alloc : memref<!tpu.dma_semaphore, #tpu.memory_space<semaphore_mem>>
        %dma_start3A = arith.constant 0 : i32
        %dma_start3A_32 = tpu.memref_slice %arg11[%add3A_31, %dma_start3A] : memref<5248x128xf32, #tpu.memory_space<vmem_shared>> -> memref<128x128xf32, #tpu.memory_space<vmem_shared>>
        %dma_start3A_33 = arith.constant 0 : i32
        %dma_start3A_34 = tpu.memref_slice %arg11[%add3A_31, %dma_start3A_33] : memref<5248x128xf32, #tpu.memory_space<vmem_shared>> -> memref<128x128xf32, #tpu.memory_space<vmem_shared>>
        tpu.enqueue_dma source(%arg10 : memref<128x128xf32, #tpu.memory_space<vmem>>) target(%dma_start3A_34 : memref<128x128xf32, #tpu.memory_space<vmem_shared>>) target_semaphore(%run_scoped3A : memref<!tpu.dma_semaphore, #tpu.memory_space<semaphore_mem>>)
        %dma_wait3A = arith.constant 0 : i32
        %dma_wait3A_35 = tpu.memref_slice %arg11[%add3A_31, %dma_wait3A] : memref<5248x128xf32, #tpu.memory_space<vmem_shared>> -> memref<128x128xf32, #tpu.memory_space<vmem_shared>>
        %dma_wait3A_36 = arith.constant 0 : i32
        %dma_wait3A_37 = tpu.memref_slice %arg11[%add3A_31, %dma_wait3A_36] : memref<5248x128xf32, #tpu.memory_space<vmem_shared>> -> memref<128x128xf32, #tpu.memory_space<vmem_shared>>
        tpu.wait_dma2 semaphore(%run_scoped3A : memref<!tpu.dma_semaphore, #tpu.memory_space<semaphore_mem>>) src(%arg10 : memref<128x128xf32, #tpu.memory_space<vmem>>) dst(%dma_wait3A_37 : memref<128x128xf32, #tpu.memory_space<vmem_shared>>)
        tpu.yield
      }) : () -> ()
    }
    %scan3A_9 = arith.constant 2 : i32
    %add3A = arith.constant 256 : i32
    %add3A_10 = arith.addi %mul3A_4, %add3A : i32
    "tpu.region"() ({
      %run_scoped3A = tpu.sem_alloc : memref<!tpu.dma_semaphore, #tpu.memory_space<semaphore_mem>>
      %dma_start3A = arith.constant 0 : i32
      %dma_start3A_24 = arith.constant 0 : i32
      %dma_start3A_25 = tpu.memref_slice %arg10[%dma_start3A, %dma_start3A_24] : memref<128x128xf32, #tpu.memory_space<vmem>> -> memref<72x128xf32, #tpu.memory_space<vmem>>
      %dma_start3A_26 = arith.constant 0 : i32
      %dma_start3A_27 = tpu.memref_slice %arg11[%add3A_10, %dma_start3A_26] : memref<5248x128xf32, #tpu.memory_space<vmem_shared>> -> memref<72x128xf32, #tpu.memory_space<vmem_shared>>
      %dma_start3A_28 = arith.constant 0 : i32
      %dma_start3A_29 = tpu.memref_slice %arg11[%add3A_10, %dma_start3A_28] : memref<5248x128xf32, #tpu.memory_space<vmem_shared>> -> memref<72x128xf32, #tpu.memory_space<vmem_shared>>
      %dma_start3A_30 = arith.constant 0 : i32
      %dma_start3A_31 = arith.constant 0 : i32
      %dma_start3A_32 = tpu.memref_slice %arg10[%dma_start3A_30, %dma_start3A_31] : memref<128x128xf32, #tpu.memory_space<vmem>> -> memref<72x128xf32, #tpu.memory_space<vmem>>
      tpu.enqueue_dma source(%dma_start3A_32 : memref<72x128xf32, #tpu.memory_space<vmem>>) target(%dma_start3A_29 : memref<72x128xf32, #tpu.memory_space<vmem_shared>>) target_semaphore(%run_scoped3A : memref<!tpu.dma_semaphore, #tpu.memory_space<semaphore_mem>>)
      %dma_wait3A = arith.constant 0 : i32
      %dma_wait3A_33 = arith.constant 0 : i32
      %dma_wait3A_34 = tpu.memref_slice %arg10[%dma_wait3A, %dma_wait3A_33] : memref<128x128xf32, #tpu.memory_space<vmem>> -> memref<72x128xf32, #tpu.memory_space<vmem>>
      %dma_wait3A_35 = arith.constant 0 : i32
      %dma_wait3A_36 = tpu.memref_slice %arg11[%add3A_10, %dma_wait3A_35] : memref<5248x128xf32, #tpu.memory_space<vmem_shared>> -> memref<72x128xf32, #tpu.memory_space<vmem_shared>>
      %dma_wait3A_37 = arith.constant 0 : i32
      %dma_wait3A_38 = tpu.memref_slice %arg11[%add3A_10, %dma_wait3A_37] : memref<5248x128xf32, #tpu.memory_space<vmem_shared>> -> memref<72x128xf32, #tpu.memory_space<vmem_shared>>
      %dma_wait3A_39 = arith.constant 0 : i32
      %dma_wait3A_40 = arith.constant 0 : i32
      %dma_wait3A_41 = tpu.memref_slice %arg10[%dma_wait3A_39, %dma_wait3A_40] : memref<128x128xf32, #tpu.memory_space<vmem>> -> memref<72x128xf32, #tpu.memory_space<vmem>>
      tpu.wait_dma2 semaphore(%run_scoped3A : memref<!tpu.dma_semaphore, #tpu.memory_space<semaphore_mem>>) src(%dma_wait3A_41 : memref<72x128xf32, #tpu.memory_space<vmem>>) dst(%dma_wait3A_38 : memref<72x128xf32, #tpu.memory_space<vmem_shared>>)
      tpu.yield
    }) : () -> ()
    %barrier3A = arith.constant 0 : index
    tpu.barrier barrier_id(%barrier3A)
    %scan3A_11 = arith.constant 0 : i32
    %scan3A_12 = arith.constant 157 : i32
    %scan3A_13 = arith.addi %scan3A_11, %scan3A_12 : i32
    %scan3A_14 = arith.constant 1 : i32
    scf.for %scan3A_24 = %scan3A_11 to %scan3A_13 step %scan3A_14  : i32 {
      %mul3A_25 = arith.constant 1 : i32
      %mul3A_26 = arith.muli %scan3A_24, %mul3A_25 : i32
      %add3A_27 = arith.constant 0 : i32
      %add3A_28 = arith.addi %add3A_27, %mul3A_26 : i32
      %dma_start3A = arith.constant 0 : i32
      %dma_start3A_29 = tpu.memref_slice %arg6[%add3A_28, %dma_start3A] : memref<157x128xi32, #tpu.memory_space<vmem>> -> memref<1x128xi32, #tpu.memory_space<vmem>>
      %dma_start3A_30 = tpu.memref_squeeze %dma_start3A_29 : memref<1x128xi32, #tpu.memory_space<vmem>> -> memref<128xi32, #tpu.memory_space<vmem>>
      %dma_start3A_31 = arith.constant 0 : i32
      %dma_start3A_32 = arith.constant 0 : i32
      %dma_start3A_33 = tpu.memref_slice %arg2[%dma_start3A_31, %dma_start3A_32] : memref<10000x128xf32, #tpu.memory_space<hbm>> -> memref<10000x128xf32, #tpu.memory_space<hbm>>
      tpu.enqueue_indirect_dma source(%dma_start3A_33 : memref<10000x128xf32, #tpu.memory_space<hbm>>) target(%arg8 : memref<128x128xf32, #tpu.memory_space<vmem>>) offsets(%dma_start3A_30 : memref<128xi32, #tpu.memory_space<vmem>>) semaphore(%arg12 : memref<!tpu.dma_semaphore, #tpu.memory_space<semaphore_mem>>)
      %dma_wait3A = arith.constant 0 : i32
      %dma_wait3A_34 = tpu.memref_slice %arg6[%add3A_28, %dma_wait3A] : memref<157x128xi32, #tpu.memory_space<vmem>> -> memref<1x128xi32, #tpu.memory_space<vmem>>
      %dma_wait3A_35 = tpu.memref_squeeze %dma_wait3A_34 : memref<1x128xi32, #tpu.memory_space<vmem>> -> memref<128xi32, #tpu.memory_space<vmem>>
      %dma_wait3A_36 = arith.constant 0 : i32
      %dma_wait3A_37 = arith.constant 0 : i32
      %dma_wait3A_38 = tpu.memref_slice %arg2[%dma_wait3A_36, %dma_wait3A_37] : memref<10000x128xf32, #tpu.memory_space<hbm>> -> memref<10000x128xf32, #tpu.memory_space<hbm>>
      tpu.wait_indirect_dma semaphore(%arg12 : memref<!tpu.dma_semaphore, #tpu.memory_space<semaphore_mem>>) src(%dma_wait3A_38 : memref<10000x128xf32, #tpu.memory_space<hbm>>) dst(%arg8 : memref<128x128xf32, #tpu.memory_space<vmem>>)
      "tpu.region"() ({
        %run_scoped3A = tpu.sem_alloc : memref<!tpu.dma_semaphore, #tpu.memory_space<semaphore_mem>>
        %dma_start3A_39 = arith.constant 0 : i32
        %dma_start3A_40 = tpu.memref_slice %arg7[%add3A_28, %dma_start3A_39] : memref<157x128xi32, #tpu.memory_space<vmem>> -> memref<1x128xi32, #tpu.memory_space<vmem>>
        %dma_start3A_41 = tpu.memref_squeeze %dma_start3A_40 : memref<1x128xi32, #tpu.memory_space<vmem>> -> memref<128xi32, #tpu.memory_space<vmem>>
        %dma_start3A_42 = arith.constant 0 : i32
        %dma_start3A_43 = arith.constant 0 : i32
        %dma_start3A_44 = tpu.memref_slice %arg11[%dma_start3A_42, %dma_start3A_43] : memref<5248x128xf32, #tpu.memory_space<vmem_shared>> -> memref<5248x128xf32, #tpu.memory_space<vmem_shared>>
        tpu.enqueue_indirect_dma source(%arg8 : memref<128x128xf32, #tpu.memory_space<vmem>>) target(%dma_start3A_44 : memref<5248x128xf32, #tpu.memory_space<vmem_shared>>) offsets(%dma_start3A_41 : memref<128xi32, #tpu.memory_space<vmem>>) semaphore(%run_scoped3A : memref<!tpu.dma_semaphore, #tpu.memory_space<semaphore_mem>>) {add = true}
        %dma_wait3A_45 = arith.constant 0 : i32
        %dma_wait3A_46 = tpu.memref_slice %arg7[%add3A_28, %dma_wait3A_45] : memref<157x128xi32, #tpu.memory_space<vmem>> -> memref<1x128xi32, #tpu.memory_space<vmem>>
        %dma_wait3A_47 = tpu.memref_squeeze %dma_wait3A_46 : memref<1x128xi32, #tpu.memory_space<vmem>> -> memref<128xi32, #tpu.memory_space<vmem>>
        %dma_wait3A_48 = arith.constant 0 : i32
        %dma_wait3A_49 = arith.constant 0 : i32
        %dma_wait3A_50 = tpu.memref_slice %arg11[%dma_wait3A_48, %dma_wait3A_49] : memref<5248x128xf32, #tpu.memory_space<vmem_shared>> -> memref<5248x128xf32, #tpu.memory_space<vmem_shared>>
        tpu.wait_indirect_dma semaphore(%run_scoped3A : memref<!tpu.dma_semaphore, #tpu.memory_space<semaphore_mem>>) src(%arg8 : memref<128x128xf32, #tpu.memory_space<vmem>>) dst(%dma_wait3A_50 : memref<5248x128xf32, #tpu.memory_space<vmem_shared>>)
        tpu.yield
      }) : () -> ()
    }
    %scan3A_15 = arith.constant 157 : i32
    %barrier3A_16 = arith.constant 0 : index
    tpu.barrier barrier_id(%barrier3A_16)
    %mul3A_17 = arith.constant 320 : i32
    %mul3A_18 = arith.muli %arg1, %mul3A_17 : i32
    %mul3A_19 = arith.constant 5120 : i32
    %mul3A_20 = arith.muli %arg0, %mul3A_19 : i32
    %mul3A_21 = arith.constant 320 : i32
    %mul3A_22 = arith.muli %arg1, %mul3A_21 : i32
    %add3A_23 = arith.addi %mul3A_20, %mul3A_22 : i32
    "tpu.region"() ({
      %run_scoped3A = tpu.sem_alloc : memref<!tpu.dma_semaphore, #tpu.memory_space<semaphore_mem>>
      %dma_start3A = arith.constant 0 : i32
      %dma_start3A_24 = tpu.memref_slice %arg5[%add3A_23, %dma_start3A] : memref<10240x128xf32, #tpu.memory_space<hbm>> -> memref<320x128xf32, #tpu.memory_space<hbm>>
      %dma_start3A_25 = arith.constant 0 : i32
      %dma_start3A_26 = tpu.memref_slice %arg11[%mul3A_18, %dma_start3A_25] : memref<5248x128xf32, #tpu.memory_space<vmem_shared>> -> memref<320x128xf32, #tpu.memory_space<vmem_shared>>
      tpu.enqueue_dma source(%dma_start3A_26 : memref<320x128xf32, #tpu.memory_space<vmem_shared>>) target(%dma_start3A_24 : memref<320x128xf32, #tpu.memory_space<hbm>>) target_semaphore(%run_scoped3A : memref<!tpu.dma_semaphore, #tpu.memory_space<semaphore_mem>>)
      %dma_wait3A = arith.constant 0 : i32
      %dma_wait3A_27 = tpu.memref_slice %arg5[%add3A_23, %dma_wait3A] : memref<10240x128xf32, #tpu.memory_space<hbm>> -> memref<320x128xf32, #tpu.memory_space<hbm>>
      %dma_wait3A_28 = arith.constant 0 : i32
      %dma_wait3A_29 = tpu.memref_slice %arg11[%mul3A_18, %dma_wait3A_28] : memref<5248x128xf32, #tpu.memory_space<vmem_shared>> -> memref<320x128xf32, #tpu.memory_space<vmem_shared>>
      tpu.wait_dma2 semaphore(%run_scoped3A : memref<!tpu.dma_semaphore, #tpu.memory_space<semaphore_mem>>) src(%dma_wait3A_29 : memref<320x128xf32, #tpu.memory_space<vmem_shared>>) dst(%dma_wait3A_27 : memref<320x128xf32, #tpu.memory_space<hbm>>)
      tpu.yield
    }) : () -> ()
    return
  }
}

#map = affine_map<(d0, d1) -> (0, 0)>
#map1 = affine_map<(d0, d1) -> (0, 0, 0)>
#map2 = affine_map<(d0, d1) -> (0, 0, 0, 0)>
module attributes {stable_mosaic.version = 14 : i64} {
  func.func @_sc_agg(%arg0: i32, %arg1: i32, %arg2: memref<10000x128xf32, #tpu.memory_space<hbm>>, %arg3: memref<16x157x128xi32, #tpu.memory_space<hbm>>, %arg4: memref<2x16x157x128xi32, #tpu.memory_space<hbm>>, %arg5: memref<10240x128xf32, #tpu.memory_space<hbm>>, %arg6: memref<157x128xi32, #tpu.memory_space<vmem>>, %arg7: memref<157x128xi32, #tpu.memory_space<vmem>>, %arg8: memref<128x128xf32, #tpu.memory_space<vmem>>, %arg9: memref<128x128xf32, #tpu.memory_space<vmem>>, %arg10: memref<128x128xf32, #tpu.memory_space<vmem>>, %arg11: memref<5248x128xf32, #tpu.memory_space<vmem_shared>>, %arg12: memref<!tpu.dma_semaphore, #tpu.memory_space<semaphore_mem>>, %arg13: memref<!tpu.dma_semaphore, #tpu.memory_space<semaphore_mem>>) attributes {dimension_semantics = [#tpu.dimension_semantics<core_parallel>, #tpu.dimension_semantics<subcore_parallel>], iteration_bounds = array<i64: 2, 16>, scalar_prefetch = 0 : i64, scratch_operands = 8 : i64, tpu.core_type = #tpu.core_type<sc_vector_subcore>, window_params = [{transform_indices = #map}, {transform_indices = #map1}, {transform_indices = #map2}, {transform_indices = #map}]} {
    "tpu.region"() ({
      %run_scoped3A = tpu.sem_alloc : memref<!tpu.dma_semaphore, #tpu.memory_space<semaphore_mem>>
      %dma_start3A = arith.constant 0 : i32
      %dma_start3A_24 = arith.constant 0 : i32
      %dma_start3A_25 = tpu.memref_slice %arg3[%arg1, %dma_start3A, %dma_start3A_24] : memref<16x157x128xi32, #tpu.memory_space<hbm>> -> memref<1x157x128xi32, #tpu.memory_space<hbm>>
      %dma_start3A_26 = tpu.memref_squeeze %dma_start3A_25 : memref<1x157x128xi32, #tpu.memory_space<hbm>> -> memref<157x128xi32, #tpu.memory_space<hbm>>
      %dma_start3A_27 = arith.constant 0 : i32
      %dma_start3A_28 = arith.constant 0 : i32
      %dma_start3A_29 = tpu.memref_slice %arg3[%arg1, %dma_start3A_27, %dma_start3A_28] : memref<16x157x128xi32, #tpu.memory_space<hbm>> -> memref<1x157x128xi32, #tpu.memory_space<hbm>>
      %dma_start3A_30 = tpu.memref_squeeze %dma_start3A_29 : memref<1x157x128xi32, #tpu.memory_space<hbm>> -> memref<157x128xi32, #tpu.memory_space<hbm>>
      tpu.enqueue_dma source(%dma_start3A_30 : memref<157x128xi32, #tpu.memory_space<hbm>>) target(%arg6 : memref<157x128xi32, #tpu.memory_space<vmem>>) target_semaphore(%run_scoped3A : memref<!tpu.dma_semaphore, #tpu.memory_space<semaphore_mem>>)
      %dma_wait3A = arith.constant 0 : i32
      %dma_wait3A_31 = arith.constant 0 : i32
      %dma_wait3A_32 = tpu.memref_slice %arg3[%arg1, %dma_wait3A, %dma_wait3A_31] : memref<16x157x128xi32, #tpu.memory_space<hbm>> -> memref<1x157x128xi32, #tpu.memory_space<hbm>>
      %dma_wait3A_33 = tpu.memref_squeeze %dma_wait3A_32 : memref<1x157x128xi32, #tpu.memory_space<hbm>> -> memref<157x128xi32, #tpu.memory_space<hbm>>
      %dma_wait3A_34 = arith.constant 0 : i32
      %dma_wait3A_35 = arith.constant 0 : i32
      %dma_wait3A_36 = tpu.memref_slice %arg3[%arg1, %dma_wait3A_34, %dma_wait3A_35] : memref<16x157x128xi32, #tpu.memory_space<hbm>> -> memref<1x157x128xi32, #tpu.memory_space<hbm>>
      %dma_wait3A_37 = tpu.memref_squeeze %dma_wait3A_36 : memref<1x157x128xi32, #tpu.memory_space<hbm>> -> memref<157x128xi32, #tpu.memory_space<hbm>>
      tpu.wait_dma2 semaphore(%run_scoped3A : memref<!tpu.dma_semaphore, #tpu.memory_space<semaphore_mem>>) src(%dma_wait3A_37 : memref<157x128xi32, #tpu.memory_space<hbm>>) dst(%arg6 : memref<157x128xi32, #tpu.memory_space<vmem>>)
      tpu.yield
    }) : () -> ()
    "tpu.region"() ({
      %run_scoped3A = tpu.sem_alloc : memref<!tpu.dma_semaphore, #tpu.memory_space<semaphore_mem>>
      %dma_start3A = arith.constant 0 : i32
      %dma_start3A_24 = arith.constant 0 : i32
      %dma_start3A_25 = arith.constant 0 : i32
      %dma_start3A_26 = tpu.memref_slice %arg4[%arg0, %dma_start3A, %dma_start3A_24, %dma_start3A_25] : memref<2x16x157x128xi32, #tpu.memory_space<hbm>> -> memref<1x16x157x128xi32, #tpu.memory_space<hbm>>
      %dma_start3A_27 = tpu.memref_squeeze %dma_start3A_26 : memref<1x16x157x128xi32, #tpu.memory_space<hbm>> -> memref<16x157x128xi32, #tpu.memory_space<hbm>>
      %dma_start3A_28 = arith.constant 0 : i32
      %dma_start3A_29 = arith.constant 0 : i32
      %dma_start3A_30 = tpu.memref_slice %dma_start3A_27[%arg1, %dma_start3A_28, %dma_start3A_29] : memref<16x157x128xi32, #tpu.memory_space<hbm>> -> memref<1x157x128xi32, #tpu.memory_space<hbm>>
      %dma_start3A_31 = tpu.memref_squeeze %dma_start3A_30 : memref<1x157x128xi32, #tpu.memory_space<hbm>> -> memref<157x128xi32, #tpu.memory_space<hbm>>
      %dma_start3A_32 = arith.constant 0 : i32
      %dma_start3A_33 = arith.constant 0 : i32
      %dma_start3A_34 = arith.constant 0 : i32
      %dma_start3A_35 = tpu.memref_slice %arg4[%arg0, %dma_start3A_32, %dma_start3A_33, %dma_start3A_34] : memref<2x16x157x128xi32, #tpu.memory_space<hbm>> -> memref<1x16x157x128xi32, #tpu.memory_space<hbm>>
      %dma_start3A_36 = tpu.memref_squeeze %dma_start3A_35 : memref<1x16x157x128xi32, #tpu.memory_space<hbm>> -> memref<16x157x128xi32, #tpu.memory_space<hbm>>
      %dma_start3A_37 = arith.constant 0 : i32
      %dma_start3A_38 = arith.constant 0 : i32
      %dma_start3A_39 = tpu.memref_slice %dma_start3A_36[%arg1, %dma_start3A_37, %dma_start3A_38] : memref<16x157x128xi32, #tpu.memory_space<hbm>> -> memref<1x157x128xi32, #tpu.memory_space<hbm>>
      %dma_start3A_40 = tpu.memref_squeeze %dma_start3A_39 : memref<1x157x128xi32, #tpu.memory_space<hbm>> -> memref<157x128xi32, #tpu.memory_space<hbm>>
      tpu.enqueue_dma source(%dma_start3A_40 : memref<157x128xi32, #tpu.memory_space<hbm>>) target(%arg7 : memref<157x128xi32, #tpu.memory_space<vmem>>) target_semaphore(%run_scoped3A : memref<!tpu.dma_semaphore, #tpu.memory_space<semaphore_mem>>)
      %dma_wait3A = arith.constant 0 : i32
      %dma_wait3A_41 = arith.constant 0 : i32
      %dma_wait3A_42 = arith.constant 0 : i32
      %dma_wait3A_43 = tpu.memref_slice %arg4[%arg0, %dma_wait3A, %dma_wait3A_41, %dma_wait3A_42] : memref<2x16x157x128xi32, #tpu.memory_space<hbm>> -> memref<1x16x157x128xi32, #tpu.memory_space<hbm>>
      %dma_wait3A_44 = tpu.memref_squeeze %dma_wait3A_43 : memref<1x16x157x128xi32, #tpu.memory_space<hbm>> -> memref<16x157x128xi32, #tpu.memory_space<hbm>>
      %dma_wait3A_45 = arith.constant 0 : i32
      %dma_wait3A_46 = arith.constant 0 : i32
      %dma_wait3A_47 = tpu.memref_slice %dma_wait3A_44[%arg1, %dma_wait3A_45, %dma_wait3A_46] : memref<16x157x128xi32, #tpu.memory_space<hbm>> -> memref<1x157x128xi32, #tpu.memory_space<hbm>>
      %dma_wait3A_48 = tpu.memref_squeeze %dma_wait3A_47 : memref<1x157x128xi32, #tpu.memory_space<hbm>> -> memref<157x128xi32, #tpu.memory_space<hbm>>
      %dma_wait3A_49 = arith.constant 0 : i32
      %dma_wait3A_50 = arith.constant 0 : i32
      %dma_wait3A_51 = arith.constant 0 : i32
      %dma_wait3A_52 = tpu.memref_slice %arg4[%arg0, %dma_wait3A_49, %dma_wait3A_50, %dma_wait3A_51] : memref<2x16x157x128xi32, #tpu.memory_space<hbm>> -> memref<1x16x157x128xi32, #tpu.memory_space<hbm>>
      %dma_wait3A_53 = tpu.memref_squeeze %dma_wait3A_52 : memref<1x16x157x128xi32, #tpu.memory_space<hbm>> -> memref<16x157x128xi32, #tpu.memory_space<hbm>>
      %dma_wait3A_54 = arith.constant 0 : i32
      %dma_wait3A_55 = arith.constant 0 : i32
      %dma_wait3A_56 = tpu.memref_slice %dma_wait3A_53[%arg1, %dma_wait3A_54, %dma_wait3A_55] : memref<16x157x128xi32, #tpu.memory_space<hbm>> -> memref<1x157x128xi32, #tpu.memory_space<hbm>>
      %dma_wait3A_57 = tpu.memref_squeeze %dma_wait3A_56 : memref<1x157x128xi32, #tpu.memory_space<hbm>> -> memref<157x128xi32, #tpu.memory_space<hbm>>
      tpu.wait_dma2 semaphore(%run_scoped3A : memref<!tpu.dma_semaphore, #tpu.memory_space<semaphore_mem>>) src(%dma_wait3A_57 : memref<157x128xi32, #tpu.memory_space<hbm>>) dst(%arg7 : memref<157x128xi32, #tpu.memory_space<vmem>>)
      tpu.yield
    }) : () -> ()
    %scan3A = arith.constant 0 : i32
    %scan3A_0 = arith.constant 128 : i32
    %scan3A_1 = arith.addi %scan3A, %scan3A_0 : i32
    %scan3A_2 = arith.constant 1 : i32
    scf.for %scan3A_24 = %scan3A to %scan3A_1 step %scan3A_2  : i32 {
      %mul3A_25 = arith.constant 1 : i32
      %mul3A_26 = arith.muli %scan3A_24, %mul3A_25 : i32
      %add3A_27 = arith.constant 0 : i32
      %add3A_28 = arith.addi %add3A_27, %mul3A_26 : i32
      %broadcast_in_dim3A = arith.constant 0.000000e+00 : f32
      %broadcast_in_dim3A_29 = vector.broadcast %broadcast_in_dim3A : f32 to vector<16xf32>
      %swap3A = arith.index_cast %add3A_28 : i32 to index
      %swap3A_30 = arith.constant 0 : index
      %swap3A_31 = tpu.vector_load %arg10[%swap3A, %swap3A_30] {strides = array<i32>} : memref<128x128xf32, #tpu.memory_space<vmem>>, vector<1x16xf32>,
      %swap3A_32 = vector.shape_cast %swap3A_31 : vector<1x16xf32> to vector<16xf32>
      %swap3A_33 = vector.shape_cast %broadcast_in_dim3A_29 : vector<16xf32> to vector<1x16xf32>
      tpu.vector_store %arg10[%swap3A, %swap3A_30], %swap3A_33 {strides = array<i32>} : memref<128x128xf32, #tpu.memory_space<vmem>>, vector<1x16xf32>,
      %broadcast_in_dim3A_34 = arith.constant 0.000000e+00 : f32
      %broadcast_in_dim3A_35 = vector.broadcast %broadcast_in_dim3A_34 : f32 to vector<16xf32>
      %swap3A_36 = arith.index_cast %add3A_28 : i32 to index
      %swap3A_37 = arith.constant 16 : index
      %swap3A_38 = tpu.vector_load %arg10[%swap3A_36, %swap3A_37] {strides = array<i32>} : memref<128x128xf32, #tpu.memory_space<vmem>>, vector<1x16xf32>,
      %swap3A_39 = vector.shape_cast %swap3A_38 : vector<1x16xf32> to vector<16xf32>
      %swap3A_40 = vector.shape_cast %broadcast_in_dim3A_35 : vector<16xf32> to vector<1x16xf32>
      tpu.vector_store %arg10[%swap3A_36, %swap3A_37], %swap3A_40 {strides = array<i32>} : memref<128x128xf32, #tpu.memory_space<vmem>>, vector<1x16xf32>,
      %broadcast_in_dim3A_41 = arith.constant 0.000000e+00 : f32
      %broadcast_in_dim3A_42 = vector.broadcast %broadcast_in_dim3A_41 : f32 to vector<16xf32>
      %swap3A_43 = arith.index_cast %add3A_28 : i32 to index
      %swap3A_44 = arith.constant 32 : index
      %swap3A_45 = tpu.vector_load %arg10[%swap3A_43, %swap3A_44] {strides = array<i32>} : memref<128x128xf32, #tpu.memory_space<vmem>>, vector<1x16xf32>,
      %swap3A_46 = vector.shape_cast %swap3A_45 : vector<1x16xf32> to vector<16xf32>
      %swap3A_47 = vector.shape_cast %broadcast_in_dim3A_42 : vector<16xf32> to vector<1x16xf32>
      tpu.vector_store %arg10[%swap3A_43, %swap3A_44], %swap3A_47 {strides = array<i32>} : memref<128x128xf32, #tpu.memory_space<vmem>>, vector<1x16xf32>,
      %broadcast_in_dim3A_48 = arith.constant 0.000000e+00 : f32
      %broadcast_in_dim3A_49 = vector.broadcast %broadcast_in_dim3A_48 : f32 to vector<16xf32>
      %swap3A_50 = arith.index_cast %add3A_28 : i32 to index
      %swap3A_51 = arith.constant 48 : index
      %swap3A_52 = tpu.vector_load %arg10[%swap3A_50, %swap3A_51] {strides = array<i32>} : memref<128x128xf32, #tpu.memory_space<vmem>>, vector<1x16xf32>,
      %swap3A_53 = vector.shape_cast %swap3A_52 : vector<1x16xf32> to vector<16xf32>
      %swap3A_54 = vector.shape_cast %broadcast_in_dim3A_49 : vector<16xf32> to vector<1x16xf32>
      tpu.vector_store %arg10[%swap3A_50, %swap3A_51], %swap3A_54 {strides = array<i32>} : memref<128x128xf32, #tpu.memory_space<vmem>>, vector<1x16xf32>,
      %broadcast_in_dim3A_55 = arith.constant 0.000000e+00 : f32
      %broadcast_in_dim3A_56 = vector.broadcast %broadcast_in_dim3A_55 : f32 to vector<16xf32>
      %swap3A_57 = arith.index_cast %add3A_28 : i32 to index
      %swap3A_58 = arith.constant 64 : index
      %swap3A_59 = tpu.vector_load %arg10[%swap3A_57, %swap3A_58] {strides = array<i32>} : memref<128x128xf32, #tpu.memory_space<vmem>>, vector<1x16xf32>,
      %swap3A_60 = vector.shape_cast %swap3A_59 : vector<1x16xf32> to vector<16xf32>
      %swap3A_61 = vector.shape_cast %broadcast_in_dim3A_56 : vector<16xf32> to vector<1x16xf32>
      tpu.vector_store %arg10[%swap3A_57, %swap3A_58], %swap3A_61 {strides = array<i32>} : memref<128x128xf32, #tpu.memory_space<vmem>>, vector<1x16xf32>,
      %broadcast_in_dim3A_62 = arith.constant 0.000000e+00 : f32
      %broadcast_in_dim3A_63 = vector.broadcast %broadcast_in_dim3A_62 : f32 to vector<16xf32>
      %swap3A_64 = arith.index_cast %add3A_28 : i32 to index
      %swap3A_65 = arith.constant 80 : index
      %swap3A_66 = tpu.vector_load %arg10[%swap3A_64, %swap3A_65] {strides = array<i32>} : memref<128x128xf32, #tpu.memory_space<vmem>>, vector<1x16xf32>,
      %swap3A_67 = vector.shape_cast %swap3A_66 : vector<1x16xf32> to vector<16xf32>
      %swap3A_68 = vector.shape_cast %broadcast_in_dim3A_63 : vector<16xf32> to vector<1x16xf32>
      tpu.vector_store %arg10[%swap3A_64, %swap3A_65], %swap3A_68 {strides = array<i32>} : memref<128x128xf32, #tpu.memory_space<vmem>>, vector<1x16xf32>,
      %broadcast_in_dim3A_69 = arith.constant 0.000000e+00 : f32
      %broadcast_in_dim3A_70 = vector.broadcast %broadcast_in_dim3A_69 : f32 to vector<16xf32>
      %swap3A_71 = arith.index_cast %add3A_28 : i32 to index
      %swap3A_72 = arith.constant 96 : index
      %swap3A_73 = tpu.vector_load %arg10[%swap3A_71, %swap3A_72] {strides = array<i32>} : memref<128x128xf32, #tpu.memory_space<vmem>>, vector<1x16xf32>,
      %swap3A_74 = vector.shape_cast %swap3A_73 : vector<1x16xf32> to vector<16xf32>
      %swap3A_75 = vector.shape_cast %broadcast_in_dim3A_70 : vector<16xf32> to vector<1x16xf32>
      tpu.vector_store %arg10[%swap3A_71, %swap3A_72], %swap3A_75 {strides = array<i32>} : memref<128x128xf32, #tpu.memory_space<vmem>>, vector<1x16xf32>,
      %broadcast_in_dim3A_76 = arith.constant 0.000000e+00 : f32
      %broadcast_in_dim3A_77 = vector.broadcast %broadcast_in_dim3A_76 : f32 to vector<16xf32>
      %swap3A_78 = arith.index_cast %add3A_28 : i32 to index
      %swap3A_79 = arith.constant 112 : index
      %swap3A_80 = tpu.vector_load %arg10[%swap3A_78, %swap3A_79] {strides = array<i32>} : memref<128x128xf32, #tpu.memory_space<vmem>>, vector<1x16xf32>,
      %swap3A_81 = vector.shape_cast %swap3A_80 : vector<1x16xf32> to vector<16xf32>
      %swap3A_82 = vector.shape_cast %broadcast_in_dim3A_77 : vector<16xf32> to vector<1x16xf32>
      tpu.vector_store %arg10[%swap3A_78, %swap3A_79], %swap3A_82 {strides = array<i32>} : memref<128x128xf32, #tpu.memory_space<vmem>>, vector<1x16xf32>,
    }
    %scan3A_3 = arith.constant 128 : i32
    %mul3A = arith.constant 328 : i32
    %mul3A_4 = arith.muli %arg1, %mul3A : i32
    %scan3A_5 = arith.constant 0 : i32
    %scan3A_6 = arith.constant 2 : i32
    %scan3A_7 = arith.addi %scan3A_5, %scan3A_6 : i32
    %scan3A_8 = arith.constant 1 : i32
    scf.for %scan3A_24 = %scan3A_5 to %scan3A_7 step %scan3A_8  : i32 {
      %mul3A_25 = arith.constant 1 : i32
      %mul3A_26 = arith.muli %scan3A_24, %mul3A_25 : i32
      %add3A_27 = arith.constant 0 : i32
      %add3A_28 = arith.addi %add3A_27, %mul3A_26 : i32
      %mul3A_29 = arith.constant 128 : i32
      %mul3A_30 = arith.muli %add3A_28, %mul3A_29 : i32
      %add3A_31 = arith.addi %mul3A_4, %mul3A_30 : i32
      "tpu.region"() ({
        %run_scoped3A = tpu.sem_alloc : memref<!tpu.dma_semaphore, #tpu.memory_space<semaphore_mem>>
        %dma_start3A = arith.constant 0 : i32
        %dma_start3A_32 = tpu.memref_slice %arg11[%add3A_31, %dma_start3A] : memref<5248x128xf32, #tpu.memory_space<vmem_shared>> -> memref<128x128xf32, #tpu.memory_space<vmem_shared>>
        %dma_start3A_33 = arith.constant 0 : i32
        %dma_start3A_34 = tpu.memref_slice %arg11[%add3A_31, %dma_start3A_33] : memref<5248x128xf32, #tpu.memory_space<vmem_shared>> -> memref<128x128xf32, #tpu.memory_space<vmem_shared>>
        tpu.enqueue_dma source(%arg10 : memref<128x128xf32, #tpu.memory_space<vmem>>) target(%dma_start3A_34 : memref<128x128xf32, #tpu.memory_space<vmem_shared>>) target_semaphore(%run_scoped3A : memref<!tpu.dma_semaphore, #tpu.memory_space<semaphore_mem>>)
        %dma_wait3A = arith.constant 0 : i32
        %dma_wait3A_35 = tpu.memref_slice %arg11[%add3A_31, %dma_wait3A] : memref<5248x128xf32, #tpu.memory_space<vmem_shared>> -> memref<128x128xf32, #tpu.memory_space<vmem_shared>>
        %dma_wait3A_36 = arith.constant 0 : i32
        %dma_wait3A_37 = tpu.memref_slice %arg11[%add3A_31, %dma_wait3A_36] : memref<5248x128xf32, #tpu.memory_space<vmem_shared>> -> memref<128x128xf32, #tpu.memory_space<vmem_shared>>
        tpu.wait_dma2 semaphore(%run_scoped3A : memref<!tpu.dma_semaphore, #tpu.memory_space<semaphore_mem>>) src(%arg10 : memref<128x128xf32, #tpu.memory_space<vmem>>) dst(%dma_wait3A_37 : memref<128x128xf32, #tpu.memory_space<vmem_shared>>)
        tpu.yield
      }) : () -> ()
    }
    %scan3A_9 = arith.constant 2 : i32
    %add3A = arith.constant 256 : i32
    %add3A_10 = arith.addi %mul3A_4, %add3A : i32
    "tpu.region"() ({
      %run_scoped3A = tpu.sem_alloc : memref<!tpu.dma_semaphore, #tpu.memory_space<semaphore_mem>>
      %dma_start3A = arith.constant 0 : i32
      %dma_start3A_24 = arith.constant 0 : i32
      %dma_start3A_25 = tpu.memref_slice %arg10[%dma_start3A, %dma_start3A_24] : memref<128x128xf32, #tpu.memory_space<vmem>> -> memref<72x128xf32, #tpu.memory_space<vmem>>
      %dma_start3A_26 = arith.constant 0 : i32
      %dma_start3A_27 = tpu.memref_slice %arg11[%add3A_10, %dma_start3A_26] : memref<5248x128xf32, #tpu.memory_space<vmem_shared>> -> memref<72x128xf32, #tpu.memory_space<vmem_shared>>
      %dma_start3A_28 = arith.constant 0 : i32
      %dma_start3A_29 = tpu.memref_slice %arg11[%add3A_10, %dma_start3A_28] : memref<5248x128xf32, #tpu.memory_space<vmem_shared>> -> memref<72x128xf32, #tpu.memory_space<vmem_shared>>
      %dma_start3A_30 = arith.constant 0 : i32
      %dma_start3A_31 = arith.constant 0 : i32
      %dma_start3A_32 = tpu.memref_slice %arg10[%dma_start3A_30, %dma_start3A_31] : memref<128x128xf32, #tpu.memory_space<vmem>> -> memref<72x128xf32, #tpu.memory_space<vmem>>
      tpu.enqueue_dma source(%dma_start3A_32 : memref<72x128xf32, #tpu.memory_space<vmem>>) target(%dma_start3A_29 : memref<72x128xf32, #tpu.memory_space<vmem_shared>>) target_semaphore(%run_scoped3A : memref<!tpu.dma_semaphore, #tpu.memory_space<semaphore_mem>>)
      %dma_wait3A = arith.constant 0 : i32
      %dma_wait3A_33 = arith.constant 0 : i32
      %dma_wait3A_34 = tpu.memref_slice %arg10[%dma_wait3A, %dma_wait3A_33] : memref<128x128xf32, #tpu.memory_space<vmem>> -> memref<72x128xf32, #tpu.memory_space<vmem>>
      %dma_wait3A_35 = arith.constant 0 : i32
      %dma_wait3A_36 = tpu.memref_slice %arg11[%add3A_10, %dma_wait3A_35] : memref<5248x128xf32, #tpu.memory_space<vmem_shared>> -> memref<72x128xf32, #tpu.memory_space<vmem_shared>>
      %dma_wait3A_37 = arith.constant 0 : i32
      %dma_wait3A_38 = tpu.memref_slice %arg11[%add3A_10, %dma_wait3A_37] : memref<5248x128xf32, #tpu.memory_space<vmem_shared>> -> memref<72x128xf32, #tpu.memory_space<vmem_shared>>
      %dma_wait3A_39 = arith.constant 0 : i32
      %dma_wait3A_40 = arith.constant 0 : i32
      %dma_wait3A_41 = tpu.memref_slice %arg10[%dma_wait3A_39, %dma_wait3A_40] : memref<128x128xf32, #tpu.memory_space<vmem>> -> memref<72x128xf32, #tpu.memory_space<vmem>>
      tpu.wait_dma2 semaphore(%run_scoped3A : memref<!tpu.dma_semaphore, #tpu.memory_space<semaphore_mem>>) src(%dma_wait3A_41 : memref<72x128xf32, #tpu.memory_space<vmem>>) dst(%dma_wait3A_38 : memref<72x128xf32, #tpu.memory_space<vmem_shared>>)
      tpu.yield
    }) : () -> ()
    %barrier3A = arith.constant 0 : index
    tpu.barrier barrier_id(%barrier3A)
    %scan3A_11 = arith.constant 0 : i32
    %scan3A_12 = arith.constant 157 : i32
    %scan3A_13 = arith.addi %scan3A_11, %scan3A_12 : i32
    %scan3A_14 = arith.constant 1 : i32
    scf.for %scan3A_24 = %scan3A_11 to %scan3A_13 step %scan3A_14  : i32 {
      %mul3A_25 = arith.constant 1 : i32
      %mul3A_26 = arith.muli %scan3A_24, %mul3A_25 : i32
      %add3A_27 = arith.constant 0 : i32
      %add3A_28 = arith.addi %add3A_27, %mul3A_26 : i32
      %dma_start3A = arith.constant 0 : i32
      %dma_start3A_29 = tpu.memref_slice %arg6[%add3A_28, %dma_start3A] : memref<157x128xi32, #tpu.memory_space<vmem>> -> memref<1x128xi32, #tpu.memory_space<vmem>>
      %dma_start3A_30 = tpu.memref_squeeze %dma_start3A_29 : memref<1x128xi32, #tpu.memory_space<vmem>> -> memref<128xi32, #tpu.memory_space<vmem>>
      %dma_start3A_31 = arith.constant 0 : i32
      %dma_start3A_32 = arith.constant 0 : i32
      %dma_start3A_33 = tpu.memref_slice %arg2[%dma_start3A_31, %dma_start3A_32] : memref<10000x128xf32, #tpu.memory_space<hbm>> -> memref<10000x128xf32, #tpu.memory_space<hbm>>
      tpu.enqueue_indirect_dma source(%dma_start3A_33 : memref<10000x128xf32, #tpu.memory_space<hbm>>) target(%arg8 : memref<128x128xf32, #tpu.memory_space<vmem>>) offsets(%dma_start3A_30 : memref<128xi32, #tpu.memory_space<vmem>>) semaphore(%arg12 : memref<!tpu.dma_semaphore, #tpu.memory_space<semaphore_mem>>)
      %dma_wait3A = arith.constant 0 : i32
      %dma_wait3A_34 = tpu.memref_slice %arg6[%add3A_28, %dma_wait3A] : memref<157x128xi32, #tpu.memory_space<vmem>> -> memref<1x128xi32, #tpu.memory_space<vmem>>
      %dma_wait3A_35 = tpu.memref_squeeze %dma_wait3A_34 : memref<1x128xi32, #tpu.memory_space<vmem>> -> memref<128xi32, #tpu.memory_space<vmem>>
      %dma_wait3A_36 = arith.constant 0 : i32
      %dma_wait3A_37 = arith.constant 0 : i32
      %dma_wait3A_38 = tpu.memref_slice %arg2[%dma_wait3A_36, %dma_wait3A_37] : memref<10000x128xf32, #tpu.memory_space<hbm>> -> memref<10000x128xf32, #tpu.memory_space<hbm>>
      tpu.wait_indirect_dma semaphore(%arg12 : memref<!tpu.dma_semaphore, #tpu.memory_space<semaphore_mem>>) src(%dma_wait3A_38 : memref<10000x128xf32, #tpu.memory_space<hbm>>) dst(%arg8 : memref<128x128xf32, #tpu.memory_space<vmem>>)
      "tpu.region"() ({
        %run_scoped3A = tpu.sem_alloc : memref<!tpu.dma_semaphore, #tpu.memory_space<semaphore_mem>>
        %dma_start3A_39 = arith.constant 0 : i32
        %dma_start3A_40 = tpu.memref_slice %arg7[%add3A_28, %dma_start3A_39] : memref<157x128xi32, #tpu.memory_space<vmem>> -> memref<1x128xi32, #tpu.memory_space<vmem>>
        %dma_start3A_41 = tpu.memref_squeeze %dma_start3A_40 : memref<1x128xi32, #tpu.memory_space<vmem>> -> memref<128xi32, #tpu.memory_space<vmem>>
        %dma_start3A_42 = arith.constant 0 : i32
        %dma_start3A_43 = arith.constant 0 : i32
        %dma_start3A_44 = tpu.memref_slice %arg11[%dma_start3A_42, %dma_start3A_43] : memref<5248x128xf32, #tpu.memory_space<vmem_shared>> -> memref<5248x128xf32, #tpu.memory_space<vmem_shared>>
        tpu.enqueue_indirect_dma source(%arg8 : memref<128x128xf32, #tpu.memory_space<vmem>>) target(%dma_start3A_44 : memref<5248x128xf32, #tpu.memory_space<vmem_shared>>) offsets(%dma_start3A_41 : memref<128xi32, #tpu.memory_space<vmem>>) semaphore(%run_scoped3A : memref<!tpu.dma_semaphore, #tpu.memory_space<semaphore_mem>>) {add = true}
        %dma_wait3A_45 = arith.constant 0 : i32
        %dma_wait3A_46 = tpu.memref_slice %arg7[%add3A_28, %dma_wait3A_45] : memref<157x128xi32, #tpu.memory_space<vmem>> -> memref<1x128xi32, #tpu.memory_space<vmem>>
        %dma_wait3A_47 = tpu.memref_squeeze %dma_wait3A_46 : memref<1x128xi32, #tpu.memory_space<vmem>> -> memref<128xi32, #tpu.memory_space<vmem>>
        %dma_wait3A_48 = arith.constant 0 : i32
        %dma_wait3A_49 = arith.constant 0 : i32
        %dma_wait3A_50 = tpu.memref_slice %arg11[%dma_wait3A_48, %dma_wait3A_49] : memref<5248x128xf32, #tpu.memory_space<vmem_shared>> -> memref<5248x128xf32, #tpu.memory_space<vmem_shared>>
        tpu.wait_indirect_dma semaphore(%run_scoped3A : memref<!tpu.dma_semaphore, #tpu.memory_space<semaphore_mem>>) src(%arg8 : memref<128x128xf32, #tpu.memory_space<vmem>>) dst(%dma_wait3A_50 : memref<5248x128xf32, #tpu.memory_space<vmem_shared>>)
        tpu.yield
      }) : () -> ()
    }
    %scan3A_15 = arith.constant 157 : i32
    %barrier3A_16 = arith.constant 0 : index
    tpu.barrier barrier_id(%barrier3A_16)
    %mul3A_17 = arith.constant 320 : i32
    %mul3A_18 = arith.muli %arg1, %mul3A_17 : i32
    %mul3A_19 = arith.constant 5120 : i32
    %mul3A_20 = arith.muli %arg0, %mul3A_19 : i32
    %mul3A_21 = arith.constant 320 : i32
    %mul3A_22 = arith.muli %arg1, %mul3A_21 : i32
    %add3A_23 = arith.addi %mul3A_20, %mul3A_22 : i32
    "tpu.region"() ({
      %run_scoped3A = tpu.sem_alloc : memref<!tpu.dma_semaphore, #tpu.memory_space<semaphore_mem>>
      %dma_start3A = arith.constant 0 : i32
      %dma_start3A_24 = tpu.memref_slice %arg5[%add3A_23, %dma_start3A] : memref<10240x128xf32, #tpu.memory_space<hbm>> -> memref<320x128xf32, #tpu.memory_space<hbm>>
      %dma_start3A_25 = arith.constant 0 : i32
      %dma_start3A_26 = tpu.memref_slice %arg11[%mul3A_18, %dma_start3A_25] : memref<5248x128xf32, #tpu.memory_space<vmem_shared>> -> memref<320x128xf32, #tpu.memory_space<vmem_shared>>
      tpu.enqueue_dma source(%dma_start3A_26 : memref<320x128xf32, #tpu.memory_space<vmem_shared>>) target(%dma_start3A_24 : memref<320x128xf32, #tpu.memory_space<hbm>>) target_semaphore(%run_scoped3A : memref<!tpu.dma_semaphore, #tpu.memory_space<semaphore_mem>>)
      %dma_wait3A = arith.constant 0 : i32
      %dma_wait3A_27 = tpu.memref_slice %arg5[%add3A_23, %dma_wait3A] : memref<10240x128xf32, #tpu.memory_space<hbm>> -> memref<320x128xf32, #tpu.memory_space<hbm>>
      %dma_wait3A_28 = arith.constant 0 : i32
      %dma_wait3A_29 = tpu.memref_slice %arg11[%mul3A_18, %dma_wait3A_28] : memref<5248x128xf32, #tpu.memory_space<vmem_shared>> -> memref<320x128xf32, #tpu.memory_space<vmem_shared>>
      tpu.wait_dma2 semaphore(%run_scoped3A : memref<!tpu.dma_semaphore, #tpu.memory_space<semaphore_mem>>) src(%dma_wait3A_29 : memref<320x128xf32, #tpu.memory_space<vmem_shared>>) dst(%dma_wait3A_27 : memref<320x128xf32, #tpu.memory_space<hbm>>)
      tpu.yield
    }) : () -> ()
    return
  }
}

module attributes {stable_mosaic.version = 14 : i64} {
  func.func @_clamp_body(%arg0: i32, %arg1: memref<2500x128xi32, #tpu.memory_space<vmem>>, %arg2: memref<2500x128xi32, #tpu.memory_space<vmem>>, %arg3: memref<2x2500x128xi32, #tpu.memory_space<vmem>>, %arg4: memref<2x2500x128xi32, #tpu.memory_space<vmem>>) attributes {dimension_semantics = [#tpu.dimension_semantics<arbitrary>], iteration_bounds = array<i64: 1>, scalar_prefetch = 0 : i64, scratch_operands = 0 : i64, tpu.core_type = #tpu.core_type<tc>, window_params = [{pipeline_mode = #tpu.pipeline_mode<synchronous>, transform_indices = @transform_0, window_bounds = array<i64: 2500, 128>}, {pipeline_mode = #tpu.pipeline_mode<synchronous>, transform_indices = @transform_1, window_bounds = array<i64: 2500, 128>}, {pipeline_mode = #tpu.pipeline_mode<synchronous>, transform_indices = @transform_2, window_bounds = array<i64: 2, 2500, 128>}, {pipeline_mode = #tpu.pipeline_mode<synchronous>, transform_indices = @transform_3, window_bounds = array<i64: 2, 2500, 128>}]} {
    %get3A = arith.constant 0 : index
    %get3A_0 = arith.constant 0 : index
    %get3A_1 = vector.load %arg1[%get3A, %get3A_0] : memref<2500x128xi32, #tpu.memory_space<vmem>>, vector<2500x128xi32>
    %get3A_2 = arith.constant 0 : index
    %get3A_3 = arith.constant 0 : index
    %get3A_4 = vector.load %arg2[%get3A_2, %get3A_3] : memref<2500x128xi32, #tpu.memory_space<vmem>>, vector<2500x128xi32>
    %and3A = arith.constant 127 : i32
    %and3A_5 = vector.broadcast %and3A : i32 to vector<2500x128xi32>
    %and3A_6 = arith.andi %get3A_4, %and3A_5 : vector<2500x128xi32>
    %add3A = arith.constant 5120 : i32
    %add3A_7 = vector.broadcast %add3A : i32 to vector<2500x128xi32>
    %add3A_8 = arith.addi %add3A_7, %and3A_6 : vector<2500x128xi32>
    %sub3A = arith.constant 0 : i32
    %sub3A_9 = vector.broadcast %sub3A : i32 to vector<2500x128xi32>
    %sub3A_10 = arith.subi %get3A_4, %sub3A_9 : vector<2500x128xi32>
    %ge3A = arith.constant 0 : i32
    %ge3A_11 = vector.broadcast %ge3A : i32 to vector<2500x128xi32>
    %ge3A_12 = arith.cmpi sge, %sub3A_10, %ge3A_11 : vector<2500x128xi32>
    %lt3A = arith.constant 5120 : i32
    %lt3A_13 = vector.broadcast %lt3A : i32 to vector<2500x128xi32>
    %lt3A_14 = arith.cmpi slt, %sub3A_10, %lt3A_13 : vector<2500x128xi32>
    %and3A_15 = arith.andi %ge3A_12, %lt3A_14 : vector<2500x128xi1>
    %swap3A = arith.constant 0 : index
    %swap3A_16 = arith.constant 0 : index
    %swap3A_17 = arith.constant 0 : index
    %swap3A_18 = vector.load %arg3[%swap3A, %swap3A_16, %swap3A_17] : memref<2x2500x128xi32, #tpu.memory_space<vmem>>, vector<1x2500x128xi32>
    %swap3A_19 = vector.shape_cast %swap3A_18 : vector<1x2500x128xi32> to vector<2500x128xi32>
    %swap3A_20 = vector.shape_cast %get3A_1 : vector<2500x128xi32> to vector<1x2500x128xi32>
    tpu.vector_store %arg3[%swap3A, %swap3A_16, %swap3A_17], %swap3A_20 {strides = array<i32>} : memref<2x2500x128xi32, #tpu.memory_space<vmem>>, vector<1x2500x128xi32>,
    %select_n3A = arith.select %and3A_15, %sub3A_10, %add3A_8 : vector<2500x128xi1>, vector<2500x128xi32>
    %swap3A_21 = arith.constant 0 : index
    %swap3A_22 = arith.constant 0 : index
    %swap3A_23 = arith.constant 0 : index
    %swap3A_24 = vector.load %arg4[%swap3A_21, %swap3A_22, %swap3A_23] : memref<2x2500x128xi32, #tpu.memory_space<vmem>>, vector<1x2500x128xi32>
    %swap3A_25 = vector.shape_cast %swap3A_24 : vector<1x2500x128xi32> to vector<2500x128xi32>
    %swap3A_26 = vector.shape_cast %select_n3A : vector<2500x128xi32> to vector<1x2500x128xi32>
    tpu.vector_store %arg4[%swap3A_21, %swap3A_22, %swap3A_23], %swap3A_26 {strides = array<i32>} : memref<2x2500x128xi32, #tpu.memory_space<vmem>>, vector<1x2500x128xi32>,
    %sub3A_27 = arith.constant 5120 : i32
    %sub3A_28 = vector.broadcast %sub3A_27 : i32 to vector<2500x128xi32>
    %sub3A_29 = arith.subi %get3A_4, %sub3A_28 : vector<2500x128xi32>
    %ge3A_30 = arith.constant 0 : i32
    %ge3A_31 = vector.broadcast %ge3A_30 : i32 to vector<2500x128xi32>
    %ge3A_32 = arith.cmpi sge, %sub3A_29, %ge3A_31 : vector<2500x128xi32>
    %lt3A_33 = arith.constant 5120 : i32
    %lt3A_34 = vector.broadcast %lt3A_33 : i32 to vector<2500x128xi32>
    %lt3A_35 = arith.cmpi slt, %sub3A_29, %lt3A_34 : vector<2500x128xi32>
    %and3A_36 = arith.andi %ge3A_32, %lt3A_35 : vector<2500x128xi1>
    %swap3A_37 = arith.constant 1 : index
    %swap3A_38 = arith.constant 0 : index
    %swap3A_39 = arith.constant 0 : index
    %swap3A_40 = vector.load %arg3[%swap3A_37, %swap3A_38, %swap3A_39] : memref<2x2500x128xi32, #tpu.memory_space<vmem>>, vector<1x2500x128xi32>
    %swap3A_41 = vector.shape_cast %swap3A_40 : vector<1x2500x128xi32> to vector<2500x128xi32>
    %swap3A_42 = vector.shape_cast %get3A_1 : vector<2500x128xi32> to vector<1x2500x128xi32>
    tpu.vector_store %arg3[%swap3A_37, %swap3A_38, %swap3A_39], %swap3A_42 {strides = array<i32>} : memref<2x2500x128xi32, #tpu.memory_space<vmem>>, vector<1x2500x128xi32>,
    %select_n3A_43 = arith.select %and3A_36, %sub3A_29, %add3A_8 : vector<2500x128xi1>, vector<2500x128xi32>
    %swap3A_44 = arith.constant 1 : index
    %swap3A_45 = arith.constant 0 : index
    %swap3A_46 = arith.constant 0 : index
    %swap3A_47 = vector.load %arg4[%swap3A_44, %swap3A_45, %swap3A_46] : memref<2x2500x128xi32, #tpu.memory_space<vmem>>, vector<1x2500x128xi32>
    %swap3A_48 = vector.shape_cast %swap3A_47 : vector<1x2500x128xi32> to vector<2500x128xi32>
    %swap3A_49 = vector.shape_cast %select_n3A_43 : vector<2500x128xi32> to vector<1x2500x128xi32>
    tpu.vector_store %arg4[%swap3A_44, %swap3A_45, %swap3A_46], %swap3A_49 {strides = array<i32>} : memref<2x2500x128xi32, #tpu.memory_space<vmem>>, vector<1x2500x128xi32>,
    return
  }
  func.func @transform_0(%arg0: i32) -> (i32, i32) {
    %c0_i32 = arith.constant 0 : i32
    %c0_i32_0 = arith.constant 0 : i32
    %c0_i32_1 = arith.constant 0 : i32
    return %c0_i32, %c0_i32_0 : i32, i32
  }
  func.func @transform_1(%arg0: i32) -> (i32, i32) {
    %c0_i32 = arith.constant 0 : i32
    %c0_i32_0 = arith.constant 0 : i32
    %c0_i32_1 = arith.constant 0 : i32
    return %c0_i32, %c0_i32_0 : i32, i32
  }
  func.func @transform_2(%arg0: i32) -> (i32, i32, i32) {
    %c0_i32 = arith.constant 0 : i32
    %c0_i32_0 = arith.constant 0 : i32
    %c0_i32_1 = arith.constant 0 : i32
    %c0_i32_2 = arith.constant 0 : i32
    return %c0_i32, %c0_i32_0, %c0_i32_1 : i32, i32, i32
  }
  func.func @transform_3(%arg0: i32) -> (i32, i32, i32) {
    %c0_i32 = arith.constant 0 : i32
    %c0_i32_0 = arith.constant 0 : i32
    %c0_i32_1 = arith.constant 0 : i32
    %c0_i32_2 = arith.constant 0 : i32
    return %c0_i32, %c0_i32_0, %c0_i32_1 : i32, i32, i32
  }
}

module attributes {stable_mosaic.version = 14 : i64} {
  func.func @_mm_body(%arg0: i32, %arg1: memref<1000x128xf32, #tpu.memory_space<vmem>>, %arg2: memref<128x128xf32, #tpu.memory_space<vmem>>, %arg3: memref<1000x128xf32, #tpu.memory_space<vmem>>) attributes {dimension_semantics = [#tpu.dimension_semantics<arbitrary>], iteration_bounds = array<i64: 10>, scalar_prefetch = 0 : i64, scratch_operands = 0 : i64, tpu.core_type = #tpu.core_type<tc>, window_params = [{transform_indices = @transform_0, window_bounds = array<i64: 1000, 128>}, {pipeline_mode = #tpu.pipeline_mode<synchronous>, transform_indices = @transform_1, window_bounds = array<i64: 128, 128>}, {transform_indices = @transform_2, window_bounds = array<i64: 1000, 128>}]} {
    %get3A = arith.constant 0 : index
    %get3A_0 = arith.constant 0 : index
    %get3A_1 = vector.load %arg1[%get3A, %get3A_0] : memref<1000x128xf32, #tpu.memory_space<vmem>>, vector<1000x128xf32>
    %get3A_2 = arith.constant 0 : index
    %get3A_3 = arith.constant 0 : index
    %get3A_4 = vector.load %arg2[%get3A_2, %get3A_3] : memref<128x128xf32, #tpu.memory_space<vmem>>, vector<128x128xf32>
    %dot_general3A = arith.constant dense<0.000000e+00> : vector<1000x128xf32>
    %dot_general3A_5 = tpu.matmul %get3A_1, %get3A_4, %dot_general3A {dimension_numbers = #tpu.dot_dimension_numbers<[1], [0], [0], [1], [0, 0, 1, 1], [], []>, transpose_lhs_hint = false} : vector<1000x128xf32>, vector<128x128xf32>, vector<1000x128xf32> -> vector<1000x128xf32>
    %swap3A = arith.constant 0 : index
    %swap3A_6 = arith.constant 0 : index
    %swap3A_7 = vector.load %arg3[%swap3A, %swap3A_6] : memref<1000x128xf32, #tpu.memory_space<vmem>>, vector<1000x128xf32>
    tpu.vector_store %arg3[%swap3A, %swap3A_6], %dot_general3A_5 {strides = array<i32>} : memref<1000x128xf32, #tpu.memory_space<vmem>>, vector<1000x128xf32>,
    return
  }
  func.func @transform_0(%arg0: i32) -> (i32, i32) {
    %c0_i32 = arith.constant 0 : i32
    %c0_i32_0 = arith.constant 0 : i32
    return %arg0, %c0_i32 : i32, i32
  }
  func.func @transform_1(%arg0: i32) -> (i32, i32) {
    %c0_i32 = arith.constant 0 : i32
    %c0_i32_0 = arith.constant 0 : i32
    %c0_i32_1 = arith.constant 0 : i32
    return %c0_i32, %c0_i32_0 : i32, i32
  }
  func.func @transform_2(%arg0: i32) -> (i32, i32) {
    %c0_i32 = arith.constant 0 : i32
    %c0_i32_0 = arith.constant 0 : i32
    return %arg0, %c0_i32 : i32, i32
  }
}

module attributes {stable_mosaic.version = 14 : i64} {
  func.func @_prep_body(%arg0: i32, %arg1: memref<1000x128xf32, #tpu.memory_space<vmem>>, %arg2: memref<1000x128xf32, #tpu.memory_space<vmem>>, %arg3: memref<1000x1xf32, #tpu.memory_space<vmem>>, %arg4: memref<1000x128xf32, #tpu.memory_space<vmem>>) attributes {dimension_semantics = [#tpu.dimension_semantics<arbitrary>], iteration_bounds = array<i64: 10>, scalar_prefetch = 0 : i64, scratch_operands = 0 : i64, tpu.core_type = #tpu.core_type<tc>, window_params = [{transform_indices = @transform_0, window_bounds = array<i64: 1000, 128>}, {transform_indices = @transform_1, window_bounds = array<i64: 1000, 128>}, {transform_indices = @transform_2, window_bounds = array<i64: 1000, 1>}, {transform_indices = @transform_3, window_bounds = array<i64: 1000, 128>}]} {
    %get3A = arith.constant 0 : index
    %get3A_0 = arith.constant 0 : index
    %get3A_1 = vector.load %arg1[%get3A, %get3A_0] : memref<1000x128xf32, #tpu.memory_space<vmem>>, vector<1000x1xf32>
    %add3A = arith.constant 1.000000e+00 : f32
    %add3A_2 = vector.broadcast %add3A : f32 to vector<1000x1xf32>
    %add3A_3 = arith.addf %get3A_1, %add3A_2 : vector<1000x1xf32>
    %rsqrt3A = math.rsqrt %add3A_3 : vector<1000x1xf32>
    %swap3A = arith.constant 0 : index
    %swap3A_4 = arith.constant 0 : index
    %swap3A_5 = vector.load %arg3[%swap3A, %swap3A_4] : memref<1000x1xf32, #tpu.memory_space<vmem>>, vector<1000x1xf32>
    tpu.vector_store %arg3[%swap3A, %swap3A_4], %rsqrt3A {strides = array<i32>} : memref<1000x1xf32, #tpu.memory_space<vmem>>, vector<1000x1xf32>,
    %get3A_6 = arith.constant 0 : index
    %get3A_7 = arith.constant 0 : index
    %get3A_8 = vector.load %arg2[%get3A_6, %get3A_7] : memref<1000x128xf32, #tpu.memory_space<vmem>>, vector<1000x128xf32>
    %mul3A = vector.broadcast %rsqrt3A : vector<1000x1xf32> to vector<1000x128xf32>
    %mul3A_9 = arith.mulf %mul3A, %get3A_8 : vector<1000x128xf32>
    %swap3A_10 = arith.constant 0 : index
    %swap3A_11 = arith.constant 0 : index
    %swap3A_12 = vector.load %arg4[%swap3A_10, %swap3A_11] : memref<1000x128xf32, #tpu.memory_space<vmem>>, vector<1000x128xf32>
    tpu.vector_store %arg4[%swap3A_10, %swap3A_11], %mul3A_9 {strides = array<i32>} : memref<1000x128xf32, #tpu.memory_space<vmem>>, vector<1000x128xf32>,
    return
  }
  func.func @transform_0(%arg0: i32) -> (i32, i32) {
    %c0_i32 = arith.constant 0 : i32
    %c0_i32_0 = arith.constant 0 : i32
    return %arg0, %c0_i32 : i32, i32
  }
  func.func @transform_1(%arg0: i32) -> (i32, i32) {
    %c0_i32 = arith.constant 0 : i32
    %c0_i32_0 = arith.constant 0 : i32
    return %arg0, %c0_i32 : i32, i32
  }
  func.func @transform_2(%arg0: i32) -> (i32, i32) {
    %c0_i32 = arith.constant 0 : i32
    %c0_i32_0 = arith.constant 0 : i32
    return %arg0, %c0_i32 : i32, i32
  }
  func.func @transform_3(%arg0: i32) -> (i32, i32) {
    %c0_i32 = arith.constant 0 : i32
    %c0_i32_0 = arith.constant 0 : i32
    return %arg0, %c0_i32 : i32, i32
  }
}

module attributes {stable_mosaic.version = 14 : i64} {
  func.func @_mid_mm_body(%arg0: i32, %arg1: memref<1000x128xf32, #tpu.memory_space<vmem>>, %arg2: memref<1000x128xf32, #tpu.memory_space<vmem>>, %arg3: memref<1000x1xf32, #tpu.memory_space<vmem>>, %arg4: memref<1x128xf32, #tpu.memory_space<vmem>>, %arg5: memref<128x128xf32, #tpu.memory_space<vmem>>, %arg6: memref<1000x128xf32, #tpu.memory_space<vmem>>) attributes {dimension_semantics = [#tpu.dimension_semantics<arbitrary>], iteration_bounds = array<i64: 10>, scalar_prefetch = 0 : i64, scratch_operands = 0 : i64, tpu.core_type = #tpu.core_type<tc>, window_params = [{transform_indices = @transform_0, window_bounds = array<i64: 1000, 128>}, {transform_indices = @transform_1, window_bounds = array<i64: 1000, 128>}, {transform_indices = @transform_2, window_bounds = array<i64: 1000, 1>}, {pipeline_mode = #tpu.pipeline_mode<synchronous>, transform_indices = @transform_3, window_bounds = array<i64: 1, 128>}, {pipeline_mode = #tpu.pipeline_mode<synchronous>, transform_indices = @transform_4, window_bounds = array<i64: 128, 128>}, {transform_indices = @transform_5, window_bounds = array<i64: 1000, 128>}]} {
    %get3A = arith.constant 0 : index
    %get3A_0 = arith.constant 0 : index
    %get3A_1 = vector.load %arg3[%get3A, %get3A_0] : memref<1000x1xf32, #tpu.memory_space<vmem>>, vector<1000x1xf32>
    %get3A_2 = arith.constant 0 : index
    %get3A_3 = arith.constant 0 : index
    %get3A_4 = vector.load %arg1[%get3A_2, %get3A_3] : memref<1000x128xf32, #tpu.memory_space<vmem>>, vector<1000x128xf32>
    %get3A_5 = arith.constant 0 : index
    %get3A_6 = arith.constant 0 : index
    %get3A_7 = vector.load %arg2[%get3A_5, %get3A_6] : memref<1000x128xf32, #tpu.memory_space<vmem>>, vector<1000x128xf32>
    %add3A = arith.addf %get3A_4, %get3A_7 : vector<1000x128xf32>
    %mul3A = vector.broadcast %get3A_1 : vector<1000x1xf32> to vector<1000x128xf32>
    %mul3A_8 = arith.mulf %mul3A, %add3A : vector<1000x128xf32>
    %get3A_9 = arith.constant 0 : index
    %get3A_10 = arith.constant 0 : index
    %get3A_11 = vector.load %arg4[%get3A_9, %get3A_10] : memref<1x128xf32, #tpu.memory_space<vmem>>, vector<1x128xf32>
    %add3A_12 = vector.broadcast %get3A_11 : vector<1x128xf32> to vector<1000x128xf32>
    %add3A_13 = arith.addf %mul3A_8, %add3A_12 : vector<1000x128xf32>
    %max3A = arith.constant 0.000000e+00 : f32
    %max3A_14 = vector.broadcast %max3A : f32 to vector<1000x128xf32>
    %max3A_15 = arith.maximumf %add3A_13, %max3A_14 : vector<1000x128xf32>
    %get3A_16 = arith.constant 0 : index
    %get3A_17 = arith.constant 0 : index
    %get3A_18 = vector.load %arg5[%get3A_16, %get3A_17] : memref<128x128xf32, #tpu.memory_space<vmem>>, vector<128x128xf32>
    %dot_general3A = arith.constant dense<0.000000e+00> : vector<1000x128xf32>
    %dot_general3A_19 = tpu.matmul %max3A_15, %get3A_18, %dot_general3A {dimension_numbers = #tpu.dot_dimension_numbers<[1], [0], [0], [1], [0, 0, 1, 1], [], []>, transpose_lhs_hint = false} : vector<1000x128xf32>, vector<128x128xf32>, vector<1000x128xf32> -> vector<1000x128xf32>
    %mul3A_20 = vector.broadcast %get3A_1 : vector<1000x1xf32> to vector<1000x128xf32>
    %mul3A_21 = arith.mulf %mul3A_20, %dot_general3A_19 : vector<1000x128xf32>
    %swap3A = arith.constant 0 : index
    %swap3A_22 = arith.constant 0 : index
    %swap3A_23 = vector.load %arg6[%swap3A, %swap3A_22] : memref<1000x128xf32, #tpu.memory_space<vmem>>, vector<1000x128xf32>
    tpu.vector_store %arg6[%swap3A, %swap3A_22], %mul3A_21 {strides = array<i32>} : memref<1000x128xf32, #tpu.memory_space<vmem>>, vector<1000x128xf32>,
    return
  }
  func.func @transform_0(%arg0: i32) -> (i32, i32) {
    %c0_i32 = arith.constant 0 : i32
    %c0_i32_0 = arith.constant 0 : i32
    return %arg0, %c0_i32 : i32, i32
  }
  func.func @transform_1(%arg0: i32) -> (i32, i32) {
    %c0_i32 = arith.constant 0 : i32
    %c0_i32_0 = arith.constant 0 : i32
    return %arg0, %c0_i32 : i32, i32
  }
  func.func @transform_2(%arg0: i32) -> (i32, i32) {
    %c0_i32 = arith.constant 0 : i32
    %c0_i32_0 = arith.constant 0 : i32
    return %arg0, %c0_i32 : i32, i32
  }
  func.func @transform_3(%arg0: i32) -> (i32, i32) {
    %c0_i32 = arith.constant 0 : i32
    %c0_i32_0 = arith.constant 0 : i32
    %c0_i32_1 = arith.constant 0 : i32
    return %c0_i32, %c0_i32_0 : i32, i32
  }
  func.func @transform_4(%arg0: i32) -> (i32, i32) {
    %c0_i32 = arith.constant 0 : i32
    %c0_i32_0 = arith.constant 0 : i32
    %c0_i32_1 = arith.constant 0 : i32
    return %c0_i32, %c0_i32_0 : i32, i32
  }
  func.func @transform_5(%arg0: i32) -> (i32, i32) {
    %c0_i32 = arith.constant 0 : i32
    %c0_i32_0 = arith.constant 0 : i32
    return %arg0, %c0_i32 : i32, i32
  }
}

module attributes {stable_mosaic.version = 14 : i64} {
  func.func @_mid_nomm_body(%arg0: i32, %arg1: memref<1000x128xf32, #tpu.memory_space<vmem>>, %arg2: memref<1000x128xf32, #tpu.memory_space<vmem>>, %arg3: memref<1000x1xf32, #tpu.memory_space<vmem>>, %arg4: memref<1x128xf32, #tpu.memory_space<vmem>>, %arg5: memref<1000x128xf32, #tpu.memory_space<vmem>>) attributes {dimension_semantics = [#tpu.dimension_semantics<arbitrary>], iteration_bounds = array<i64: 10>, scalar_prefetch = 0 : i64, scratch_operands = 0 : i64, tpu.core_type = #tpu.core_type<tc>, window_params = [{transform_indices = @transform_0, window_bounds = array<i64: 1000, 128>}, {transform_indices = @transform_1, window_bounds = array<i64: 1000, 128>}, {transform_indices = @transform_2, window_bounds = array<i64: 1000, 1>}, {pipeline_mode = #tpu.pipeline_mode<synchronous>, transform_indices = @transform_3, window_bounds = array<i64: 1, 128>}, {transform_indices = @transform_4, window_bounds = array<i64: 1000, 128>}]} {
    %get3A = arith.constant 0 : index
    %get3A_0 = arith.constant 0 : index
    %get3A_1 = vector.load %arg3[%get3A, %get3A_0] : memref<1000x1xf32, #tpu.memory_space<vmem>>, vector<1000x1xf32>
    %get3A_2 = arith.constant 0 : index
    %get3A_3 = arith.constant 0 : index
    %get3A_4 = vector.load %arg1[%get3A_2, %get3A_3] : memref<1000x128xf32, #tpu.memory_space<vmem>>, vector<1000x128xf32>
    %get3A_5 = arith.constant 0 : index
    %get3A_6 = arith.constant 0 : index
    %get3A_7 = vector.load %arg2[%get3A_5, %get3A_6] : memref<1000x128xf32, #tpu.memory_space<vmem>>, vector<1000x128xf32>
    %add3A = arith.addf %get3A_4, %get3A_7 : vector<1000x128xf32>
    %mul3A = vector.broadcast %get3A_1 : vector<1000x1xf32> to vector<1000x128xf32>
    %mul3A_8 = arith.mulf %mul3A, %add3A : vector<1000x128xf32>
    %get3A_9 = arith.constant 0 : index
    %get3A_10 = arith.constant 0 : index
    %get3A_11 = vector.load %arg4[%get3A_9, %get3A_10] : memref<1x128xf32, #tpu.memory_space<vmem>>, vector<1x128xf32>
    %add3A_12 = vector.broadcast %get3A_11 : vector<1x128xf32> to vector<1000x128xf32>
    %add3A_13 = arith.addf %mul3A_8, %add3A_12 : vector<1000x128xf32>
    %max3A = arith.constant 0.000000e+00 : f32
    %max3A_14 = vector.broadcast %max3A : f32 to vector<1000x128xf32>
    %max3A_15 = arith.maximumf %add3A_13, %max3A_14 : vector<1000x128xf32>
    %mul3A_16 = vector.broadcast %get3A_1 : vector<1000x1xf32> to vector<1000x128xf32>
    %mul3A_17 = arith.mulf %mul3A_16, %max3A_15 : vector<1000x128xf32>
    %swap3A = arith.constant 0 : index
    %swap3A_18 = arith.constant 0 : index
    %swap3A_19 = vector.load %arg5[%swap3A, %swap3A_18] : memref<1000x128xf32, #tpu.memory_space<vmem>>, vector<1000x128xf32>
    tpu.vector_store %arg5[%swap3A, %swap3A_18], %mul3A_17 {strides = array<i32>} : memref<1000x128xf32, #tpu.memory_space<vmem>>, vector<1000x128xf32>,
    return
  }
  func.func @transform_0(%arg0: i32) -> (i32, i32) {
    %c0_i32 = arith.constant 0 : i32
    %c0_i32_0 = arith.constant 0 : i32
    return %arg0, %c0_i32 : i32, i32
  }
  func.func @transform_1(%arg0: i32) -> (i32, i32) {
    %c0_i32 = arith.constant 0 : i32
    %c0_i32_0 = arith.constant 0 : i32
    return %arg0, %c0_i32 : i32, i32
  }
  func.func @transform_2(%arg0: i32) -> (i32, i32) {
    %c0_i32 = arith.constant 0 : i32
    %c0_i32_0 = arith.constant 0 : i32
    return %arg0, %c0_i32 : i32, i32
  }
  func.func @transform_3(%arg0: i32) -> (i32, i32) {
    %c0_i32 = arith.constant 0 : i32
    %c0_i32_0 = arith.constant 0 : i32
    %c0_i32_1 = arith.constant 0 : i32
    return %c0_i32, %c0_i32_0 : i32, i32
  }
  func.func @transform_4(%arg0: i32) -> (i32, i32) {
    %c0_i32 = arith.constant 0 : i32
    %c0_i32_0 = arith.constant 0 : i32
    return %arg0, %c0_i32 : i32, i32
  }
}

module attributes {stable_mosaic.version = 14 : i64} {
  func.func @_fin_body(%arg0: i32, %arg1: memref<1000x128xf32, #tpu.memory_space<vmem>>, %arg2: memref<1000x128xf32, #tpu.memory_space<vmem>>, %arg3: memref<1000x1xf32, #tpu.memory_space<vmem>>, %arg4: memref<128x40xf32, #tpu.memory_space<vmem>>, %arg5: memref<1x40xf32, #tpu.memory_space<vmem>>, %arg6: memref<1000x40xf32, #tpu.memory_space<vmem>>) attributes {dimension_semantics = [#tpu.dimension_semantics<arbitrary>], iteration_bounds = array<i64: 10>, scalar_prefetch = 0 : i64, scratch_operands = 0 : i64, tpu.core_type = #tpu.core_type<tc>, window_params = [{transform_indices = @transform_0, window_bounds = array<i64: 1000, 128>}, {transform_indices = @transform_1, window_bounds = array<i64: 1000, 128>}, {transform_indices = @transform_2, window_bounds = array<i64: 1000, 1>}, {pipeline_mode = #tpu.pipeline_mode<synchronous>, transform_indices = @transform_3, window_bounds = array<i64: 128, 40>}, {pipeline_mode = #tpu.pipeline_mode<synchronous>, transform_indices = @transform_4, window_bounds = array<i64: 1, 40>}, {transform_indices = @transform_5, window_bounds = array<i64: 1000, 40>}]} {
    %get3A = arith.constant 0 : index
    %get3A_0 = arith.constant 0 : index
    %get3A_1 = vector.load %arg3[%get3A, %get3A_0] : memref<1000x1xf32, #tpu.memory_space<vmem>>, vector<1000x1xf32>
    %get3A_2 = arith.constant 0 : index
    %get3A_3 = arith.constant 0 : index
    %get3A_4 = vector.load %arg1[%get3A_2, %get3A_3] : memref<1000x128xf32, #tpu.memory_space<vmem>>, vector<1000x128xf32>
    %get3A_5 = arith.constant 0 : index
    %get3A_6 = arith.constant 0 : index
    %get3A_7 = vector.load %arg2[%get3A_5, %get3A_6] : memref<1000x128xf32, #tpu.memory_space<vmem>>, vector<1000x128xf32>
    %add3A = arith.addf %get3A_4, %get3A_7 : vector<1000x128xf32>
    %mul3A = vector.broadcast %get3A_1 : vector<1000x1xf32> to vector<1000x128xf32>
    %mul3A_8 = arith.mulf %mul3A, %add3A : vector<1000x128xf32>
    %get3A_9 = arith.constant 0 : index
    %get3A_10 = arith.constant 0 : index
    %get3A_11 = vector.load %arg4[%get3A_9, %get3A_10] : memref<128x40xf32, #tpu.memory_space<vmem>>, vector<128x40xf32>
    %dot_general3A = arith.constant dense<0.000000e+00> : vector<1000x40xf32>
    %dot_general3A_12 = tpu.matmul %mul3A_8, %get3A_11, %dot_general3A {dimension_numbers = #tpu.dot_dimension_numbers<[1], [0], [0], [1], [0, 0, 1, 1], [], []>, transpose_lhs_hint = false} : vector<1000x128xf32>, vector<128x40xf32>, vector<1000x40xf32> -> vector<1000x40xf32>
    %get3A_13 = arith.constant 0 : index
    %get3A_14 = arith.constant 0 : index
    %get3A_15 = vector.load %arg5[%get3A_13, %get3A_14] : memref<1x40xf32, #tpu.memory_space<vmem>>, vector<1x40xf32>
    %add3A_16 = vector.broadcast %get3A_15 : vector<1x40xf32> to vector<1000x40xf32>
    %add3A_17 = arith.addf %dot_general3A_12, %add3A_16 : vector<1000x40xf32>
    %swap3A = arith.constant 0 : index
    %swap3A_18 = arith.constant 0 : index
    %swap3A_19 = vector.load %arg6[%swap3A, %swap3A_18] : memref<1000x40xf32, #tpu.memory_space<vmem>>, vector<1000x40xf32>
    tpu.vector_store %arg6[%swap3A, %swap3A_18], %add3A_17 {strides = array<i32>} : memref<1000x40xf32, #tpu.memory_space<vmem>>, vector<1000x40xf32>,
    return
  }
  func.func @transform_0(%arg0: i32) -> (i32, i32) {
    %c0_i32 = arith.constant 0 : i32
    %c0_i32_0 = arith.constant 0 : i32
    return %arg0, %c0_i32 : i32, i32
  }
  func.func @transform_1(%arg0: i32) -> (i32, i32) {
    %c0_i32 = arith.constant 0 : i32
    %c0_i32_0 = arith.constant 0 : i32
    return %arg0, %c0_i32 : i32, i32
  }
  func.func @transform_2(%arg0: i32) -> (i32, i32) {
    %c0_i32 = arith.constant 0 : i32
    %c0_i32_0 = arith.constant 0 : i32
    return %arg0, %c0_i32 : i32, i32
  }
  func.func @transform_3(%arg0: i32) -> (i32, i32) {
    %c0_i32 = arith.constant 0 : i32
    %c0_i32_0 = arith.constant 0 : i32
    %c0_i32_1 = arith.constant 0 : i32
    return %c0_i32, %c0_i32_0 : i32, i32
  }
  func.func @transform_4(%arg0: i32) -> (i32, i32) {
    %c0_i32 = arith.constant 0 : i32
    %c0_i32_0 = arith.constant 0 : i32
    %c0_i32_1 = arith.constant 0 : i32
    return %c0_i32, %c0_i32_0 : i32, i32
  }
  func.func @transform_5(%arg0: i32) -> (i32, i32) {
    %c0_i32 = arith.constant 0 : i32
    %c0_i32_0 = arith.constant 0 : i32
    return %arg0, %c0_i32 : i32, i32
  }
}

</mosaic_0001>

<sc_bundles>
// kernel: kernel.12.cloned.1.call-start
scs
__scs_entry_jumppad:
0x0: {  	(pc) =	sbr.rel $0x88, $3  }
0x1: {  	(tag) =	ssettag $0x0;
	lr =	simm.s32 $0x1  }
0x2: {  	[smem:$0x3F99] =	sst lr;
	_ =	strace $0xD0000000  }
0x3: {  	_ = 	snop  }
0x4: {  	_ = 	snop  }
0x5: {  	_ = 	snop  }
0x6: {  	_ = 	snop  }
0x7: {  	_ = 	snop  }
__scs_overlays_trampoline_lowered:
0x8: {  	[smem:$0x3FA8] =	sst s0  }
0x9: {  	[smem:$0x3FA9] =	sst s1  }
0xa: {  	[smem:$0x3FAA] =	sst s2  }
0xb: {  	[smem:$0x3FAB] =	sst s3  }
0xc: {  	[smem:$0x3FAC] =	sst s4  }
0xd: {  	[smem:$0x3FAD] =	sst s5  }
0xe: {  	[smem:$0x3FAE] =	sst s6  }
0xf: {  	[smem:$0x3FAF] =	sst s7  }
0x10: {  	[smem:$0x3FB0] =	sst s8  }
0x11: {  	[smem:$0x3FB1] =	sst s9;
	s0 =	simm.s32 @!p0 $0x0  }
0x12: {  	s1 =	sld [smem:$0x3F97];
	s0 =	simm.s32 @p0 $0x1  }
0x13: {  	[smem:$0x3FB2] =	sst s0;
	s0 =	simm.s32 @!p1 $0x0  }
0x14: {  	s2 =	sld [smem:$0x3F96];
	s0 =	simm.s32 @p1 $0x1  }
0x15: {  	[smem:$0x3FB3] =	sst s0;
	s0 =	simm.s32 @!p2 $0x0  }
0x16: {  	s3 =	sld [smem:$0x3FDB];
	s0 =	simm.s32 @p2 $0x1  }
0x17: {  	s4 =	simm.s32 $0x1BF5;
	[smem:$0x3FB5] =	sst s0  }
0x18: {  	s0 =	sld [smem:$0x3F98];
	_ =	swait.ge [sflag:s4], $0x0  }
0x19: {  	s7 =	sld [smem:$0x3F99]  }
0x1a: {  	s8 =	sadd.s32 $0xFFFFE003, lr  }
0x1b: {  	s9 =	sadd.s32 $0xFFFFFEF7, lr;
	s5 =	simm.s32 $0xFFFFFFFF;
	p2 =	slt.u32 s8, $0xFFFFF086  }
0x1c: {  	p1 =	slt.u32 s9, $0xF7A;
	s5 =	simm.s32 @!p2 $0x0  }
0x1d: {  	s5 =	simm.s32 @p1 $0x1;
	p0 =	seq.s32 s7, s2  }
0x1e: {  	s7 =	smul.u32 @!p0 $0xF7A, s2;
	p2 =	seq.s32 @!p0 s5, $0x0  }
0x1f: {  	s9 =	smul.u32 $0xF7A, s1;
	s8 =	simm.s32 @!p0 $0x1BF5;
	p2 =	por !p2, p0  }
0x20: {  	[sflag:s8] =	ssyncset.s32 @!p0 $0xFFFFF086;
	s6 =	sadd.s32 @!p0 s3, s7;
	s7 =	simm.s32 @!p0 $0x108  }
0x21: {  	s3 =	sadd.s32 s3, s9;
	s6 =	sadd.s32 @!p0 $0x88, s6;
	s7 =	simm.s32 @p2 $0x1082  }
0x22: {  	[simem:s7], [sflag:s8] =	dma.local @!p0 [hbm:s6], $0xF7A  }
0x23: {  	s9 =	sor.u32 $0xD0000000, s2;
	s6 =	simm.s32 $0x108;
	_ =	swait.ge @!p0 [sflag:s8], $0x0  }
0x24: {  	s3 =	sadd.s32 $0x88, s3;
	s6 =	simm.s32 @!p1 $0x1082;
	[sflag:s4] =	ssyncset.s32 $0xFFFFF086  }
0x25: {  	[simem:s6], [sflag:s4] =	dma.local [hbm:s3], $0xF7A  }
0x26: {  	[smem:$0x3F99] =	sst s1;
	(tag) =	ssettag s2;
	_ =	strace s9  }
0x27: {  	s1 =	sld [smem:$0x3FA9]  }
0x28: {  	s2 =	sld [smem:$0x3FAA]  }
0x29: {  	s4 =	sld [smem:$0x3FAC]  }
0x2a: {  	p0 =	seq.s32 s5, $0x0;
	s5 =	sld [smem:$0x3FAD]  }
0x2b: {  	s6 =	sld [smem:$0x3FAE]  }
0x2c: {  	s7 =	sld [smem:$0x3FAF]  }
0x2d: {  	s3 =	simm.s32 $0x108;
	s8 =	sld [smem:$0x3FB0]  }
0x2e: {  	s3 =	simm.s32 @!p0 $0x1082;
	s9 =	sld [smem:$0x3FB1]  }
0x2f: {  	lr =	sadd.s32 s0, s3;
	s0 =	sld [smem:$0x3FA8]  }
0x30: {  	s3 =	sld [smem:$0x3FAB]  }
0x31: {  	[smem:$0x3FB4] =	sst s10  }
0x32: {  	s10 =	sld [smem:$0x3FB2];
	_ =	sdelay $0x3  }
0x33: {  	p0 =	seq.s32 s10, $0x1;
	s10 =	sld [smem:$0x3FB4];
	_ =	sdelay $0x3  }
0x34: {  	[smem:$0x3FB4] =	sst s10  }
0x35: {  	s10 =	sld [smem:$0x3FB3];
	_ =	sdelay $0x3  }
0x36: {  	p1 =	seq.s32 s10, $0x1;
	s10 =	sld [smem:$0x3FB4];
	_ =	sdelay $0x3  }
0x37: {  	[smem:$0x3FB4] =	sst s10  }
0x38: {  	s10 =	sld [smem:$0x3FB5]  }
0x39: {  	_ = 	snop;
	(pc) =	sbr.ind lr, $3  }
0x3a: {  	_ = 	snop  }
0x3b: {  	_ = 	snop  }
0x3c: {  	p2 =	seq.s32 s10, $0x1;
	s10 =	sld [smem:$0x3FB4]  }
0x3d: {  	_ =	shalt  }
0x3e: {  	_ =	shalt  }
0x3f: {  	_ =	shalt  }
0x40: {  	_ =	shalt  }
0x41: {  	_ =	shalt  }
0x42: {  	_ =	shalt  }
0x43: {  	_ =	shalt  }
0x44: {  	_ =	shalt  }
0x45: {  	_ =	shalt  }
0x46: {  	_ =	shalt  }
0x47: {  	_ =	shalt  }
0x48: {  	_ =	shalt  }
0x49: {  	_ =	shalt  }
0x4a: {  	_ =	shalt  }
0x4b: {  	_ =	shalt  }
0x4c: {  	_ =	shalt  }
0x4d: {  	_ =	shalt  }
0x4e: {  	_ =	shalt  }
0x4f: {  	_ =	shalt  }
0x50: {  	_ =	shalt  }
0x51: {  	_ =	shalt  }
0x52: {  	_ =	shalt  }
0x53: {  	_ =	shalt  }
0x54: {  	_ =	shalt  }
0x55: {  	_ =	shalt  }
0x56: {  	_ =	shalt  }
0x57: {  	_ =	shalt  }
0x58: {  	_ =	shalt  }
0x59: {  	_ =	shalt  }
0x5a: {  	_ =	shalt  }
0x5b: {  	_ =	shalt  }
0x5c: {  	_ =	shalt  }
0x5d: {  	_ =	shalt  }
0x5e: {  	_ =	shalt  }
0x5f: {  	_ =	shalt  }
0x60: {  	_ =	shalt  }
0x61: {  	_ =	shalt  }
0x62: {  	_ =	shalt  }
0x63: {  	_ =	shalt  }
0x64: {  	_ =	shalt  }
0x65: {  	_ =	shalt  }
0x66: {  	_ =	shalt  }
0x67: {  	_ =	shalt  }
0x68: {  	_ =	shalt  }
0x69: {  	_ =	shalt  }
0x6a: {  	_ =	shalt  }
0x6b: {  	_ =	shalt  }
0x6c: {  	_ =	shalt  }
0x6d: {  	_ =	shalt  }
0x6e: {  	_ =	shalt  }
0x6f: {  	_ =	shalt  }
0x70: {  	_ =	shalt  }
0x71: {  	_ =	shalt  }
0x72: {  	_ =	shalt  }
0x73: {  	_ =	shalt  }
0x74: {  	_ =	shalt  }
0x75: {  	_ =	shalt  }
0x76: {  	_ =	shalt  }
0x77: {  	_ =	shalt  }
0x78: {  	_ =	shalt  }
0x79: {  	_ =	shalt  }
0x7a: {  	_ =	shalt  }
0x7b: {  	_ =	shalt  }
0x7c: {  	_ =	shalt  }
0x7d: {  	_ =	shalt  }
0x7e: {  	_ =	shalt  }
0x7f: {  	_ =	shalt  }
0x80: {  	_ =	shalt  }
0x81: {  	_ =	shalt  }
0x82: {  	_ =	shalt  }
0x83: {  	_ =	shalt  }
0x84: {  	_ =	shalt  }
0x85: {  	_ =	shalt  }
0x86: {  	_ =	shalt  }
0x87: {  	_ =	shalt  }
.Lfunc_end0:
.L_simem_size_0:
called_computation_lowered:
.L_overlay_start_0:
0x88: {  	s2 =	sld [smem:$0x3FD9]  }
0x89: {  	s3 =	sld [smem:$0x3FFE];
	_ =	sdelay $0x1  }
0x8a: {  	s1 =	srdreg.scid  }
0x8b: {  	s0 =	sand.u32 $0x1, s1  }
0x8c: {  	s16 =	sshll.u32 s0, $0xA;
	s2 =	sadd.s32 s3, s2  }
0x8d: {  	s2 =	sadd.s32 s2, s16  }
0x8e: {  	[smem:$0x3FC0] =	sst s2  }
0x8f: {  	_ = 	snop  }
0x90: {  	(tm) =	ssettm $0x1  }
0x91: {  	s17 =	sld [smem:$0x3FFB];
	_ =	sdelay $0x3  }
0x92: {  	_ =	strace s17  }
0x93: {  	s2 =	sld [smem:$0x3FFC];
	_ =	sdelay $0x3  }
0x94: {  	_ =	strace s2  }
0x95: {  	s2 =	sld [smem:$0x3FFD];
	_ =	sdelay $0x3  }
0x96: {  	_ =	strace s2  }
0x97: {  	_ =	strace $0x8FFFFFFF  }
0x98: {  	s18 =	sld [smem:$0x3FDB];
	_ =	sdelay $0x1  }
0x99: {  	s19 =	simm.s32 $_scs_section_size  }
0x9a: {  	s4 =	simm.s32 $_size__tile_overlayer_lowered;
	s5 =	simm.s32 $_tile_overlayer_lowered  }
0x9b: {  	s22 =	simm.s32 $0x1BFF;
	s21 =	sshll.u32 s5, $0x1;
	s2 =	sadd.s32 s19, s18  }
0x9c: {  	s6 =	simm.s32 $0x0;
	s20 =	sshll.u32 s4, $0x1;
	s4 =	sadd.s32 s21, s2  }
0x9d: {  	[timem:s6], [sflag:s22] =	dma.local [hbm:s4], s20  }
0x9e: {  	_ =	swait.ge [sflag:s22], s20  }
0x9f: {  	s3 =	ssub.s32 $0x0, s20;
	[sflag:s22] =	ssyncset.done $0x0  }
0xa0: {  	[sflag:s22] =	ssyncadd.s32 s3;
	_ =	sdelay $0x1  }
0xa1: {  	s23 =	simm.s32 $0x1B8B  }
0xa2: {  	_ =	swait.ge [sflag:s23], $0x1  }
0xa3: {  	[sflag:s23] =	ssyncset.done $0x0  }
0xa4: {  	s25 =	simm.s32 $0x1B8E;
	s24 =	sld [smem:$0x3FFE];
	[sflag:s23] =	ssyncadd.s32 $0xFFFFFFFF  }
0xa5: {  	s26 =	simm.s32 $execute0_lowered;
	[smem:$0x3FD2] =	sst s25  }
0xa6: {  	s4 =	sshll.u32 s26, $0x1;
	_ =	strace $0x80000046;
	[dreg:$0x1] =	wrdreg $0xFFFFFFFF  }
0xa7: {  	s28 =	simm.s32 $_size_execute0_lowered;
	s2 =	sadd.s32 s2, s4;
	[dreg:$0x0] =	wrdreg $0x0  }
0xa8: {  	s4 =	sshll.u32 s28, $0x1;
	[dreg:$0x2] =	wrdreg s2  }
0xa9: {  	[dreg:$0x3] =	wrdreg s4  }
0xaa: {  	[dreg:$0x4] =	wrdreg $0xC0  }
0xab: {  	_ =	task [dreg:s6], $0x5FFFF  }
0xac: {  	[dreg:$0x1] =	wrdreg $0xFFFFFFFF  }
0xad: {  	[dreg:$0x0] =	wrdreg $0x60  }
0xae: {  	[dreg:$0x2] =	wrdreg s24  }
0xaf: {  	[dreg:$0x3] =	wrdreg $0xD0000  }
0xb0: {  	[dreg:$0x4] =	wrdreg $0x9  }
0xb1: {  	_ =	task.clear_ibuf [dreg:s6], $0x5FFFF;
	_ =	strace $0x90000046  }
0xb2: {  	s29 =	simm.s32 $0x9;
	_ =	strace $0x80000048  }
0xb3: {  	_ =	swait.ge [sflag:s29], $0x1  }
0xb4: {  	[sflag:s29] =	ssyncadd.s32 $0xFFFFFFFF  }
0xb5: {  	_ =	strace $0x90000048  }
0xb6: {  	_ =	sfence  }
0xb7: {  	s30 =	sld [smem:$0x0];
	_ =	sdelay $0x2  }
0xb8: {  	s31 =	sshll.u32 s1, $0xD;
	s1 =	sshrl.u32 s1, $0x2  }
0xb9: {  	s3 =	sand.u32 $0x4000, s31;
	s1 =	sadd.s32 s1, s30  }
0xba: {  	s0 =	sor.u32 s3, s0;
	s1 =	sshll.u32 s1, $0x11  }
0xbb: {  	s0 =	sor.u32 s1, s0  }
0xbc: {  	s0 =	sadd.s32 $0x8F2B, s0  }
0xbd: {  	[sflag:s0] =	ssyncadd.remote.s32 $0x1  }
0xbe: {  	_ =	sfence.sel $0xFFFF  }
0xbf: {  	[dreg:$0x0] =	wrdreg $0xFFFFFFFF;
	(pc) =	sbr.abs _section_cstart, $3  }
0xc0: {  	[dreg:$0x1] =	wrdreg $0xFFFFFFFF  }
0xc1: {  	_ =	task.clear_ibuf [dreg:s6], $0x2FFFF;
	_ =	strace $0x9FFFFFFF  }
0xc2: {  	(tm) =	ssettm $0x7FFFFFFF  }
0xc3: {  	_ =	shalt  }
tec
execute0_lowered:
.L_overlay_start_1:
0x0: {  	(tag) =	ssettag $0x1  }
0x1: {  	s4 =	rddreg [dreg:$0x0]  }
0x2: {  	s0 =	srdreg.scid;
	s2 =	stileid.u32  }
0x3: {  	s1 =	rddreg [dreg:$0x1];
	s3 =	simm.s32 $0x0;
	s8 =	smul.u32 $0x1400, s2  }
0x4: {  	s11 =	simm.s32 $0x9000;
	s12 =	simm.s32 $0x80;
	s28 =	smul.u32 $0x29000, s2  }
0x5: {  	s13 =	simm.s32 $0x5000;
	s16 =	simm.s32 $0x0;
	s30 =	smul.u32 $0xA00, s2  }
0x6: {  	s5 =	sand.u32 $0x1, s0;
	s0 =	rddreg [dreg:$0x2];
	s10 =	smul.u32 $0x28000, s2  }
0x7: {  	[smem:$0x7FF] =	sst s3;
	s14 =	sshll.u32 s2, $0x6;
	s6 =	smul.u32 $0xA000, s5  }
0x8: {  	s7 =	smul.u32 $0x14000, s5;
	_ =	strace $0x80000047;
	s29 =	ssub.s32 $0x2, s5  }
0x9: {  	s14 =	sor.u32 $0x1C01, s14;
	s9 =	sshrl.u32 s29, $0x1;
	s31 =	sshrl.u32 s10, $0x2  }
0xa: {  	s10 =	simm.s32 $0x1;
	s6 =	sadd.s32 s6, s4;
	s7 =	sadd.s32 s8, s7  }
0xb: {  	s8 =	sshrl.u32 s28, $0x2;
	s9 =	ssub.s32 s29, s9;
	s15 =	sadd.s32 s31, s1  }
0xc: {  	s7 =	sadd.s32 s7, s4;
	s5 =	sadd.s32 s30, s6;
	s4 =	sadd.s32 s8, s1  }
0xd: {  	s8 =	smax.u32 s9, $0x1;
	s15 =	sshrl.u32 s15, $0x3;
	s5 =	sadd.s32 $0x3200, s5  }
0xe: {  	v0 =	vimm.f32 $1.000000000e+00;
	v1 =	vimm.f32 $0.0e+00;
	s6 =	sadd.s32 $0x8000, s4;
	s7 =	sadd.s32 $0x17200, s7;
	s9 =	sadd.s32 $0x4000, s4  }
.LBB2_1:
0xf: {  	[tilespmem:s3], [sflag:$0x1] =	stream.linear.gather [hbm4b:s5+s3], $0x4E80, $0x38;
	[tilespmem:$0x17400] =	vst v63  }
0x10: {  	_ =	swait.ge [sflag:s10], $0x4E80  }
0x11: {  	[sflag:s10] =	ssyncset.done $0x0  }
0x12: {  	s17 =	simm.s32 $0x0;
	s18 =	simm.s32 $0x200;
	[sflag:s10] =	ssyncadd.s32 $0xFFFFB180  }
.LBB2_2:
0x13: {  	p0 =	sne.s32 s18, $0xFE00;
	[tilespmem:s17+$0x5070] =	vst v0  }
0x14: {  	[tilespmem:s17+$0x5000] =	vst v0  }
0x15: {  	[tilespmem:s17+$0x5010] =	vst v0  }
.Ltmp0:
0x16: {  	[tilespmem:s17+$0x5020] =	vst v0;
	(pc) =	sbr.rel @p0 .LBB2_2-.Ltmp0, $4  }
0x17: {  	[tilespmem:s17+$0x5030] =	vst v0  }
0x18: {  	[tilespmem:s17+$0x5040] =	vst v0  }
0x19: {  	[tilespmem:s17+$0x5050] =	vst v0  }
0x1a: {  	[tilespmem:s17+$0x5060] =	vst v0;
	s17 =	sshra.s32 s18, $0x2;
	s18 =	sadd.s32 $0x200, s18  }
0x1b: {  	[tilespmem:s17+$0x5070] =	vst v0  }
0x1c: {  	[tilespmem:s17+$0x5000] =	vst v0  }
0x1d: {  	[tilespmem:s17+$0x5010] =	vst v0  }
0x1e: {  	[tilespmem:s17+$0x5020] =	vst v0  }
0x1f: {  	[tilespmem:s17+$0x5030] =	vst v0  }
0x20: {  	[tilespmem:s17+$0x5040] =	vst v0  }
0x21: {  	[tilespmem:s17+$0x5050] =	vst v0  }
0x22: {  	[tilespmem:s17+$0x5060] =	vst v0;
	s17 =	simm.s32 $0x0;
	s18 =	simm.s32 $0x200  }
.LBB2_4:
0x23: {  	p0 =	sne.s32 s18, $0xFE00;
	[tilespmem:s17+$0x9070] =	vst v1  }
0x24: {  	[tilespmem:s17+$0x9000] =	vst v1  }
0x25: {  	[tilespmem:s17+$0x9010] =	vst v1  }
.Ltmp1:
0x26: {  	[tilespmem:s17+$0x9020] =	vst v1;
	(pc) =	sbr.rel @p0 .LBB2_4-.Ltmp1, $4  }
0x27: {  	[tilespmem:s17+$0x9030] =	vst v1  }
0x28: {  	[tilespmem:s17+$0x9040] =	vst v1  }
0x29: {  	[tilespmem:s17+$0x9050] =	vst v1  }
0x2a: {  	[tilespmem:s17+$0x9060] =	vst v1;
	s17 =	sshra.s32 s18, $0x2;
	s18 =	sadd.s32 $0x200, s18  }
0x2b: {  	[tilespmem:s17+$0x9070] =	vst v1  }
0x2c: {  	[tilespmem:s17+$0x9000] =	vst v1  }
0x2d: {  	[tilespmem:s17+$0x9010] =	vst v1  }
0x2e: {  	[tilespmem:s17+$0x9020] =	vst v1  }
0x2f: {  	[tilespmem:s17+$0x9030] =	vst v1  }
0x30: {  	[tilespmem:s17+$0x9040] =	vst v1  }
0x31: {  	[tilespmem:s17+$0x9050] =	vst v1  }
0x32: {  	[tilespmem:s17+$0x9060] =	vst v1  }
0x33: {  	[spmem:s4] =	stream.linear.scatter [tilespmem:s11], [sflag:$0x1], $0x4000, $0x38;
	[tilespmem:$0x17400] =	vst v63  }
0x34: {  	_ =	swait.ge [sflag:s10], $0x4000  }
0x35: {  	[sflag:s10] =	ssyncset.done $0x0  }
0x36: {  	[sflag:s10] =	ssyncadd.s32 $0xFFFFC000  }
0x37: {  	[spmem:s9] =	stream.linear.scatter [tilespmem:s11], [sflag:$0x1], $0x4000, $0x38;
	[tilespmem:$0x17400] =	vst v63  }
0x38: {  	_ =	swait.ge [sflag:s10], $0x4000  }
0x39: {  	[sflag:s10] =	ssyncset.done $0x0  }
0x3a: {  	[sflag:s10] =	ssyncadd.s32 $0xFFFFC000  }
0x3b: {  	[spmem:s6] =	stream.linear.scatter [tilespmem:s11], [sflag:$0x1], $0x2400, $0x38;
	[tilespmem:$0x17400] =	vst v63  }
0x3c: {  	_ =	swait.ge [sflag:s10], $0x2400  }
0x3d: {  	[sflag:s10] =	ssyncset.done $0x0  }
0x3e: {  	[sflag:s10] =	ssyncadd.s32 $0xFFFFDC00  }
0x3f: {  	s31 =	simm.s32 $0x0;
	[bflag:$0x0] =	sbarrier.arrive $0xFFFF  }
0x40: {  	[spmem:s1] =	stream.indirect.scatter.add.f32 [tilespmem:s13], [sflag:$0x1], $0x80, s31, s12, $0xb8;
	[tilespmem:$0x17400] =	vst v63  }
0x41: {  	_ =	swait.ge [sflag:s10], $0x4000  }
0x42: {  	s17 =	simm.s32 $0x200;
	[sflag:s10] =	ssyncset.done $0x0  }
.LBB2_6:
0x43: {  	s18 =	sshra.s32 s17, $0x2;
	[sflag:s10] =	ssyncadd.s32 $0xFFFFC000;
	p0 =	sne.s32 s17, $0x13800  }
0x44: {  	[spmem:s1] =	stream.indirect.scatter.add.f32 [tilespmem:s13], [sflag:$0x1], $0x80, s18, s12, $0xb8;
	[tilespmem:$0x17400] =	vst v63  }
.Ltmp2:
0x45: {  	_ = 	snop;
	(pc) =	sbr.rel @p0 .LBB2_6-.Ltmp2, $4  }
0x46: {  	_ = 	snop  }
0x47: {  	s17 =	sadd.s32 $0x200, s17  }
0x48: {  	_ =	swait.ge [sflag:s10], $0x4000  }
0x49: {  	[sflag:s10] =	ssyncset.done $0x0  }
0x4a: {  	s16 =	sadd.s32 $0x1, s16  }
0x4b: {  	[sflag:s10] =	ssyncadd.s32 $0xFFFFC000;
	p0 =	sne.s32 s16, s8  }
.Ltmp3:
0x4c: {  	[bflag:$0x0] =	sbarrier.arrive $0xFFFF;
	(pc) =	sbr.rel @p0 .LBB2_1-.Ltmp3, $4  }
0x4d: {  	[hbm:s7], [sflag:s14] =	dma.local [spmem:s15], $0x1400  }
0x4e: {  	_ =	swait.ge [sflag:s10], $0x1400  }
0x4f: {  	[sflag:s10] =	ssyncset.done $0x0  }
0x50: {  	[sflag:s10] =	ssyncadd.s32 $0xFFFFEC00  }
0x51: {  	_ =	sfence.sel $0x180000  }
0x52: {  	[bflag:$0x0] =	sbarrier.arrive $0xFFFF  }
0x53: {  	p0 =	sne.s32 s2, $0x0;
	_ =	strace $0x90000047  }
0x54: {  	s0 =	sadd.s32 @!p0 $0x100000, s0;
	[bflag:$0x2] =	sbarrier.arrive $0xFFFF  }
0x55: {  	[sflag:s0] =	ssyncadd.tile.s32 @!p0 $0x1;
	_ =	shalt  }
.Lfunc_end2:
_tile_overlayer_lowered:
.L_overlay_start_2:
0x56: {  	(tag) =	ssettag $0x2  }
0x57: {  	s0 =	rddreg [dreg:$0x0];
	s2 =	stileid.u32  }
0x58: {  	s1 =	rddreg [dreg:$0x1];
	p0 =	sne.s32 s2, $0x0  }
0x59: {  	s3 =	rddreg [dreg:$0x2];
	[bflag:$0x3] =	sbarrier.arrive $0xFFFF;
	s2 =	simm.s32 @!p0 $0x1C01  }
0x5a: {  	[timem:s3], [sflag:s2] =	dma.local @!p0 [hbm:s0], s1  }
0x5b: {  	s0 =	simm.s32 @!p0 $0x1  }
0x5c: {  	_ =	swait.ge @!p0 [sflag:s0], s1  }
0x5d: {  	s1 =	ssub.s32 @!p0 $0x0, s1;
	[sflag:s0] =	ssyncset.done @!p0 $0x0  }
0x5e: {  	[sflag:s0] =	ssyncadd.s32 @!p0 s1  }
0x5f: {  	[bflag:$0x3] =	sbarrier.arrive $0xFFFF  }
0x60: {  	_ =	shalt  }

// kernel: kernel.15.cloned.1.call-start
scs
__scs_entry_jumppad:
0x0: {  	(pc) =	sbr.rel $0x88, $3  }
0x1: {  	(tag) =	ssettag $0x0;
	lr =	simm.s32 $0x1  }
0x2: {  	[smem:$0x3F99] =	sst lr;
	_ =	strace $0xD0000000  }
0x3: {  	_ = 	snop  }
0x4: {  	_ = 	snop  }
0x5: {  	_ = 	snop  }
0x6: {  	_ = 	snop  }
0x7: {  	_ = 	snop  }
__scs_overlays_trampoline_lowered:
0x8: {  	[smem:$0x3FA8] =	sst s0  }
0x9: {  	[smem:$0x3FA9] =	sst s1  }
0xa: {  	[smem:$0x3FAA] =	sst s2  }
0xb: {  	[smem:$0x3FAB] =	sst s3  }
0xc: {  	[smem:$0x3FAC] =	sst s4  }
0xd: {  	[smem:$0x3FAD] =	sst s5  }
0xe: {  	[smem:$0x3FAE] =	sst s6  }
0xf: {  	[smem:$0x3FAF] =	sst s7  }
0x10: {  	[smem:$0x3FB0] =	sst s8  }
0x11: {  	[smem:$0x3FB1] =	sst s9;
	s0 =	simm.s32 @!p0 $0x0  }
0x12: {  	s1 =	sld [smem:$0x3F97];
	s0 =	simm.s32 @p0 $0x1  }
0x13: {  	[smem:$0x3FB2] =	sst s0;
	s0 =	simm.s32 @!p1 $0x0  }
0x14: {  	s2 =	sld [smem:$0x3F96];
	s0 =	simm.s32 @p1 $0x1  }
0x15: {  	[smem:$0x3FB3] =	sst s0;
	s0 =	simm.s32 @!p2 $0x0  }
0x16: {  	s3 =	sld [smem:$0x3FDB];
	s0 =	simm.s32 @p2 $0x1  }
0x17: {  	s4 =	simm.s32 $0x1BF5;
	[smem:$0x3FB5] =	sst s0  }
0x18: {  	s0 =	sld [smem:$0x3F98];
	_ =	swait.ge [sflag:s4], $0x0  }
0x19: {  	s7 =	sld [smem:$0x3F99]  }
0x1a: {  	s8 =	sadd.s32 $0xFFFFE003, lr  }
0x1b: {  	s9 =	sadd.s32 $0xFFFFFEF7, lr;
	s5 =	simm.s32 $0xFFFFFFFF;
	p2 =	slt.u32 s8, $0xFFFFF086  }
0x1c: {  	p1 =	slt.u32 s9, $0xF7A;
	s5 =	simm.s32 @!p2 $0x0  }
0x1d: {  	s5 =	simm.s32 @p1 $0x1;
	p0 =	seq.s32 s7, s2  }
0x1e: {  	s7 =	smul.u32 @!p0 $0xF7A, s2;
	p2 =	seq.s32 @!p0 s5, $0x0  }
0x1f: {  	s9 =	smul.u32 $0xF7A, s1;
	s8 =	simm.s32 @!p0 $0x1BF5;
	p2 =	por !p2, p0  }
0x20: {  	[sflag:s8] =	ssyncset.s32 @!p0 $0xFFFFF086;
	s6 =	sadd.s32 @!p0 s3, s7;
	s7 =	simm.s32 @!p0 $0x108  }
0x21: {  	s3 =	sadd.s32 s3, s9;
	s6 =	sadd.s32 @!p0 $0x88, s6;
	s7 =	simm.s32 @p2 $0x1082  }
0x22: {  	[simem:s7], [sflag:s8] =	dma.local @!p0 [hbm:s6], $0xF7A  }
0x23: {  	s9 =	sor.u32 $0xD0000000, s2;
	s6 =	simm.s32 $0x108;
	_ =	swait.ge @!p0 [sflag:s8], $0x0  }
0x24: {  	s3 =	sadd.s32 $0x88, s3;
	s6 =	simm.s32 @!p1 $0x1082;
	[sflag:s4] =	ssyncset.s32 $0xFFFFF086  }
0x25: {  	[simem:s6], [sflag:s4] =	dma.local [hbm:s3], $0xF7A  }
0x26: {  	[smem:$0x3F99] =	sst s1;
	(tag) =	ssettag s2;
	_ =	strace s9  }
0x27: {  	s1 =	sld [smem:$0x3FA9]  }
0x28: {  	s2 =	sld [smem:$0x3FAA]  }
0x29: {  	s4 =	sld [smem:$0x3FAC]  }
0x2a: {  	p0 =	seq.s32 s5, $0x0;
	s5 =	sld [smem:$0x3FAD]  }
0x2b: {  	s6 =	sld [smem:$0x3FAE]  }
0x2c: {  	s7 =	sld [smem:$0x3FAF]  }
0x2d: {  	s3 =	simm.s32 $0x108;
	s8 =	sld [smem:$0x3FB0]  }
0x2e: {  	s3 =	simm.s32 @!p0 $0x1082;
	s9 =	sld [smem:$0x3FB1]  }
0x2f: {  	lr =	sadd.s32 s0, s3;
	s0 =	sld [smem:$0x3FA8]  }
0x30: {  	s3 =	sld [smem:$0x3FAB]  }
0x31: {  	[smem:$0x3FB4] =	sst s10  }
0x32: {  	s10 =	sld [smem:$0x3FB2];
	_ =	sdelay $0x3  }
0x33: {  	p0 =	seq.s32 s10, $0x1;
	s10 =	sld [smem:$0x3FB4];
	_ =	sdelay $0x3  }
0x34: {  	[smem:$0x3FB4] =	sst s10  }
0x35: {  	s10 =	sld [smem:$0x3FB3];
	_ =	sdelay $0x3  }
0x36: {  	p1 =	seq.s32 s10, $0x1;
	s10 =	sld [smem:$0x3FB4];
	_ =	sdelay $0x3  }
0x37: {  	[smem:$0x3FB4] =	sst s10  }
0x38: {  	s10 =	sld [smem:$0x3FB5]  }
0x39: {  	_ = 	snop;
	(pc) =	sbr.ind lr, $3  }
0x3a: {  	_ = 	snop  }
0x3b: {  	_ = 	snop  }
0x3c: {  	p2 =	seq.s32 s10, $0x1;
	s10 =	sld [smem:$0x3FB4]  }
0x3d: {  	_ =	shalt  }
0x3e: {  	_ =	shalt  }
0x3f: {  	_ =	shalt  }
0x40: {  	_ =	shalt  }
0x41: {  	_ =	shalt  }
0x42: {  	_ =	shalt  }
0x43: {  	_ =	shalt  }
0x44: {  	_ =	shalt  }
0x45: {  	_ =	shalt  }
0x46: {  	_ =	shalt  }
0x47: {  	_ =	shalt  }
0x48: {  	_ =	shalt  }
0x49: {  	_ =	shalt  }
0x4a: {  	_ =	shalt  }
0x4b: {  	_ =	shalt  }
0x4c: {  	_ =	shalt  }
0x4d: {  	_ =	shalt  }
0x4e: {  	_ =	shalt  }
0x4f: {  	_ =	shalt  }
0x50: {  	_ =	shalt  }
0x51: {  	_ =	shalt  }
0x52: {  	_ =	shalt  }
0x53: {  	_ =	shalt  }
0x54: {  	_ =	shalt  }
0x55: {  	_ =	shalt  }
0x56: {  	_ =	shalt  }
0x57: {  	_ =	shalt  }
0x58: {  	_ =	shalt  }
0x59: {  	_ =	shalt  }
0x5a: {  	_ =	shalt  }
0x5b: {  	_ =	shalt  }
0x5c: {  	_ =	shalt  }
0x5d: {  	_ =	shalt  }
0x5e: {  	_ =	shalt  }
0x5f: {  	_ =	shalt  }
0x60: {  	_ =	shalt  }
0x61: {  	_ =	shalt  }
0x62: {  	_ =	shalt  }
0x63: {  	_ =	shalt  }
0x64: {  	_ =	shalt  }
0x65: {  	_ =	shalt  }
0x66: {  	_ =	shalt  }
0x67: {  	_ =	shalt  }
0x68: {  	_ =	shalt  }
0x69: {  	_ =	shalt  }
0x6a: {  	_ =	shalt  }
0x6b: {  	_ =	shalt  }
0x6c: {  	_ =	shalt  }
0x6d: {  	_ =	shalt  }
0x6e: {  	_ =	shalt  }
0x6f: {  	_ =	shalt  }
0x70: {  	_ =	shalt  }
0x71: {  	_ =	shalt  }
0x72: {  	_ =	shalt  }
0x73: {  	_ =	shalt  }
0x74: {  	_ =	shalt  }
0x75: {  	_ =	shalt  }
0x76: {  	_ =	shalt  }
0x77: {  	_ =	shalt  }
0x78: {  	_ =	shalt  }
0x79: {  	_ =	shalt  }
0x7a: {  	_ =	shalt  }
0x7b: {  	_ =	shalt  }
0x7c: {  	_ =	shalt  }
0x7d: {  	_ =	shalt  }
0x7e: {  	_ =	shalt  }
0x7f: {  	_ =	shalt  }
0x80: {  	_ =	shalt  }
0x81: {  	_ =	shalt  }
0x82: {  	_ =	shalt  }
0x83: {  	_ =	shalt  }
0x84: {  	_ =	shalt  }
0x85: {  	_ =	shalt  }
0x86: {  	_ =	shalt  }
0x87: {  	_ =	shalt  }
.Lfunc_end0:
.L_simem_size_0:
called_computation.1_lowered:
.L_overlay_start_0:
0x88: {  	s2 =	sld [smem:$0x3FD9]  }
0x89: {  	s3 =	sld [smem:$0x3FFE];
	_ =	sdelay $0x1  }
0x8a: {  	s1 =	srdreg.scid  }
0x8b: {  	s0 =	sand.u32 $0x1, s1  }
0x8c: {  	s17 =	sshll.u32 s0, $0xA;
	s2 =	sadd.s32 s3, s2  }
0x8d: {  	s2 =	sadd.s32 s2, s17  }
0x8e: {  	[smem:$0x3FC0] =	sst s2  }
0x8f: {  	_ = 	snop  }
0x90: {  	s2 =	sld [smem:$0x3FD0];
	(tm) =	ssettm $0x1  }
0x91: {  	s18 =	sld [smem:$0x3FFB];
	_ =	sdelay $0x3  }
0x92: {  	_ =	strace s18  }
0x93: {  	s3 =	sld [smem:$0x3FFC];
	_ =	sdelay $0x3  }
0x94: {  	_ =	strace s3  }
0x95: {  	s3 =	sld [smem:$0x3FFD];
	_ =	sdelay $0x3  }
0x96: {  	_ =	strace s3  }
0x97: {  	_ =	strace $0x8FFFFFFF  }
0x98: {  	s19 =	sld [smem:$0x3FDB];
	_ =	sdelay $0x1  }
0x99: {  	s4 =	simm.s32 $_scs_section_size  }
0x9a: {  	s5 =	simm.s32 $_size__tile_overlayer_lowered;
	s6 =	simm.s32 $_tile_overlayer_lowered  }
0x9b: {  	s22 =	simm.s32 $0x1BFF;
	s21 =	sshll.u32 s6, $0x1;
	s3 =	sadd.s32 s4, s19  }
0x9c: {  	s7 =	simm.s32 $0x0;
	s20 =	sshll.u32 s5, $0x1;
	s5 =	sadd.s32 s21, s3  }
0x9d: {  	[timem:s7], [sflag:s22] =	dma.local [hbm:s5], s20  }
0x9e: {  	_ =	swait.ge [sflag:s22], s20  }
0x9f: {  	s4 =	ssub.s32 $0x0, s20;
	[sflag:s22] =	ssyncset.done $0x0  }
0xa0: {  	[sflag:s22] =	ssyncadd.s32 s4;
	_ =	sdelay $0x1  }
0xa1: {  	s23 =	simm.s32 $0x1B8B  }
0xa2: {  	_ =	swait.ge [sflag:s23], $0x1  }
0xa3: {  	[sflag:s23] =	ssyncset.done $0x0  }
0xa4: {  	s25 =	simm.s32 $0x1B8E;
	s24 =	sld [smem:$0x3FFE];
	[sflag:s23] =	ssyncadd.s32 $0xFFFFFFFF  }
0xa5: {  	s26 =	simm.s32 $execute0_lowered;
	[smem:$0x3FD2] =	sst s25  }
0xa6: {  	s5 =	sshll.u32 s26, $0x1;
	_ =	strace $0x80000049;
	[dreg:$0x1] =	wrdreg $0xFFFFFFFF  }
0xa7: {  	s28 =	simm.s32 $_size_execute0_lowered;
	s3 =	sadd.s32 s3, s5;
	[dreg:$0x0] =	wrdreg $0x0  }
0xa8: {  	s5 =	sshll.u32 s28, $0x1;
	[dreg:$0x2] =	wrdreg s3  }
0xa9: {  	[dreg:$0x3] =	wrdreg s5  }
0xaa: {  	[dreg:$0x4] =	wrdreg $0xC0  }
0xab: {  	_ =	task [dreg:s7], $0x5FFFF  }
0xac: {  	[dreg:$0x1] =	wrdreg $0xFFFFFFFF  }
0xad: {  	[dreg:$0x0] =	wrdreg $0x60  }
0xae: {  	[dreg:$0x2] =	wrdreg s24  }
0xaf: {  	[dreg:$0x3] =	wrdreg s2  }
0xb0: {  	[dreg:$0x4] =	wrdreg $0x120000  }
0xb1: {  	[dreg:$0x5] =	wrdreg $0x9  }
0xb2: {  	_ =	task.clear_ibuf [dreg:s7], $0x6FFFF;
	_ =	strace $0x90000049  }
0xb3: {  	s29 =	simm.s32 $0x9;
	_ =	strace $0x8000004B  }
0xb4: {  	_ =	swait.ge [sflag:s29], $0x1  }
0xb5: {  	[sflag:s29] =	ssyncadd.s32 $0xFFFFFFFF  }
0xb6: {  	_ =	strace $0x9000004B  }
0xb7: {  	_ =	sfence  }
0xb8: {  	s30 =	sld [smem:$0x0];
	_ =	sdelay $0x2  }
0xb9: {  	s31 =	sshll.u32 s1, $0xD;
	s1 =	sshrl.u32 s1, $0x2  }
0xba: {  	s3 =	sand.u32 $0x4000, s31;
	s1 =	sadd.s32 s1, s30  }
0xbb: {  	s0 =	sor.u32 s3, s0;
	s1 =	sshll.u32 s1, $0x11  }
0xbc: {  	s0 =	sor.u32 s1, s0  }
0xbd: {  	s0 =	sadd.s32 $0x8F2B, s0  }
0xbe: {  	[sflag:s0] =	ssyncadd.remote.s32 $0x1  }
0xbf: {  	_ =	sfence.sel $0xFFFF  }
0xc0: {  	[dreg:$0x0] =	wrdreg $0xFFFFFFFF;
	(pc) =	sbr.abs _section_cstart, $3  }
0xc1: {  	[dreg:$0x1] =	wrdreg $0xFFFFFFFF  }
0xc2: {  	_ =	task.clear_ibuf [dreg:s7], $0x2FFFF;
	_ =	strace $0x9FFFFFFF  }
0xc3: {  	(tm) =	ssettm $0x7FFFFFFF  }
tec
execute0_lowered:
.L_overlay_start_1:
0x0: {  	(tag) =	ssettag $0x1  }
0x1: {  	s5 =	rddreg [dreg:$0x0]  }
0x2: {  	s6 =	rddreg [dreg:$0x1];
	s0 =	srdreg.scid  }
0x3: {  	s1 =	rddreg [dreg:$0x2];
	s2 =	stileid.u32  }
0x4: {  	s3 =	simm.s32 $0x0;
	s15 =	simm.s32 $0x80;
	s10 =	smul.u32 $0x1400, s2  }
0x5: {  	s16 =	simm.s32 $0xA000;
	s17 =	simm.s32 $0x1;
	s29 =	smul.u32 $0x29000, s2  }
0x6: {  	s7 =	sand.u32 $0x1, s0;
	s0 =	rddreg [dreg:$0x3];
	s12 =	smul.u32 $0xA00, s2  }
0x7: {  	s20 =	simm.s32 $0x0;
	[smem:$0x7FF] =	sst s3;
	s11 =	smul.u32 $0x28000, s2  }
0x8: {  	s4 =	sadd.s32 $0x17200, s5;
	s18 =	sshll.u32 s2, $0x6;
	s8 =	smul.u32 $0xA000, s7  }
0x9: {  	s9 =	smul.u32 $0x14000, s7;
	_ =	strace $0x8000004A;
	s30 =	ssub.s32 $0x2, s7  }
0xa: {  	s18 =	sor.u32 $0x1C02, s18;
	s7 =	sshrl.u32 s30, $0x1;
	s31 =	sshrl.u32 s11, $0x2  }
0xb: {  	s11 =	simm.s32 $0x2;
	s8 =	sadd.s32 s8, s5;
	s9 =	sadd.s32 s10, s9  }
0xc: {  	s10 =	sshrl.u32 s29, $0x2;
	s13 =	ssub.s32 s30, s7;
	s19 =	sadd.s32 s31, s1  }
0xd: {  	s9 =	sadd.s32 s9, s5;
	s5 =	sadd.s32 s6, s12;
	s6 =	sadd.s32 s10, s1  }
0xe: {  	s14 =	sadd.s32 $0x3200, s8;
	s19 =	sshrl.u32 s19, $0x3;
	s7 =	sadd.s32 $0x8000, s6  }
0xf: {  	s8 =	sadd.s32 $0x3E400, s9;
	s9 =	smax.u32 s13, $0x1;
	s10 =	sadd.s32 $0x4000, s6  }
0x10: {  	v0 =	vimm.f32 $0.0e+00;
	s12 =	sadd.s32 s12, s14;
	s13 =	simm.s32 $0x5000;
	s14 =	simm.s32 $0xE000  }
.LBB2_1:
0x11: {  	[tilespmem:s3], [sflag:$0x2] =	stream.linear.gather [hbm4b:s5+s3], $0x4E80, $0x38;
	[tilespmem:$0x1C400] =	vst v63  }
0x12: {  	_ =	swait.ge [sflag:s11], $0x4E80  }
0x13: {  	[sflag:s11] =	ssyncset.done $0x0  }
0x14: {  	[sflag:s11] =	ssyncadd.s32 $0xFFFFB180  }
0x15: {  	[tilespmem:s13], [sflag:$0x2] =	stream.linear.gather [hbm4b:s12+s3], $0x4E80, $0x38;
	[tilespmem:$0x1C400] =	vst v63  }
0x16: {  	_ =	swait.ge [sflag:s11], $0x4E80  }
0x17: {  	[sflag:s11] =	ssyncset.done $0x0  }
0x18: {  	s21 =	simm.s32 $0x0;
	s22 =	simm.s32 $0x200;
	[sflag:s11] =	ssyncadd.s32 $0xFFFFB180  }
.LBB2_2:
0x19: {  	p0 =	sne.s32 s22, $0xFE00;
	[tilespmem:s21+$0xE070] =	vst v0  }
0x1a: {  	[tilespmem:s21+$0xE000] =	vst v0  }
0x1b: {  	[tilespmem:s21+$0xE010] =	vst v0  }
.Ltmp0:
0x1c: {  	[tilespmem:s21+$0xE020] =	vst v0;
	(pc) =	sbr.rel @p0 .LBB2_2-.Ltmp0, $4  }
0x1d: {  	[tilespmem:s21+$0xE030] =	vst v0  }
0x1e: {  	[tilespmem:s21+$0xE040] =	vst v0  }
0x1f: {  	[tilespmem:s21+$0xE050] =	vst v0  }
0x20: {  	[tilespmem:s21+$0xE060] =	vst v0;
	s21 =	sshra.s32 s22, $0x2;
	s22 =	sadd.s32 $0x200, s22  }
0x21: {  	[tilespmem:s21+$0xE070] =	vst v0  }
0x22: {  	[tilespmem:s21+$0xE000] =	vst v0  }
0x23: {  	[tilespmem:s21+$0xE010] =	vst v0  }
0x24: {  	[tilespmem:s21+$0xE020] =	vst v0  }
0x25: {  	[tilespmem:s21+$0xE030] =	vst v0  }
0x26: {  	[tilespmem:s21+$0xE040] =	vst v0  }
0x27: {  	[tilespmem:s21+$0xE050] =	vst v0  }
0x28: {  	[tilespmem:s21+$0xE060] =	vst v0  }
0x29: {  	[spmem:s6] =	stream.linear.scatter [tilespmem:s14], [sflag:$0x2], $0x4000, $0x38;
	[tilespmem:$0x1C400] =	vst v63  }
0x2a: {  	_ =	swait.ge [sflag:s11], $0x4000  }
0x2b: {  	[sflag:s11] =	ssyncset.done $0x0  }
0x2c: {  	[sflag:s11] =	ssyncadd.s32 $0xFFFFC000  }
0x2d: {  	[spmem:s10] =	stream.linear.scatter [tilespmem:s14], [sflag:$0x2], $0x4000, $0x38;
	[tilespmem:$0x1C400] =	vst v63  }
0x2e: {  	_ =	swait.ge [sflag:s11], $0x4000  }
0x2f: {  	[sflag:s11] =	ssyncset.done $0x0  }
0x30: {  	[sflag:s11] =	ssyncadd.s32 $0xFFFFC000  }
0x31: {  	[spmem:s7] =	stream.linear.scatter [tilespmem:s14], [sflag:$0x2], $0x2400, $0x38;
	[tilespmem:$0x1C400] =	vst v63  }
0x32: {  	_ =	swait.ge [sflag:s11], $0x2400  }
0x33: {  	[sflag:s11] =	ssyncset.done $0x0  }
0x34: {  	[sflag:s11] =	ssyncadd.s32 $0xFFFFDC00  }
0x35: {  	s30 =	simm.s32 $0x0;
	[bflag:$0x0] =	sbarrier.arrive $0xFFFF  }
0x36: {  	[tilespmem:s16], [sflag:$0x1] =	stream.indirect.gather [hbm4b:s4+s15], $0x80, s30, s15, $0xb8;
	[tilespmem:$0x1C400] =	vst v63  }
0x37: {  	_ =	swait.ge [sflag:s17], $0x4000  }
0x38: {  	[sflag:s17] =	ssyncset.done $0x0  }
0x39: {  	s31 =	simm.s32 $0x5000;
	[sflag:s17] =	ssyncadd.s32 $0xFFFFC000  }
0x3a: {  	[spmem:s1] =	stream.indirect.scatter.add.f32 [tilespmem:s16], [sflag:$0x2], $0x80, s31, s15, $0xb8;
	[tilespmem:$0x1C400] =	vst v63  }
0x3b: {  	_ =	swait.ge [sflag:s11], $0x4000  }
0x3c: {  	s21 =	simm.s32 $0x200;
	s22 =	simm.s32 $0x400;
	[sflag:s11] =	ssyncset.done $0x0  }
.LBB2_4:
0x3d: {  	s23 =	sshra.s32 s21, $0x2  }
0x3e: {  	[sflag:s11] =	ssyncadd.s32 $0xFFFFC000;
	s21 =	smov.u32 s22;
	s24 =	sadd.s32 $0x200, s22  }
0x3f: {  	[tilespmem:s16], [sflag:$0x1] =	stream.indirect.gather [hbm4b:s4+s15], $0x80, s23, s15, $0xb8;
	[tilespmem:$0x1C400] =	vst v63  }
0x40: {  	p0 =	sne.s32 s22, $0x13800;
	_ =	swait.ge [sflag:s17], $0x4000  }
.Ltmp1:
0x41: {  	[sflag:s17] =	ssyncset.done $0x0;
	(pc) =	sbr.rel @p0 .LBB2_4-.Ltmp1, $4  }
0x42: {  	s22 =	sadd.s32 $0x5000, s23;
	[sflag:s17] =	ssyncadd.s32 $0xFFFFC000  }
0x43: {  	[spmem:s1] =	stream.indirect.scatter.add.f32 [tilespmem:s16], [sflag:$0x2], $0x80, s22, s15, $0xb8;
	[tilespmem:$0x1C400] =	vst v63  }
0x44: {  	_ =	swait.ge [sflag:s11], $0x4000  }
0x45: {  	s22 =	smov.u32 s24;
	[sflag:s11] =	ssyncset.done $0x0  }
0x46: {  	s21 =	sshra.s32 s21, $0x2;
	[sflag:s11] =	ssyncadd.s32 $0xFFFFC000  }
0x47: {  	[tilespmem:s16], [sflag:$0x1] =	stream.indirect.gather [hbm4b:s4+s15], $0x80, s21, s15, $0xb8;
	[tilespmem:$0x1C400] =	vst v63  }
0x48: {  	_ =	swait.ge [sflag:s17], $0x4000  }
0x49: {  	[sflag:s17] =	ssyncset.done $0x0  }
0x4a: {  	s21 =	sadd.s32 $0x5000, s21;
	[sflag:s17] =	ssyncadd.s32 $0xFFFFC000  }
0x4b: {  	[spmem:s1] =	stream.indirect.scatter.add.f32 [tilespmem:s16], [sflag:$0x2], $0x80, s21, s15, $0xb8;
	[tilespmem:$0x1C400] =	vst v63  }
0x4c: {  	_ =	swait.ge [sflag:s11], $0x4000  }
0x4d: {  	s20 =	sadd.s32 $0x1, s20;
	[sflag:s11] =	ssyncset.done $0x0  }
0x4e: {  	p0 =	sne.s32 s20, s9;
	[sflag:s11] =	ssyncadd.s32 $0xFFFFC000  }
.Ltmp2:
0x4f: {  	[bflag:$0x0] =	sbarrier.arrive $0xFFFF;
	(pc) =	sbr.rel @p0 .LBB2_1-.Ltmp2, $4  }
0x50: {  	[hbm:s8], [sflag:s18] =	dma.local [spmem:s19], $0x1400  }
0x51: {  	_ =	swait.ge [sflag:s11], $0x1400  }
0x52: {  	[sflag:s11] =	ssyncset.done $0x0  }
0x53: {  	[sflag:s11] =	ssyncadd.s32 $0xFFFFEC00  }
0x54: {  	_ =	sfence.sel $0x180000  }
0x55: {  	[bflag:$0x0] =	sbarrier.arrive $0xFFFF  }
0x56: {  	p0 =	sne.s32 s2, $0x0;
	_ =	strace $0x9000004A  }
0x57: {  	s0 =	sadd.s32 @!p0 $0x100000, s0;
	[bflag:$0x2] =	sbarrier.arrive $0xFFFF  }
0x58: {  	[sflag:s0] =	ssyncadd.tile.s32 @!p0 $0x1;
	_ =	shalt  }
.Lfunc_end2:
_tile_overlayer_lowered:
.L_overlay_start_2:
0x59: {  	(tag) =	ssettag $0x2  }
0x5a: {  	s0 =	rddreg [dreg:$0x0];
	s2 =	stileid.u32  }
0x5b: {  	s1 =	rddreg [dreg:$0x1];
	p0 =	sne.s32 s2, $0x0  }
0x5c: {  	s3 =	rddreg [dreg:$0x2];
	[bflag:$0x3] =	sbarrier.arrive $0xFFFF;
	s2 =	simm.s32 @!p0 $0x1C02  }
0x5d: {  	[timem:s3], [sflag:s2] =	dma.local @!p0 [hbm:s0], s1  }
0x5e: {  	s0 =	simm.s32 @!p0 $0x2  }
0x5f: {  	_ =	swait.ge @!p0 [sflag:s0], s1  }
0x60: {  	s1 =	ssub.s32 @!p0 $0x0, s1;
	[sflag:s0] =	ssyncset.done @!p0 $0x0  }
0x61: {  	[sflag:s0] =	ssyncadd.s32 @!p0 s1  }
0x62: {  	[bflag:$0x3] =	sbarrier.arrive $0xFFFF  }
0x63: {  	_ =	shalt  }

// kernel: kernel.18.cloned.1.call-start
scs
__scs_entry_jumppad:
0x0: {  	(pc) =	sbr.rel $0x88, $3  }
0x1: {  	(tag) =	ssettag $0x0;
	lr =	simm.s32 $0x1  }
0x2: {  	[smem:$0x3F99] =	sst lr;
	_ =	strace $0xD0000000  }
0x3: {  	_ = 	snop  }
0x4: {  	_ = 	snop  }
0x5: {  	_ = 	snop  }
0x6: {  	_ = 	snop  }
0x7: {  	_ = 	snop  }
__scs_overlays_trampoline_lowered:
0x8: {  	[smem:$0x3FA8] =	sst s0  }
0x9: {  	[smem:$0x3FA9] =	sst s1  }
0xa: {  	[smem:$0x3FAA] =	sst s2  }
0xb: {  	[smem:$0x3FAB] =	sst s3  }
0xc: {  	[smem:$0x3FAC] =	sst s4  }
0xd: {  	[smem:$0x3FAD] =	sst s5  }
0xe: {  	[smem:$0x3FAE] =	sst s6  }
0xf: {  	[smem:$0x3FAF] =	sst s7  }
0x10: {  	[smem:$0x3FB0] =	sst s8  }
0x11: {  	[smem:$0x3FB1] =	sst s9;
	s0 =	simm.s32 @!p0 $0x0  }
0x12: {  	s1 =	sld [smem:$0x3F97];
	s0 =	simm.s32 @p0 $0x1  }
0x13: {  	[smem:$0x3FB2] =	sst s0;
	s0 =	simm.s32 @!p1 $0x0  }
0x14: {  	s2 =	sld [smem:$0x3F96];
	s0 =	simm.s32 @p1 $0x1  }
0x15: {  	[smem:$0x3FB3] =	sst s0;
	s0 =	simm.s32 @!p2 $0x0  }
0x16: {  	s3 =	sld [smem:$0x3FDB];
	s0 =	simm.s32 @p2 $0x1  }
0x17: {  	s4 =	simm.s32 $0x1BF5;
	[smem:$0x3FB5] =	sst s0  }
0x18: {  	s0 =	sld [smem:$0x3F98];
	_ =	swait.ge [sflag:s4], $0x0  }
0x19: {  	s7 =	sld [smem:$0x3F99]  }
0x1a: {  	s8 =	sadd.s32 $0xFFFFE003, lr  }
0x1b: {  	s9 =	sadd.s32 $0xFFFFFEF7, lr;
	s5 =	simm.s32 $0xFFFFFFFF;
	p2 =	slt.u32 s8, $0xFFFFF086  }
0x1c: {  	p1 =	slt.u32 s9, $0xF7A;
	s5 =	simm.s32 @!p2 $0x0  }
0x1d: {  	s5 =	simm.s32 @p1 $0x1;
	p0 =	seq.s32 s7, s2  }
0x1e: {  	s7 =	smul.u32 @!p0 $0xF7A, s2;
	p2 =	seq.s32 @!p0 s5, $0x0  }
0x1f: {  	s9 =	smul.u32 $0xF7A, s1;
	s8 =	simm.s32 @!p0 $0x1BF5;
	p2 =	por !p2, p0  }
0x20: {  	[sflag:s8] =	ssyncset.s32 @!p0 $0xFFFFF086;
	s6 =	sadd.s32 @!p0 s3, s7;
	s7 =	simm.s32 @!p0 $0x108  }
0x21: {  	s3 =	sadd.s32 s3, s9;
	s6 =	sadd.s32 @!p0 $0x88, s6;
	s7 =	simm.s32 @p2 $0x1082  }
0x22: {  	[simem:s7], [sflag:s8] =	dma.local @!p0 [hbm:s6], $0xF7A  }
0x23: {  	s9 =	sor.u32 $0xD0000000, s2;
	s6 =	simm.s32 $0x108;
	_ =	swait.ge @!p0 [sflag:s8], $0x0  }
0x24: {  	s3 =	sadd.s32 $0x88, s3;
	s6 =	simm.s32 @!p1 $0x1082;
	[sflag:s4] =	ssyncset.s32 $0xFFFFF086  }
0x25: {  	[simem:s6], [sflag:s4] =	dma.local [hbm:s3], $0xF7A  }
0x26: {  	[smem:$0x3F99] =	sst s1;
	(tag) =	ssettag s2;
	_ =	strace s9  }
0x27: {  	s1 =	sld [smem:$0x3FA9]  }
0x28: {  	s2 =	sld [smem:$0x3FAA]  }
0x29: {  	s4 =	sld [smem:$0x3FAC]  }
0x2a: {  	p0 =	seq.s32 s5, $0x0;
	s5 =	sld [smem:$0x3FAD]  }
0x2b: {  	s6 =	sld [smem:$0x3FAE]  }
0x2c: {  	s7 =	sld [smem:$0x3FAF]  }
0x2d: {  	s3 =	simm.s32 $0x108;
	s8 =	sld [smem:$0x3FB0]  }
0x2e: {  	s3 =	simm.s32 @!p0 $0x1082;
	s9 =	sld [smem:$0x3FB1]  }
0x2f: {  	lr =	sadd.s32 s0, s3;
	s0 =	sld [smem:$0x3FA8]  }
0x30: {  	s3 =	sld [smem:$0x3FAB]  }
0x31: {  	[smem:$0x3FB4] =	sst s10  }
0x32: {  	s10 =	sld [smem:$0x3FB2];
	_ =	sdelay $0x3  }
0x33: {  	p0 =	seq.s32 s10, $0x1;
	s10 =	sld [smem:$0x3FB4];
	_ =	sdelay $0x3  }
0x34: {  	[smem:$0x3FB4] =	sst s10  }
0x35: {  	s10 =	sld [smem:$0x3FB3];
	_ =	sdelay $0x3  }
0x36: {  	p1 =	seq.s32 s10, $0x1;
	s10 =	sld [smem:$0x3FB4];
	_ =	sdelay $0x3  }
0x37: {  	[smem:$0x3FB4] =	sst s10  }
0x38: {  	s10 =	sld [smem:$0x3FB5]  }
0x39: {  	_ = 	snop;
	(pc) =	sbr.ind lr, $3  }
0x3a: {  	_ = 	snop  }
0x3b: {  	_ = 	snop  }
0x3c: {  	p2 =	seq.s32 s10, $0x1;
	s10 =	sld [smem:$0x3FB4]  }
0x3d: {  	_ =	shalt  }
0x3e: {  	_ =	shalt  }
0x3f: {  	_ =	shalt  }
0x40: {  	_ =	shalt  }
0x41: {  	_ =	shalt  }
0x42: {  	_ =	shalt  }
0x43: {  	_ =	shalt  }
0x44: {  	_ =	shalt  }
0x45: {  	_ =	shalt  }
0x46: {  	_ =	shalt  }
0x47: {  	_ =	shalt  }
0x48: {  	_ =	shalt  }
0x49: {  	_ =	shalt  }
0x4a: {  	_ =	shalt  }
0x4b: {  	_ =	shalt  }
0x4c: {  	_ =	shalt  }
0x4d: {  	_ =	shalt  }
0x4e: {  	_ =	shalt  }
0x4f: {  	_ =	shalt  }
0x50: {  	_ =	shalt  }
0x51: {  	_ =	shalt  }
0x52: {  	_ =	shalt  }
0x53: {  	_ =	shalt  }
0x54: {  	_ =	shalt  }
0x55: {  	_ =	shalt  }
0x56: {  	_ =	shalt  }
0x57: {  	_ =	shalt  }
0x58: {  	_ =	shalt  }
0x59: {  	_ =	shalt  }
0x5a: {  	_ =	shalt  }
0x5b: {  	_ =	shalt  }
0x5c: {  	_ =	shalt  }
0x5d: {  	_ =	shalt  }
0x5e: {  	_ =	shalt  }
0x5f: {  	_ =	shalt  }
0x60: {  	_ =	shalt  }
0x61: {  	_ =	shalt  }
0x62: {  	_ =	shalt  }
0x63: {  	_ =	shalt  }
0x64: {  	_ =	shalt  }
0x65: {  	_ =	shalt  }
0x66: {  	_ =	shalt  }
0x67: {  	_ =	shalt  }
0x68: {  	_ =	shalt  }
0x69: {  	_ =	shalt  }
0x6a: {  	_ =	shalt  }
0x6b: {  	_ =	shalt  }
0x6c: {  	_ =	shalt  }
0x6d: {  	_ =	shalt  }
0x6e: {  	_ =	shalt  }
0x6f: {  	_ =	shalt  }
0x70: {  	_ =	shalt  }
0x71: {  	_ =	shalt  }
0x72: {  	_ =	shalt  }
0x73: {  	_ =	shalt  }
0x74: {  	_ =	shalt  }
0x75: {  	_ =	shalt  }
0x76: {  	_ =	shalt  }
0x77: {  	_ =	shalt  }
0x78: {  	_ =	shalt  }
0x79: {  	_ =	shalt  }
0x7a: {  	_ =	shalt  }
0x7b: {  	_ =	shalt  }
0x7c: {  	_ =	shalt  }
0x7d: {  	_ =	shalt  }
0x7e: {  	_ =	shalt  }
0x7f: {  	_ =	shalt  }
0x80: {  	_ =	shalt  }
0x81: {  	_ =	shalt  }
0x82: {  	_ =	shalt  }
0x83: {  	_ =	shalt  }
0x84: {  	_ =	shalt  }
0x85: {  	_ =	shalt  }
0x86: {  	_ =	shalt  }
0x87: {  	_ =	shalt  }
.Lfunc_end0:
.L_simem_size_0:
called_computation.2_lowered:
.L_overlay_start_0:
0x88: {  	s2 =	sld [smem:$0x3FD9]  }
0x89: {  	s3 =	sld [smem:$0x3FFE];
	_ =	sdelay $0x1  }
0x8a: {  	s1 =	srdreg.scid  }
0x8b: {  	s0 =	sand.u32 $0x1, s1  }
0x8c: {  	s17 =	sshll.u32 s0, $0xA;
	s2 =	sadd.s32 s3, s2  }
0x8d: {  	s2 =	sadd.s32 s2, s17  }
0x8e: {  	[smem:$0x3FC0] =	sst s2  }
0x8f: {  	_ = 	snop  }
0x90: {  	s2 =	sld [smem:$0x3FD0];
	(tm) =	ssettm $0x1  }
0x91: {  	s18 =	sld [smem:$0x3FFB];
	_ =	sdelay $0x3  }
0x92: {  	_ =	strace s18  }
0x93: {  	s3 =	sld [smem:$0x3FFC];
	_ =	sdelay $0x3  }
0x94: {  	_ =	strace s3  }
0x95: {  	s3 =	sld [smem:$0x3FFD];
	_ =	sdelay $0x3  }
0x96: {  	_ =	strace s3  }
0x97: {  	_ =	strace $0x8FFFFFFF  }
0x98: {  	s19 =	sld [smem:$0x3FDB];
	_ =	sdelay $0x1  }
0x99: {  	s4 =	simm.s32 $_scs_section_size  }
0x9a: {  	s5 =	simm.s32 $_size__tile_overlayer_lowered;
	s6 =	simm.s32 $_tile_overlayer_lowered  }
0x9b: {  	s22 =	simm.s32 $0x1BFF;
	s21 =	sshll.u32 s6, $0x1;
	s3 =	sadd.s32 s4, s19  }
0x9c: {  	s7 =	simm.s32 $0x0;
	s20 =	sshll.u32 s5, $0x1;
	s5 =	sadd.s32 s21, s3  }
0x9d: {  	[timem:s7], [sflag:s22] =	dma.local [hbm:s5], s20  }
0x9e: {  	_ =	swait.ge [sflag:s22], s20  }
0x9f: {  	s4 =	ssub.s32 $0x0, s20;
	[sflag:s22] =	ssyncset.done $0x0  }
0xa0: {  	[sflag:s22] =	ssyncadd.s32 s4;
	_ =	sdelay $0x1  }
0xa1: {  	s23 =	simm.s32 $0x1B8B  }
0xa2: {  	_ =	swait.ge [sflag:s23], $0x1  }
0xa3: {  	[sflag:s23] =	ssyncset.done $0x0  }
0xa4: {  	s25 =	simm.s32 $0x1B8E;
	s24 =	sld [smem:$0x3FFE];
	[sflag:s23] =	ssyncadd.s32 $0xFFFFFFFF  }
0xa5: {  	s26 =	simm.s32 $execute0_lowered;
	[smem:$0x3FD2] =	sst s25  }
0xa6: {  	s5 =	sshll.u32 s26, $0x1;
	_ =	strace $0x8000004C;
	[dreg:$0x1] =	wrdreg $0xFFFFFFFF  }
0xa7: {  	s28 =	simm.s32 $_size_execute0_lowered;
	s3 =	sadd.s32 s3, s5;
	[dreg:$0x0] =	wrdreg $0x0  }
0xa8: {  	s5 =	sshll.u32 s28, $0x1;
	[dreg:$0x2] =	wrdreg s3  }
0xa9: {  	[dreg:$0x3] =	wrdreg s5  }
0xaa: {  	[dreg:$0x4] =	wrdreg $0xC0  }
0xab: {  	_ =	task [dreg:s7], $0x5FFFF  }
0xac: {  	[dreg:$0x1] =	wrdreg $0xFFFFFFFF  }
0xad: {  	[dreg:$0x0] =	wrdreg $0x60  }
0xae: {  	[dreg:$0x2] =	wrdreg s24  }
0xaf: {  	[dreg:$0x3] =	wrdreg s2  }
0xb0: {  	[dreg:$0x4] =	wrdreg $0x120000  }
0xb1: {  	[dreg:$0x5] =	wrdreg $0x9  }
0xb2: {  	_ =	task.clear_ibuf [dreg:s7], $0x6FFFF;
	_ =	strace $0x9000004C  }
0xb3: {  	s29 =	simm.s32 $0x9;
	_ =	strace $0x8000004E  }
0xb4: {  	_ =	swait.ge [sflag:s29], $0x1  }
0xb5: {  	[sflag:s29] =	ssyncadd.s32 $0xFFFFFFFF  }
0xb6: {  	_ =	strace $0x9000004E  }
0xb7: {  	_ =	sfence  }
0xb8: {  	s30 =	sld [smem:$0x0];
	_ =	sdelay $0x2  }
0xb9: {  	s31 =	sshll.u32 s1, $0xD;
	s1 =	sshrl.u32 s1, $0x2  }
0xba: {  	s3 =	sand.u32 $0x4000, s31;
	s1 =	sadd.s32 s1, s30  }
0xbb: {  	s0 =	sor.u32 s3, s0;
	s1 =	sshll.u32 s1, $0x11  }
0xbc: {  	s0 =	sor.u32 s1, s0  }
0xbd: {  	s0 =	sadd.s32 $0x8F2B, s0  }
0xbe: {  	[sflag:s0] =	ssyncadd.remote.s32 $0x1  }
0xbf: {  	_ =	sfence.sel $0xFFFF  }
0xc0: {  	[dreg:$0x0] =	wrdreg $0xFFFFFFFF;
	(pc) =	sbr.abs _section_cstart, $3  }
0xc1: {  	[dreg:$0x1] =	wrdreg $0xFFFFFFFF  }
0xc2: {  	_ =	task.clear_ibuf [dreg:s7], $0x2FFFF;
	_ =	strace $0x9FFFFFFF  }
0xc3: {  	(tm) =	ssettm $0x7FFFFFFF  }
tec
execute0_lowered:
.L_overlay_start_1:
0x0: {  	(tag) =	ssettag $0x1  }
0x1: {  	s5 =	rddreg [dreg:$0x0]  }
0x2: {  	s6 =	rddreg [dreg:$0x1];
	s0 =	srdreg.scid  }
0x3: {  	s1 =	rddreg [dreg:$0x2];
	s2 =	stileid.u32  }
0x4: {  	s3 =	simm.s32 $0x0;
	s15 =	simm.s32 $0x80;
	s10 =	smul.u32 $0x1400, s2  }
0x5: {  	s16 =	simm.s32 $0xA000;
	s17 =	simm.s32 $0x1;
	s29 =	smul.u32 $0x29000, s2  }
0x6: {  	s7 =	sand.u32 $0x1, s0;
	s0 =	rddreg [dreg:$0x3];
	s12 =	smul.u32 $0xA00, s2  }
0x7: {  	s20 =	simm.s32 $0x0;
	[smem:$0x7FF] =	sst s3;
	s11 =	smul.u32 $0x28000, s2  }
0x8: {  	s4 =	sadd.s32 $0x17200, s5;
	s18 =	sshll.u32 s2, $0x6;
	s8 =	smul.u32 $0xA000, s7  }
0x9: {  	s9 =	smul.u32 $0x14000, s7;
	_ =	strace $0x8000004D;
	s30 =	ssub.s32 $0x2, s7  }
0xa: {  	s18 =	sor.u32 $0x1C02, s18;
	s7 =	sshrl.u32 s30, $0x1;
	s31 =	sshrl.u32 s11, $0x2  }
0xb: {  	s11 =	simm.s32 $0x2;
	s8 =	sadd.s32 s8, s5;
	s9 =	sadd.s32 s10, s9  }
0xc: {  	s10 =	sshrl.u32 s29, $0x2;
	s13 =	ssub.s32 s30, s7;
	s19 =	sadd.s32 s31, s1  }
0xd: {  	s9 =	sadd.s32 s9, s5;
	s5 =	sadd.s32 s6, s12;
	s6 =	sadd.s32 s10, s1  }
0xe: {  	s14 =	sadd.s32 $0x3200, s8;
	s19 =	sshrl.u32 s19, $0x3;
	s7 =	sadd.s32 $0x8000, s6  }
0xf: {  	s8 =	sadd.s32 $0x3E400, s9;
	s9 =	smax.u32 s13, $0x1;
	s10 =	sadd.s32 $0x4000, s6  }
0x10: {  	v0 =	vimm.f32 $0.0e+00;
	s12 =	sadd.s32 s12, s14;
	s13 =	simm.s32 $0x5000;
	s14 =	simm.s32 $0xE000  }
.LBB2_1:
0x11: {  	[tilespmem:s3], [sflag:$0x2] =	stream.linear.gather [hbm4b:s5+s3], $0x4E80, $0x38;
	[tilespmem:$0x1C400] =	vst v63  }
0x12: {  	_ =	swait.ge [sflag:s11], $0x4E80  }
0x13: {  	[sflag:s11] =	ssyncset.done $0x0  }
0x14: {  	[sflag:s11] =	ssyncadd.s32 $0xFFFFB180  }
0x15: {  	[tilespmem:s13], [sflag:$0x2] =	stream.linear.gather [hbm4b:s12+s3], $0x4E80, $0x38;
	[tilespmem:$0x1C400] =	vst v63  }
0x16: {  	_ =	swait.ge [sflag:s11], $0x4E80  }
0x17: {  	[sflag:s11] =	ssyncset.done $0x0  }
0x18: {  	s21 =	simm.s32 $0x0;
	s22 =	simm.s32 $0x200;
	[sflag:s11] =	ssyncadd.s32 $0xFFFFB180  }
.LBB2_2:
0x19: {  	p0 =	sne.s32 s22, $0xFE00;
	[tilespmem:s21+$0xE070] =	vst v0  }
0x1a: {  	[tilespmem:s21+$0xE000] =	vst v0  }
0x1b: {  	[tilespmem:s21+$0xE010] =	vst v0  }
.Ltmp0:
0x1c: {  	[tilespmem:s21+$0xE020] =	vst v0;
	(pc) =	sbr.rel @p0 .LBB2_2-.Ltmp0, $4  }
0x1d: {  	[tilespmem:s21+$0xE030] =	vst v0  }
0x1e: {  	[tilespmem:s21+$0xE040] =	vst v0  }
0x1f: {  	[tilespmem:s21+$0xE050] =	vst v0  }
0x20: {  	[tilespmem:s21+$0xE060] =	vst v0;
	s21 =	sshra.s32 s22, $0x2;
	s22 =	sadd.s32 $0x200, s22  }
0x21: {  	[tilespmem:s21+$0xE070] =	vst v0  }
0x22: {  	[tilespmem:s21+$0xE000] =	vst v0  }
0x23: {  	[tilespmem:s21+$0xE010] =	vst v0  }
0x24: {  	[tilespmem:s21+$0xE020] =	vst v0  }
0x25: {  	[tilespmem:s21+$0xE030] =	vst v0  }
0x26: {  	[tilespmem:s21+$0xE040] =	vst v0  }
0x27: {  	[tilespmem:s21+$0xE050] =	vst v0  }
0x28: {  	[tilespmem:s21+$0xE060] =	vst v0  }
0x29: {  	[spmem:s6] =	stream.linear.scatter [tilespmem:s14], [sflag:$0x2], $0x4000, $0x38;
	[tilespmem:$0x1C400] =	vst v63  }
0x2a: {  	_ =	swait.ge [sflag:s11], $0x4000  }
0x2b: {  	[sflag:s11] =	ssyncset.done $0x0  }
0x2c: {  	[sflag:s11] =	ssyncadd.s32 $0xFFFFC000  }
0x2d: {  	[spmem:s10] =	stream.linear.scatter [tilespmem:s14], [sflag:$0x2], $0x4000, $0x38;
	[tilespmem:$0x1C400] =	vst v63  }
0x2e: {  	_ =	swait.ge [sflag:s11], $0x4000  }
0x2f: {  	[sflag:s11] =	ssyncset.done $0x0  }
0x30: {  	[sflag:s11] =	ssyncadd.s32 $0xFFFFC000  }
0x31: {  	[spmem:s7] =	stream.linear.scatter [tilespmem:s14], [sflag:$0x2], $0x2400, $0x38;
	[tilespmem:$0x1C400] =	vst v63  }
0x32: {  	_ =	swait.ge [sflag:s11], $0x2400  }
0x33: {  	[sflag:s11] =	ssyncset.done $0x0  }
0x34: {  	[sflag:s11] =	ssyncadd.s32 $0xFFFFDC00  }
0x35: {  	s30 =	simm.s32 $0x0;
	[bflag:$0x0] =	sbarrier.arrive $0xFFFF  }
0x36: {  	[tilespmem:s16], [sflag:$0x1] =	stream.indirect.gather [hbm4b:s4+s15], $0x80, s30, s15, $0xb8;
	[tilespmem:$0x1C400] =	vst v63  }
0x37: {  	_ =	swait.ge [sflag:s17], $0x4000  }
0x38: {  	[sflag:s17] =	ssyncset.done $0x0  }
0x39: {  	s31 =	simm.s32 $0x5000;
	[sflag:s17] =	ssyncadd.s32 $0xFFFFC000  }
0x3a: {  	[spmem:s1] =	stream.indirect.scatter.add.f32 [tilespmem:s16], [sflag:$0x2], $0x80, s31, s15, $0xb8;
	[tilespmem:$0x1C400] =	vst v63  }
0x3b: {  	_ =	swait.ge [sflag:s11], $0x4000  }
0x3c: {  	s21 =	simm.s32 $0x200;
	s22 =	simm.s32 $0x400;
	[sflag:s11] =	ssyncset.done $0x0  }
.LBB2_4:
0x3d: {  	s23 =	sshra.s32 s21, $0x2  }
0x3e: {  	[sflag:s11] =	ssyncadd.s32 $0xFFFFC000;
	s21 =	smov.u32 s22;
	s24 =	sadd.s32 $0x200, s22  }
0x3f: {  	[tilespmem:s16], [sflag:$0x1] =	stream.indirect.gather [hbm4b:s4+s15], $0x80, s23, s15, $0xb8;
	[tilespmem:$0x1C400] =	vst v63  }
0x40: {  	p0 =	sne.s32 s22, $0x13800;
	_ =	swait.ge [sflag:s17], $0x4000  }
.Ltmp1:
0x41: {  	[sflag:s17] =	ssyncset.done $0x0;
	(pc) =	sbr.rel @p0 .LBB2_4-.Ltmp1, $4  }
0x42: {  	s22 =	sadd.s32 $0x5000, s23;
	[sflag:s17] =	ssyncadd.s32 $0xFFFFC000  }
0x43: {  	[spmem:s1] =	stream.indirect.scatter.add.f32 [tilespmem:s16], [sflag:$0x2], $0x80, s22, s15, $0xb8;
	[tilespmem:$0x1C400] =	vst v63  }
0x44: {  	_ =	swait.ge [sflag:s11], $0x4000  }
0x45: {  	s22 =	smov.u32 s24;
	[sflag:s11] =	ssyncset.done $0x0  }
0x46: {  	s21 =	sshra.s32 s21, $0x2;
	[sflag:s11] =	ssyncadd.s32 $0xFFFFC000  }
0x47: {  	[tilespmem:s16], [sflag:$0x1] =	stream.indirect.gather [hbm4b:s4+s15], $0x80, s21, s15, $0xb8;
	[tilespmem:$0x1C400] =	vst v63  }
0x48: {  	_ =	swait.ge [sflag:s17], $0x4000  }
0x49: {  	[sflag:s17] =	ssyncset.done $0x0  }
0x4a: {  	s21 =	sadd.s32 $0x5000, s21;
	[sflag:s17] =	ssyncadd.s32 $0xFFFFC000  }
0x4b: {  	[spmem:s1] =	stream.indirect.scatter.add.f32 [tilespmem:s16], [sflag:$0x2], $0x80, s21, s15, $0xb8;
	[tilespmem:$0x1C400] =	vst v63  }
0x4c: {  	_ =	swait.ge [sflag:s11], $0x4000  }
0x4d: {  	s20 =	sadd.s32 $0x1, s20;
	[sflag:s11] =	ssyncset.done $0x0  }
0x4e: {  	p0 =	sne.s32 s20, s9;
	[sflag:s11] =	ssyncadd.s32 $0xFFFFC000  }
.Ltmp2:
0x4f: {  	[bflag:$0x0] =	sbarrier.arrive $0xFFFF;
	(pc) =	sbr.rel @p0 .LBB2_1-.Ltmp2, $4  }
0x50: {  	[hbm:s8], [sflag:s18] =	dma.local [spmem:s19], $0x1400  }
0x51: {  	_ =	swait.ge [sflag:s11], $0x1400  }
0x52: {  	[sflag:s11] =	ssyncset.done $0x0  }
0x53: {  	[sflag:s11] =	ssyncadd.s32 $0xFFFFEC00  }
0x54: {  	_ =	sfence.sel $0x180000  }
0x55: {  	[bflag:$0x0] =	sbarrier.arrive $0xFFFF  }
0x56: {  	p0 =	sne.s32 s2, $0x0;
	_ =	strace $0x9000004D  }
0x57: {  	s0 =	sadd.s32 @!p0 $0x100000, s0;
	[bflag:$0x2] =	sbarrier.arrive $0xFFFF  }
0x58: {  	[sflag:s0] =	ssyncadd.tile.s32 @!p0 $0x1;
	_ =	shalt  }
.Lfunc_end2:
_tile_overlayer_lowered:
.L_overlay_start_2:
0x59: {  	(tag) =	ssettag $0x2  }
0x5a: {  	s0 =	rddreg [dreg:$0x0];
	s2 =	stileid.u32  }
0x5b: {  	s1 =	rddreg [dreg:$0x1];
	p0 =	sne.s32 s2, $0x0  }
0x5c: {  	s3 =	rddreg [dreg:$0x2];
	[bflag:$0x3] =	sbarrier.arrive $0xFFFF;
	s2 =	simm.s32 @!p0 $0x1C02  }
0x5d: {  	[timem:s3], [sflag:s2] =	dma.local @!p0 [hbm:s0], s1  }
0x5e: {  	s0 =	simm.s32 @!p0 $0x2  }
0x5f: {  	_ =	swait.ge @!p0 [sflag:s0], s1  }
0x60: {  	s1 =	ssub.s32 @!p0 $0x0, s1;
	[sflag:s0] =	ssyncset.done @!p0 $0x0  }
0x61: {  	[sflag:s0] =	ssyncadd.s32 @!p0 s1  }
0x62: {  	[bflag:$0x3] =	sbarrier.arrive $0xFFFF  }
0x63: {  	_ =	shalt  }

// kernel: kernel.21.cloned.1.call-start
scs
__scs_entry_jumppad:
0x0: {  	(pc) =	sbr.rel $0x88, $3  }
0x1: {  	(tag) =	ssettag $0x0;
	lr =	simm.s32 $0x1  }
0x2: {  	[smem:$0x3F99] =	sst lr;
	_ =	strace $0xD0000000  }
0x3: {  	_ = 	snop  }
0x4: {  	_ = 	snop  }
0x5: {  	_ = 	snop  }
0x6: {  	_ = 	snop  }
0x7: {  	_ = 	snop  }
__scs_overlays_trampoline_lowered:
0x8: {  	[smem:$0x3FA8] =	sst s0  }
0x9: {  	[smem:$0x3FA9] =	sst s1  }
0xa: {  	[smem:$0x3FAA] =	sst s2  }
0xb: {  	[smem:$0x3FAB] =	sst s3  }
0xc: {  	[smem:$0x3FAC] =	sst s4  }
0xd: {  	[smem:$0x3FAD] =	sst s5  }
0xe: {  	[smem:$0x3FAE] =	sst s6  }
0xf: {  	[smem:$0x3FAF] =	sst s7  }
0x10: {  	[smem:$0x3FB0] =	sst s8  }
0x11: {  	[smem:$0x3FB1] =	sst s9;
	s0 =	simm.s32 @!p0 $0x0  }
0x12: {  	s1 =	sld [smem:$0x3F97];
	s0 =	simm.s32 @p0 $0x1  }
0x13: {  	[smem:$0x3FB2] =	sst s0;
	s0 =	simm.s32 @!p1 $0x0  }
0x14: {  	s2 =	sld [smem:$0x3F96];
	s0 =	simm.s32 @p1 $0x1  }
0x15: {  	[smem:$0x3FB3] =	sst s0;
	s0 =	simm.s32 @!p2 $0x0  }
0x16: {  	s3 =	sld [smem:$0x3FDB];
	s0 =	simm.s32 @p2 $0x1  }
0x17: {  	s4 =	simm.s32 $0x1BF5;
	[smem:$0x3FB5] =	sst s0  }
0x18: {  	s0 =	sld [smem:$0x3F98];
	_ =	swait.ge [sflag:s4], $0x0  }
0x19: {  	s7 =	sld [smem:$0x3F99]  }
0x1a: {  	s8 =	sadd.s32 $0xFFFFE003, lr  }
0x1b: {  	s9 =	sadd.s32 $0xFFFFFEF7, lr;
	s5 =	simm.s32 $0xFFFFFFFF;
	p2 =	slt.u32 s8, $0xFFFFF086  }
0x1c: {  	p1 =	slt.u32 s9, $0xF7A;
	s5 =	simm.s32 @!p2 $0x0  }
0x1d: {  	s5 =	simm.s32 @p1 $0x1;
	p0 =	seq.s32 s7, s2  }
0x1e: {  	s7 =	smul.u32 @!p0 $0xF7A, s2;
	p2 =	seq.s32 @!p0 s5, $0x0  }
0x1f: {  	s9 =	smul.u32 $0xF7A, s1;
	s8 =	simm.s32 @!p0 $0x1BF5;
	p2 =	por !p2, p0  }
0x20: {  	[sflag:s8] =	ssyncset.s32 @!p0 $0xFFFFF086;
	s6 =	sadd.s32 @!p0 s3, s7;
	s7 =	simm.s32 @!p0 $0x108  }
0x21: {  	s3 =	sadd.s32 s3, s9;
	s6 =	sadd.s32 @!p0 $0x88, s6;
	s7 =	simm.s32 @p2 $0x1082  }
0x22: {  	[simem:s7], [sflag:s8] =	dma.local @!p0 [hbm:s6], $0xF7A  }
0x23: {  	s9 =	sor.u32 $0xD0000000, s2;
	s6 =	simm.s32 $0x108;
	_ =	swait.ge @!p0 [sflag:s8], $0x0  }
0x24: {  	s3 =	sadd.s32 $0x88, s3;
	s6 =	simm.s32 @!p1 $0x1082;
	[sflag:s4] =	ssyncset.s32 $0xFFFFF086  }
0x25: {  	[simem:s6], [sflag:s4] =	dma.local [hbm:s3], $0xF7A  }
0x26: {  	[smem:$0x3F99] =	sst s1;
	(tag) =	ssettag s2;
	_ =	strace s9  }
0x27: {  	s1 =	sld [smem:$0x3FA9]  }
0x28: {  	s2 =	sld [smem:$0x3FAA]  }
0x29: {  	s4 =	sld [smem:$0x3FAC]  }
0x2a: {  	p0 =	seq.s32 s5, $0x0;
	s5 =	sld [smem:$0x3FAD]  }
0x2b: {  	s6 =	sld [smem:$0x3FAE]  }
0x2c: {  	s7 =	sld [smem:$0x3FAF]  }
0x2d: {  	s3 =	simm.s32 $0x108;
	s8 =	sld [smem:$0x3FB0]  }
0x2e: {  	s3 =	simm.s32 @!p0 $0x1082;
	s9 =	sld [smem:$0x3FB1]  }
0x2f: {  	lr =	sadd.s32 s0, s3;
	s0 =	sld [smem:$0x3FA8]  }
0x30: {  	s3 =	sld [smem:$0x3FAB]  }
0x31: {  	[smem:$0x3FB4] =	sst s10  }
0x32: {  	s10 =	sld [smem:$0x3FB2];
	_ =	sdelay $0x3  }
0x33: {  	p0 =	seq.s32 s10, $0x1;
	s10 =	sld [smem:$0x3FB4];
	_ =	sdelay $0x3  }
0x34: {  	[smem:$0x3FB4] =	sst s10  }
0x35: {  	s10 =	sld [smem:$0x3FB3];
	_ =	sdelay $0x3  }
0x36: {  	p1 =	seq.s32 s10, $0x1;
	s10 =	sld [smem:$0x3FB4];
	_ =	sdelay $0x3  }
0x37: {  	[smem:$0x3FB4] =	sst s10  }
0x38: {  	s10 =	sld [smem:$0x3FB5]  }
0x39: {  	_ = 	snop;
	(pc) =	sbr.ind lr, $3  }
0x3a: {  	_ = 	snop  }
0x3b: {  	_ = 	snop  }
0x3c: {  	p2 =	seq.s32 s10, $0x1;
	s10 =	sld [smem:$0x3FB4]  }
0x3d: {  	_ =	shalt  }
0x3e: {  	_ =	shalt  }
0x3f: {  	_ =	shalt  }
0x40: {  	_ =	shalt  }
0x41: {  	_ =	shalt  }
0x42: {  	_ =	shalt  }
0x43: {  	_ =	shalt  }
0x44: {  	_ =	shalt  }
0x45: {  	_ =	shalt  }
0x46: {  	_ =	shalt  }
0x47: {  	_ =	shalt  }
0x48: {  	_ =	shalt  }
0x49: {  	_ =	shalt  }
0x4a: {  	_ =	shalt  }
0x4b: {  	_ =	shalt  }
0x4c: {  	_ =	shalt  }
0x4d: {  	_ =	shalt  }
0x4e: {  	_ =	shalt  }
0x4f: {  	_ =	shalt  }
0x50: {  	_ =	shalt  }
0x51: {  	_ =	shalt  }
0x52: {  	_ =	shalt  }
0x53: {  	_ =	shalt  }
0x54: {  	_ =	shalt  }
0x55: {  	_ =	shalt  }
0x56: {  	_ =	shalt  }
0x57: {  	_ =	shalt  }
0x58: {  	_ =	shalt  }
0x59: {  	_ =	shalt  }
0x5a: {  	_ =	shalt  }
0x5b: {  	_ =	shalt  }
0x5c: {  	_ =	shalt  }
0x5d: {  	_ =	shalt  }
0x5e: {  	_ =	shalt  }
0x5f: {  	_ =	shalt  }
0x60: {  	_ =	shalt  }
0x61: {  	_ =	shalt  }
0x62: {  	_ =	shalt  }
0x63: {  	_ =	shalt  }
0x64: {  	_ =	shalt  }
0x65: {  	_ =	shalt  }
0x66: {  	_ =	shalt  }
0x67: {  	_ =	shalt  }
0x68: {  	_ =	shalt  }
0x69: {  	_ =	shalt  }
0x6a: {  	_ =	shalt  }
0x6b: {  	_ =	shalt  }
0x6c: {  	_ =	shalt  }
0x6d: {  	_ =	shalt  }
0x6e: {  	_ =	shalt  }
0x6f: {  	_ =	shalt  }
0x70: {  	_ =	shalt  }
0x71: {  	_ =	shalt  }
0x72: {  	_ =	shalt  }
0x73: {  	_ =	shalt  }
0x74: {  	_ =	shalt  }
0x75: {  	_ =	shalt  }
0x76: {  	_ =	shalt  }
0x77: {  	_ =	shalt  }
0x78: {  	_ =	shalt  }
0x79: {  	_ =	shalt  }
0x7a: {  	_ =	shalt  }
0x7b: {  	_ =	shalt  }
0x7c: {  	_ =	shalt  }
0x7d: {  	_ =	shalt  }
0x7e: {  	_ =	shalt  }
0x7f: {  	_ =	shalt  }
0x80: {  	_ =	shalt  }
0x81: {  	_ =	shalt  }
0x82: {  	_ =	shalt  }
0x83: {  	_ =	shalt  }
0x84: {  	_ =	shalt  }
0x85: {  	_ =	shalt  }
0x86: {  	_ =	shalt  }
0x87: {  	_ =	shalt  }
.Lfunc_end0:
.L_simem_size_0:
called_computation.3_lowered:
.L_overlay_start_0:
0x88: {  	s2 =	sld [smem:$0x3FD9]  }
0x89: {  	s3 =	sld [smem:$0x3FFE];
	_ =	sdelay $0x1  }
0x8a: {  	s1 =	srdreg.scid  }
0x8b: {  	s0 =	sand.u32 $0x1, s1  }
0x8c: {  	s17 =	sshll.u32 s0, $0xA;
	s2 =	sadd.s32 s3, s2  }
0x8d: {  	s2 =	sadd.s32 s2, s17  }
0x8e: {  	[smem:$0x3FC0] =	sst s2  }
0x8f: {  	_ = 	snop  }
0x90: {  	s2 =	sld [smem:$0x3FD0];
	(tm) =	ssettm $0x1  }
0x91: {  	s18 =	sld [smem:$0x3FFB];
	_ =	sdelay $0x3  }
0x92: {  	_ =	strace s18  }
0x93: {  	s3 =	sld [smem:$0x3FFC];
	_ =	sdelay $0x3  }
0x94: {  	_ =	strace s3  }
0x95: {  	s3 =	sld [smem:$0x3FFD];
	_ =	sdelay $0x3  }
0x96: {  	_ =	strace s3  }
0x97: {  	_ =	strace $0x8FFFFFFF  }
0x98: {  	s19 =	sld [smem:$0x3FDB];
	_ =	sdelay $0x1  }
0x99: {  	s4 =	simm.s32 $_scs_section_size  }
0x9a: {  	s5 =	simm.s32 $_size__tile_overlayer_lowered;
	s6 =	simm.s32 $_tile_overlayer_lowered  }
0x9b: {  	s22 =	simm.s32 $0x1BFF;
	s21 =	sshll.u32 s6, $0x1;
	s3 =	sadd.s32 s4, s19  }
0x9c: {  	s7 =	simm.s32 $0x0;
	s20 =	sshll.u32 s5, $0x1;
	s5 =	sadd.s32 s21, s3  }
0x9d: {  	[timem:s7], [sflag:s22] =	dma.local [hbm:s5], s20  }
0x9e: {  	_ =	swait.ge [sflag:s22], s20  }
0x9f: {  	s4 =	ssub.s32 $0x0, s20;
	[sflag:s22] =	ssyncset.done $0x0  }
0xa0: {  	[sflag:s22] =	ssyncadd.s32 s4;
	_ =	sdelay $0x1  }
0xa1: {  	s23 =	simm.s32 $0x1B8B  }
0xa2: {  	_ =	swait.ge [sflag:s23], $0x1  }
0xa3: {  	[sflag:s23] =	ssyncset.done $0x0  }
0xa4: {  	s25 =	simm.s32 $0x1B8E;
	s24 =	sld [smem:$0x3FFE];
	[sflag:s23] =	ssyncadd.s32 $0xFFFFFFFF  }
0xa5: {  	s26 =	simm.s32 $execute0_lowered;
	[smem:$0x3FD2] =	sst s25  }
0xa6: {  	s5 =	sshll.u32 s26, $0x1;
	_ =	strace $0x8000004F;
	[dreg:$0x1] =	wrdreg $0xFFFFFFFF  }
0xa7: {  	s28 =	simm.s32 $_size_execute0_lowered;
	s3 =	sadd.s32 s3, s5;
	[dreg:$0x0] =	wrdreg $0x0  }
0xa8: {  	s5 =	sshll.u32 s28, $0x1;
	[dreg:$0x2] =	wrdreg s3  }
0xa9: {  	[dreg:$0x3] =	wrdreg s5  }
0xaa: {  	[dreg:$0x4] =	wrdreg $0xC0  }
0xab: {  	_ =	task [dreg:s7], $0x5FFFF  }
0xac: {  	[dreg:$0x1] =	wrdreg $0xFFFFFFFF  }
0xad: {  	[dreg:$0x0] =	wrdreg $0x60  }
0xae: {  	[dreg:$0x2] =	wrdreg s24  }
0xaf: {  	[dreg:$0x3] =	wrdreg s2  }
0xb0: {  	[dreg:$0x4] =	wrdreg $0x120000  }
0xb1: {  	[dreg:$0x5] =	wrdreg $0x9  }
0xb2: {  	_ =	task.clear_ibuf [dreg:s7], $0x6FFFF;
	_ =	strace $0x9000004F  }
0xb3: {  	s29 =	simm.s32 $0x9;
	_ =	strace $0x80000051  }
0xb4: {  	_ =	swait.ge [sflag:s29], $0x1  }
0xb5: {  	[sflag:s29] =	ssyncadd.s32 $0xFFFFFFFF  }
0xb6: {  	_ =	strace $0x90000051  }
0xb7: {  	_ =	sfence  }
0xb8: {  	s30 =	sld [smem:$0x0];
	_ =	sdelay $0x2  }
0xb9: {  	s31 =	sshll.u32 s1, $0xD;
	s1 =	sshrl.u32 s1, $0x2  }
0xba: {  	s3 =	sand.u32 $0x4000, s31;
	s1 =	sadd.s32 s1, s30  }
0xbb: {  	s0 =	sor.u32 s3, s0;
	s1 =	sshll.u32 s1, $0x11  }
0xbc: {  	s0 =	sor.u32 s1, s0  }
0xbd: {  	s0 =	sadd.s32 $0x8F2B, s0  }
0xbe: {  	[sflag:s0] =	ssyncadd.remote.s32 $0x1  }
0xbf: {  	_ =	sfence.sel $0xFFFF  }
0xc0: {  	[dreg:$0x0] =	wrdreg $0xFFFFFFFF;
	(pc) =	sbr.abs _section_cstart, $3  }
0xc1: {  	[dreg:$0x1] =	wrdreg $0xFFFFFFFF  }
0xc2: {  	_ =	task.clear_ibuf [dreg:s7], $0x2FFFF;
	_ =	strace $0x9FFFFFFF  }
0xc3: {  	(tm) =	ssettm $0x7FFFFFFF  }
tec
execute0_lowered:
.L_overlay_start_1:
0x0: {  	(tag) =	ssettag $0x1  }
0x1: {  	s5 =	rddreg [dreg:$0x0]  }
0x2: {  	s6 =	rddreg [dreg:$0x1];
	s0 =	srdreg.scid  }
0x3: {  	s1 =	rddreg [dreg:$0x2];
	s2 =	stileid.u32  }
0x4: {  	s3 =	simm.s32 $0x0;
	s15 =	simm.s32 $0x80;
	s10 =	smul.u32 $0x1400, s2  }
0x5: {  	s16 =	simm.s32 $0xA000;
	s17 =	simm.s32 $0x1;
	s29 =	smul.u32 $0x29000, s2  }
0x6: {  	s7 =	sand.u32 $0x1, s0;
	s0 =	rddreg [dreg:$0x3];
	s12 =	smul.u32 $0xA00, s2  }
0x7: {  	s20 =	simm.s32 $0x0;
	[smem:$0x7FF] =	sst s3;
	s11 =	smul.u32 $0x28000, s2  }
0x8: {  	s4 =	sadd.s32 $0x17200, s5;
	s18 =	sshll.u32 s2, $0x6;
	s8 =	smul.u32 $0xA000, s7  }
0x9: {  	s9 =	smul.u32 $0x14000, s7;
	_ =	strace $0x80000050;
	s30 =	ssub.s32 $0x2, s7  }
0xa: {  	s18 =	sor.u32 $0x1C02, s18;
	s7 =	sshrl.u32 s30, $0x1;
	s31 =	sshrl.u32 s11, $0x2  }
0xb: {  	s11 =	simm.s32 $0x2;
	s8 =	sadd.s32 s8, s5;
	s9 =	sadd.s32 s10, s9  }
0xc: {  	s10 =	sshrl.u32 s29, $0x2;
	s13 =	ssub.s32 s30, s7;
	s19 =	sadd.s32 s31, s1  }
0xd: {  	s9 =	sadd.s32 s9, s5;
	s5 =	sadd.s32 s6, s12;
	s6 =	sadd.s32 s10, s1  }
0xe: {  	s14 =	sadd.s32 $0x3200, s8;
	s19 =	sshrl.u32 s19, $0x3;
	s7 =	sadd.s32 $0x8000, s6  }
0xf: {  	s8 =	sadd.s32 $0x3E400, s9;
	s9 =	smax.u32 s13, $0x1;
	s10 =	sadd.s32 $0x4000, s6  }
0x10: {  	v0 =	vimm.f32 $0.0e+00;
	s12 =	sadd.s32 s12, s14;
	s13 =	simm.s32 $0x5000;
	s14 =	simm.s32 $0xE000  }
.LBB2_1:
0x11: {  	[tilespmem:s3], [sflag:$0x2] =	stream.linear.gather [hbm4b:s5+s3], $0x4E80, $0x38;
	[tilespmem:$0x1C400] =	vst v63  }
0x12: {  	_ =	swait.ge [sflag:s11], $0x4E80  }
0x13: {  	[sflag:s11] =	ssyncset.done $0x0  }
0x14: {  	[sflag:s11] =	ssyncadd.s32 $0xFFFFB180  }
0x15: {  	[tilespmem:s13], [sflag:$0x2] =	stream.linear.gather [hbm4b:s12+s3], $0x4E80, $0x38;
	[tilespmem:$0x1C400] =	vst v63  }
0x16: {  	_ =	swait.ge [sflag:s11], $0x4E80  }
0x17: {  	[sflag:s11] =	ssyncset.done $0x0  }
0x18: {  	s21 =	simm.s32 $0x0;
	s22 =	simm.s32 $0x200;
	[sflag:s11] =	ssyncadd.s32 $0xFFFFB180  }
.LBB2_2:
0x19: {  	p0 =	sne.s32 s22, $0xFE00;
	[tilespmem:s21+$0xE070] =	vst v0  }
0x1a: {  	[tilespmem:s21+$0xE000] =	vst v0  }
0x1b: {  	[tilespmem:s21+$0xE010] =	vst v0  }
.Ltmp0:
0x1c: {  	[tilespmem:s21+$0xE020] =	vst v0;
	(pc) =	sbr.rel @p0 .LBB2_2-.Ltmp0, $4  }
0x1d: {  	[tilespmem:s21+$0xE030] =	vst v0  }
0x1e: {  	[tilespmem:s21+$0xE040] =	vst v0  }
0x1f: {  	[tilespmem:s21+$0xE050] =	vst v0  }
0x20: {  	[tilespmem:s21+$0xE060] =	vst v0;
	s21 =	sshra.s32 s22, $0x2;
	s22 =	sadd.s32 $0x200, s22  }
0x21: {  	[tilespmem:s21+$0xE070] =	vst v0  }
0x22: {  	[tilespmem:s21+$0xE000] =	vst v0  }
0x23: {  	[tilespmem:s21+$0xE010] =	vst v0  }
0x24: {  	[tilespmem:s21+$0xE020] =	vst v0  }
0x25: {  	[tilespmem:s21+$0xE030] =	vst v0  }
0x26: {  	[tilespmem:s21+$0xE040] =	vst v0  }
0x27: {  	[tilespmem:s21+$0xE050] =	vst v0  }
0x28: {  	[tilespmem:s21+$0xE060] =	vst v0  }
0x29: {  	[spmem:s6] =	stream.linear.scatter [tilespmem:s14], [sflag:$0x2], $0x4000, $0x38;
	[tilespmem:$0x1C400] =	vst v63  }
0x2a: {  	_ =	swait.ge [sflag:s11], $0x4000  }
0x2b: {  	[sflag:s11] =	ssyncset.done $0x0  }
0x2c: {  	[sflag:s11] =	ssyncadd.s32 $0xFFFFC000  }
0x2d: {  	[spmem:s10] =	stream.linear.scatter [tilespmem:s14], [sflag:$0x2], $0x4000, $0x38;
	[tilespmem:$0x1C400] =	vst v63  }
0x2e: {  	_ =	swait.ge [sflag:s11], $0x4000  }
0x2f: {  	[sflag:s11] =	ssyncset.done $0x0  }
0x30: {  	[sflag:s11] =	ssyncadd.s32 $0xFFFFC000  }
0x31: {  	[spmem:s7] =	stream.linear.scatter [tilespmem:s14], [sflag:$0x2], $0x2400, $0x38;
	[tilespmem:$0x1C400] =	vst v63  }
0x32: {  	_ =	swait.ge [sflag:s11], $0x2400  }
0x33: {  	[sflag:s11] =	ssyncset.done $0x0  }
0x34: {  	[sflag:s11] =	ssyncadd.s32 $0xFFFFDC00  }
0x35: {  	s30 =	simm.s32 $0x0;
	[bflag:$0x0] =	sbarrier.arrive $0xFFFF  }
0x36: {  	[tilespmem:s16], [sflag:$0x1] =	stream.indirect.gather [hbm4b:s4+s15], $0x80, s30, s15, $0xb8;
	[tilespmem:$0x1C400] =	vst v63  }
0x37: {  	_ =	swait.ge [sflag:s17], $0x4000  }
0x38: {  	[sflag:s17] =	ssyncset.done $0x0  }
0x39: {  	s31 =	simm.s32 $0x5000;
	[sflag:s17] =	ssyncadd.s32 $0xFFFFC000  }
0x3a: {  	[spmem:s1] =	stream.indirect.scatter.add.f32 [tilespmem:s16], [sflag:$0x2], $0x80, s31, s15, $0xb8;
	[tilespmem:$0x1C400] =	vst v63  }
0x3b: {  	_ =	swait.ge [sflag:s11], $0x4000  }
0x3c: {  	s21 =	simm.s32 $0x200;
	s22 =	simm.s32 $0x400;
	[sflag:s11] =	ssyncset.done $0x0  }
.LBB2_4:
0x3d: {  	s23 =	sshra.s32 s21, $0x2  }
0x3e: {  	[sflag:s11] =	ssyncadd.s32 $0xFFFFC000;
	s21 =	smov.u32 s22;
	s24 =	sadd.s32 $0x200, s22  }
0x3f: {  	[tilespmem:s16], [sflag:$0x1] =	stream.indirect.gather [hbm4b:s4+s15], $0x80, s23, s15, $0xb8;
	[tilespmem:$0x1C400] =	vst v63  }
0x40: {  	p0 =	sne.s32 s22, $0x13800;
	_ =	swait.ge [sflag:s17], $0x4000  }
.Ltmp1:
0x41: {  	[sflag:s17] =	ssyncset.done $0x0;
	(pc) =	sbr.rel @p0 .LBB2_4-.Ltmp1, $4  }
0x42: {  	s22 =	sadd.s32 $0x5000, s23;
	[sflag:s17] =	ssyncadd.s32 $0xFFFFC000  }
0x43: {  	[spmem:s1] =	stream.indirect.scatter.add.f32 [tilespmem:s16], [sflag:$0x2], $0x80, s22, s15, $0xb8;
	[tilespmem:$0x1C400] =	vst v63  }
0x44: {  	_ =	swait.ge [sflag:s11], $0x4000  }
0x45: {  	s22 =	smov.u32 s24;
	[sflag:s11] =	ssyncset.done $0x0  }
0x46: {  	s21 =	sshra.s32 s21, $0x2;
	[sflag:s11] =	ssyncadd.s32 $0xFFFFC000  }
0x47: {  	[tilespmem:s16], [sflag:$0x1] =	stream.indirect.gather [hbm4b:s4+s15], $0x80, s21, s15, $0xb8;
	[tilespmem:$0x1C400] =	vst v63  }
0x48: {  	_ =	swait.ge [sflag:s17], $0x4000  }
0x49: {  	[sflag:s17] =	ssyncset.done $0x0  }
0x4a: {  	s21 =	sadd.s32 $0x5000, s21;
	[sflag:s17] =	ssyncadd.s32 $0xFFFFC000  }
0x4b: {  	[spmem:s1] =	stream.indirect.scatter.add.f32 [tilespmem:s16], [sflag:$0x2], $0x80, s21, s15, $0xb8;
	[tilespmem:$0x1C400] =	vst v63  }
0x4c: {  	_ =	swait.ge [sflag:s11], $0x4000  }
0x4d: {  	s20 =	sadd.s32 $0x1, s20;
	[sflag:s11] =	ssyncset.done $0x0  }
0x4e: {  	p0 =	sne.s32 s20, s9;
	[sflag:s11] =	ssyncadd.s32 $0xFFFFC000  }
.Ltmp2:
0x4f: {  	[bflag:$0x0] =	sbarrier.arrive $0xFFFF;
	(pc) =	sbr.rel @p0 .LBB2_1-.Ltmp2, $4  }
0x50: {  	[hbm:s8], [sflag:s18] =	dma.local [spmem:s19], $0x1400  }
0x51: {  	_ =	swait.ge [sflag:s11], $0x1400  }
0x52: {  	[sflag:s11] =	ssyncset.done $0x0  }
0x53: {  	[sflag:s11] =	ssyncadd.s32 $0xFFFFEC00  }
0x54: {  	_ =	sfence.sel $0x180000  }
0x55: {  	[bflag:$0x0] =	sbarrier.arrive $0xFFFF  }
0x56: {  	p0 =	sne.s32 s2, $0x0;
	_ =	strace $0x90000050  }
0x57: {  	s0 =	sadd.s32 @!p0 $0x100000, s0;
	[bflag:$0x2] =	sbarrier.arrive $0xFFFF  }
0x58: {  	[sflag:s0] =	ssyncadd.tile.s32 @!p0 $0x1;
	_ =	shalt  }
.Lfunc_end2:
_tile_overlayer_lowered:
.L_overlay_start_2:
0x59: {  	(tag) =	ssettag $0x2  }
0x5a: {  	s0 =	rddreg [dreg:$0x0];
	s2 =	stileid.u32  }
0x5b: {  	s1 =	rddreg [dreg:$0x1];
	p0 =	sne.s32 s2, $0x0  }
0x5c: {  	s3 =	rddreg [dreg:$0x2];
	[bflag:$0x3] =	sbarrier.arrive $0xFFFF;
	s2 =	simm.s32 @!p0 $0x1C02  }
0x5d: {  	[timem:s3], [sflag:s2] =	dma.local @!p0 [hbm:s0], s1  }
0x5e: {  	s0 =	simm.s32 @!p0 $0x2  }
0x5f: {  	_ =	swait.ge @!p0 [sflag:s0], s1  }
0x60: {  	s1 =	ssub.s32 @!p0 $0x0, s1;
	[sflag:s0] =	ssyncset.done @!p0 $0x0  }
0x61: {  	[sflag:s0] =	ssyncadd.s32 @!p0 s1  }
0x62: {  	[bflag:$0x3] =	sbarrier.arrive $0xFFFF  }
0x63: {  	_ =	shalt  }

</sc_bundles>
